<compile_context>
chip_gen: v7x
topology: tpu7x:2x2x1
jax: 0.10.2.dev20260603
libtpu: 0.0.44.dev20260713+nightly
codegen_flags: <defaults>
</compile_context>

<pallas_src>
import functools
import math

import jax
import jax.numpy as jnp
from jax import lax
from jax.experimental import pallas as pl
from jax.experimental.pallas import tpu as pltpu
from jax.experimental.pallas import tpu_sc as plsc

M_EPSILON = 1e-05
_HALF_PI = math.pi / 2.0

_S0, _S1, _S2, _S3 = (0.9999966, -0.16664824, 0.008306286, -0.00018362749)
_C0, _C1, _C2, _C3, _C4 = (
    0.99999994,
    -0.49999905,
    0.04166358,
    -0.0013853667,
    2.3153174e-05,
)


def _sin_poly(x, x2):
    return x * (_S0 + x2 * (_S1 + x2 * (_S2 + x2 * _S3)))


def _cos_poly(x2):
    return _C0 + x2 * (_C1 + x2 * (_C2 + x2 * (_C3 + x2 * _C4)))


def _vmf_terms(lam, kappa, theta, phi, w0, w1, w2):
    lambdas = jnp.maximum(lam, 0.0) + 1e-06

    x = theta - _HALF_PI
    x2 = x * x
    st = _cos_poly(x2)
    nct = _sin_poly(x, x2)

    y = phi * 0.5 - _HALF_PI
    y2 = y * y
    sy = _sin_poly(y, y2)
    cy = _cos_poly(y2)
    nsp = 2.0 * sy * cy
    cp = 2.0 * (sy * sy) - 1.0

    dots = st * (cp * w0 - nsp * w1) - nct * w2

    safe = jnp.maximum(kappa, 1e-06)
    denom = (2.0 * math.pi) * (1.0 - jnp.exp(-2.0 * safe))
    return lambdas * ((safe / denom) * jnp.exp(kappa * (dots - 1.0))), lambdas



_BLOCK_L = 2048
_KT = 8


def _tc_body(lam_ref, kappa_ref, theta_ref, phi_ref, w0_ref, w1_ref, w2_ref, out_ref):
    w0 = w0_ref[...][None, :]
    w1 = w1_ref[...][None, :]
    w2 = w2_ref[...][None, :]

    k = lam_ref.shape[0]
    num8 = jnp.zeros((_KT, _BLOCK_L), jnp.float32)
    den8 = jnp.zeros((_KT, _BLOCK_L), jnp.float32)
    for t in range(k // _KT):
        sl = slice(t * _KT, (t + 1) * _KT)
        numt, dent = _vmf_terms(
            lam_ref[sl, :], kappa_ref[sl, :], theta_ref[sl, :], phi_ref[sl, :],
            w0, w1, w2,
        )
        num8 = num8 + numt
        den8 = den8 + dent

    num = jnp.sum(num8, axis=0)
    den = jnp.maximum(jnp.sum(den8, axis=0), M_EPSILON)
    out_ref[...] = num / den



_NW = 32
_SC_COLS = 2048
_CHUNK = _SC_COLS // _NW


def _make_sc_kernel(b, k):
    mesh = plsc.VectorSubcoreMesh(core_axis_name="c", subcore_axis_name="s")

    @functools.partial(
        pl.kernel,
        mesh=mesh,
        out_type=jax.ShapeDtypeStruct((_SC_COLS,), jnp.float32),
        scratch_types=[
            pltpu.VMEM((k, 2 * _CHUNK), jnp.float32),
            pltpu.VMEM((k, 2 * _CHUNK), jnp.float32),
            pltpu.VMEM((k, 2 * _CHUNK), jnp.float32),
            pltpu.VMEM((k, 2 * _CHUNK), jnp.float32),
            pltpu.VMEM((_CHUNK,), jnp.float32),
            pltpu.VMEM((_CHUNK,), jnp.float32),
            pltpu.VMEM((_CHUNK,), jnp.float32),
            pltpu.VMEM((_CHUNK,), jnp.float32),
        ],
    )
    def sck(lam_h, kappa_h, theta_h, phi_h, w0_h, w1_h, w2_h, out_h,
            lam_v, kappa_v, theta_v, phi_v, w0_v, w1_v, w2_v, out_v):
        wid = lax.axis_index("s") * 2 + lax.axis_index("c")
        slab0 = (wid // 2) * (2 * _CHUNK)
        half = (wid % 2) * _CHUNK
        col0 = slab0 + half
        pltpu.sync_copy(lam_h.at[:, pl.ds(slab0, 2 * _CHUNK)], lam_v)
        pltpu.sync_copy(kappa_h.at[:, pl.ds(slab0, 2 * _CHUNK)], kappa_v)
        pltpu.sync_copy(theta_h.at[:, pl.ds(slab0, 2 * _CHUNK)], theta_v)
        pltpu.sync_copy(phi_h.at[:, pl.ds(slab0, 2 * _CHUNK)], phi_v)
        pltpu.sync_copy(w0_h.at[pl.ds(col0, _CHUNK)], w0_v)
        pltpu.sync_copy(w1_h.at[pl.ds(col0, _CHUNK)], w1_v)
        pltpu.sync_copy(w2_h.at[pl.ds(col0, _CHUNK)], w2_v)
        for gg in range(_CHUNK // 16):
            w0r = w0_v[pl.ds(gg * 16, 16)]
            w1r = w1_v[pl.ds(gg * 16, 16)]
            w2r = w2_v[pl.ds(gg * 16, 16)]

            def body(kk, carry):
                num, den = carry
                numt, dent = _vmf_terms(
                    lam_v[kk, pl.ds(half + gg * 16, 16)],
                    kappa_v[kk, pl.ds(half + gg * 16, 16)],
                    theta_v[kk, pl.ds(half + gg * 16, 16)],
                    phi_v[kk, pl.ds(half + gg * 16, 16)],
                    w0r, w1r, w2r,
                )
                return num + numt, den + dent

            num, den = lax.fori_loop(
                0, k, body,
                (jnp.zeros((16,), jnp.float32), jnp.zeros((16,), jnp.float32)),
            )
            out_v[pl.ds(gg * 16, 16)] = num / jnp.maximum(den, M_EPSILON)
        pltpu.sync_copy(out_v, out_h.at[pl.ds(col0, _CHUNK)])

    return sck




def kernel(lam, kappa, theta, phi, wi):
    b, k = lam.shape
    lam_t = lam.T
    kappa_t = kappa.T
    theta_t = theta.T
    phi_t = phi.T
    w0 = wi[:, 0]
    w1 = wi[:, 1]
    w2 = wi[:, 2]

    sc_out = _make_sc_kernel(b, k)(lam_t, kappa_t, theta_t, phi_t, w0, w1, w2)

    tc_cols = b - _SC_COLS
    off = _SC_COLS // _BLOCK_L
    grid = (tc_cols // _BLOCK_L,)
    kb_spec = pl.BlockSpec((k, _BLOCK_L), lambda i: (0, i + off))
    w_spec = pl.BlockSpec((_BLOCK_L,), lambda i: (i + off,))

    tc_out = pl.pallas_call(
        _tc_body,
        grid=grid,
        in_specs=[kb_spec, kb_spec, kb_spec, kb_spec, w_spec, w_spec, w_spec],
        out_specs=pl.BlockSpec((_BLOCK_L,), lambda i: (i,)),
        out_shape=jax.ShapeDtypeStruct((tc_cols,), jnp.float32),
    )(lam_t, kappa_t, theta_t, phi_t, w0, w1, w2)

    return jnp.concatenate([sc_out, tc_out])

# --- scband reference (transcript-rebuilt; emitter-appended) ---
"""Pipeline reference for scband-batched-mixed-spherical-gaussian-distribution-61254823575951 (READ-ONLY COPY).

The authoritative reference and input builder live on the scoring server;
editing this copy changes nothing except your own understanding.
"""

import jax, jax.numpy as jnp
import numpy as np
import math

M_EPSILON = 1e-05
B = 16384
K = 64

def spherical_to_cartesian(theta, phi):
    st = jnp.sin(theta)
    return jnp.stack([st * jnp.cos(phi), st * jnp.sin(phi), jnp.cos(theta)], axis=-1)

def setup_inputs(seed: int = 0):
    key = jax.random.key(seed)
    k1, k2, k3, k4, k5 = jax.random.split(key, 5)
    wi = jax.random.normal(k1, (B, 3), dtype=jnp.float32)
    wi = wi / jnp.linalg.norm(wi, axis=1, keepdims=True)
    lam = jax.random.uniform(k2, (B, K), dtype=jnp.float32)
    kappa = jax.random.uniform(k3, (B, K), dtype=jnp.float32) * 100.0
    theta = jax.random.uniform(k4, (B, K), dtype=jnp.float32) * math.pi
    phi = jax.random.uniform(k5, (B, K), dtype=jnp.float32) * 2.0 * math.pi
    return {"lam": lam, "kappa": kappa, "theta": theta, "phi": phi, "wi": wi}

def reference(lam, kappa, theta, phi, wi):
    # __init__: relu + epsilon, mixture weight normalization
    lambdas = jax.nn.relu(lam) + 1e-06
    total = jnp.clip(jnp.sum(lambdas, axis=1), M_EPSILON, None)
    weights = lambdas / total[:, None]
    # _get_lobe_pdfs
    mus = spherical_to_cartesian(theta, phi)              # [B, K, 3]
    dots = jnp.sum(mus * wi[:, None, :], axis=2)          # [B, K]
    is_small = kappa < 1e-05
    safe_kappas = jnp.clip(kappa, 1e-06, None)
    denom = 2.0 * math.pi * (1.0 - jnp.exp(-2.0 * safe_kappas))
    denom = jnp.where(is_small, 1.0, denom)
    C_kappa = safe_kappas / denom
    C_kappa = jnp.where(is_small, 1.0 / (4.0 * math.pi), C_kappa)
    exp_term = jnp.exp(kappa * (dots - 1.0))
    lobe_pdfs = C_kappa * exp_term
    # pdf()
    return jnp.sum(weights * lobe_pdfs, axis=1)

if __name__ == "__main__":
    import jax
    _d = setup_inputs()
    print(jax.jit(kernel)(*tuple(_d.values())))

</pallas_src>

<mosaic_0001>
#map = affine_map<(d0, d1) -> (0, 0)>
#map1 = affine_map<(d0, d1) -> (0)>
module attributes {stable_mosaic.version = 14 : i64} {
  func.func @sck(%arg0: i32, %arg1: i32, %arg2: memref<64x16384xf32, #tpu.memory_space<hbm>>, %arg3: memref<64x16384xf32, #tpu.memory_space<hbm>>, %arg4: memref<64x16384xf32, #tpu.memory_space<hbm>>, %arg5: memref<64x16384xf32, #tpu.memory_space<hbm>>, %arg6: memref<16384xf32, #tpu.memory_space<hbm>>, %arg7: memref<16384xf32, #tpu.memory_space<hbm>>, %arg8: memref<16384xf32, #tpu.memory_space<hbm>>, %arg9: memref<2048xf32, #tpu.memory_space<hbm>>, %arg10: memref<64x128xf32, #tpu.memory_space<vmem>>, %arg11: memref<64x128xf32, #tpu.memory_space<vmem>>, %arg12: memref<64x128xf32, #tpu.memory_space<vmem>>, %arg13: memref<64x128xf32, #tpu.memory_space<vmem>>, %arg14: memref<64xf32, #tpu.memory_space<vmem>>, %arg15: memref<64xf32, #tpu.memory_space<vmem>>, %arg16: memref<64xf32, #tpu.memory_space<vmem>>, %arg17: memref<64xf32, #tpu.memory_space<vmem>>) attributes {dimension_semantics = [#tpu.dimension_semantics<core_parallel>, #tpu.dimension_semantics<subcore_parallel>], iteration_bounds = array<i64: 2, 16>, scalar_prefetch = 0 : i64, scratch_operands = 8 : i64, tpu.core_type = #tpu.core_type<sc_vector_subcore>, window_params = [{transform_indices = #map}, {transform_indices = #map}, {transform_indices = #map}, {transform_indices = #map}, {transform_indices = #map1}, {transform_indices = #map1}, {transform_indices = #map1}, {transform_indices = #map1}]} {
    %mul3A = arith.constant 2 : i32
    %mul3A_0 = arith.muli %arg1, %mul3A : i32
    %add3A = arith.addi %mul3A_0, %arg0 : i32
    %jit3A = arith.constant 2 : i32
    %div3A = arith.divsi %add3A, %jit3A : i32
    %sign3A = arith.constant 0 : i32
    %sign3A_1 = arith.cmpi sgt, %add3A, %sign3A : i32
    %sign3A_2 = arith.extui %sign3A_1 : i1 to i32
    %sign3A_3 = arith.constant 0 : i32
    %sign3A_4 = arith.cmpi slt, %add3A, %sign3A_3 : i32
    %sign3A_5 = arith.extui %sign3A_4 : i1 to i32
    %sign3A_6 = arith.subi %sign3A_2, %sign3A_5 : i32
    %sign3A_7 = arith.constant 0 : i32
    %sign3A_8 = arith.cmpi sgt, %jit3A, %sign3A_7 : i32
    %sign3A_9 = arith.extui %sign3A_8 : i1 to i32
    %sign3A_10 = arith.constant 0 : i32
    %sign3A_11 = arith.cmpi slt, %jit3A, %sign3A_10 : i32
    %sign3A_12 = arith.extui %sign3A_11 : i1 to i32
    %sign3A_13 = arith.subi %sign3A_9, %sign3A_12 : i32
    %ne3A = arith.cmpi ne, %sign3A_6, %sign3A_13 : i32
    %rem3A = arith.remsi %add3A, %jit3A : i32
    %ne3A_14 = arith.constant 0 : i32
    %ne3A_15 = arith.cmpi ne, %rem3A, %ne3A_14 : i32
    %and3A = arith.andi %ne3A, %ne3A_15 : i1
    %sub3A = arith.constant 1 : i32
    %sub3A_16 = arith.subi %div3A, %sub3A : i32
    %select_n3A = arith.select %and3A, %sub3A_16, %div3A : i32
    %mul3A_17 = arith.constant 128 : i32
    %mul3A_18 = arith.muli %select_n3A, %mul3A_17 : i32
    %jit3A_19 = arith.constant 2 : i32
    %eq3A = arith.constant 0 : i32
    %eq3A_20 = arith.cmpi eq, %jit3A_19, %eq3A : i32
    %jit3A_21 = arith.constant 1 : i32
    %select_n3A_22 = arith.select %eq3A_20, %jit3A_21, %jit3A_19 : i32
    %rem3A_23 = arith.remsi %add3A, %select_n3A_22 : i32
    %ne3A_24 = arith.constant 0 : i32
    %ne3A_25 = arith.cmpi ne, %rem3A_23, %ne3A_24 : i32
    %lt3A = arith.constant 0 : i32
    %lt3A_26 = arith.cmpi slt, %rem3A_23, %lt3A : i32
    %lt3A_27 = arith.constant 0 : i32
    %lt3A_28 = arith.cmpi slt, %select_n3A_22, %lt3A_27 : i32
    %ne3A_29 = arith.xori %lt3A_26, %lt3A_28 : i1
    %and3A_30 = arith.andi %ne3A_29, %ne3A_25 : i1
    %add3A_31 = arith.addi %rem3A_23, %select_n3A_22 : i32
    %select_n3A_32 = arith.select %and3A_30, %add3A_31, %rem3A_23 : i32
    %mul3A_33 = arith.constant 64 : i32
    %mul3A_34 = arith.muli %select_n3A_32, %mul3A_33 : i32
    %add3A_35 = arith.addi %mul3A_18, %mul3A_34 : i32
    "tpu.region"() ({
      %run_scoped3A = tpu.sem_alloc : memref<!tpu.dma_semaphore, #tpu.memory_space<semaphore_mem>>
      %dma_start3A = arith.constant 0 : i32
      %dma_start3A_139 = tpu.memref_slice %arg2[%dma_start3A, %mul3A_18] : memref<64x16384xf32, #tpu.memory_space<hbm>> -> memref<64x128xf32, #tpu.memory_space<hbm>>
      %dma_start3A_140 = arith.constant 0 : i32
      %dma_start3A_141 = tpu.memref_slice %arg2[%dma_start3A_140, %mul3A_18] : memref<64x16384xf32, #tpu.memory_space<hbm>> -> memref<64x128xf32, #tpu.memory_space<hbm>>
      tpu.enqueue_dma source(%dma_start3A_141 : memref<64x128xf32, #tpu.memory_space<hbm>>) target(%arg10 : memref<64x128xf32, #tpu.memory_space<vmem>>) target_semaphore(%run_scoped3A : memref<!tpu.dma_semaphore, #tpu.memory_space<semaphore_mem>>)
      %dma_wait3A = arith.constant 0 : i32
      %dma_wait3A_142 = tpu.memref_slice %arg2[%dma_wait3A, %mul3A_18] : memref<64x16384xf32, #tpu.memory_space<hbm>> -> memref<64x128xf32, #tpu.memory_space<hbm>>
      %dma_wait3A_143 = arith.constant 0 : i32
      %dma_wait3A_144 = tpu.memref_slice %arg2[%dma_wait3A_143, %mul3A_18] : memref<64x16384xf32, #tpu.memory_space<hbm>> -> memref<64x128xf32, #tpu.memory_space<hbm>>
      tpu.wait_dma2 semaphore(%run_scoped3A : memref<!tpu.dma_semaphore, #tpu.memory_space<semaphore_mem>>) src(%dma_wait3A_144 : memref<64x128xf32, #tpu.memory_space<hbm>>) dst(%arg10 : memref<64x128xf32, #tpu.memory_space<vmem>>)
      tpu.yield
    }) : () -> ()
    "tpu.region"() ({
      %run_scoped3A = tpu.sem_alloc : memref<!tpu.dma_semaphore, #tpu.memory_space<semaphore_mem>>
      %dma_start3A = arith.constant 0 : i32
      %dma_start3A_139 = tpu.memref_slice %arg3[%dma_start3A, %mul3A_18] : memref<64x16384xf32, #tpu.memory_space<hbm>> -> memref<64x128xf32, #tpu.memory_space<hbm>>
      %dma_start3A_140 = arith.constant 0 : i32
      %dma_start3A_141 = tpu.memref_slice %arg3[%dma_start3A_140, %mul3A_18] : memref<64x16384xf32, #tpu.memory_space<hbm>> -> memref<64x128xf32, #tpu.memory_space<hbm>>
      tpu.enqueue_dma source(%dma_start3A_141 : memref<64x128xf32, #tpu.memory_space<hbm>>) target(%arg11 : memref<64x128xf32, #tpu.memory_space<vmem>>) target_semaphore(%run_scoped3A : memref<!tpu.dma_semaphore, #tpu.memory_space<semaphore_mem>>)
      %dma_wait3A = arith.constant 0 : i32
      %dma_wait3A_142 = tpu.memref_slice %arg3[%dma_wait3A, %mul3A_18] : memref<64x16384xf32, #tpu.memory_space<hbm>> -> memref<64x128xf32, #tpu.memory_space<hbm>>
      %dma_wait3A_143 = arith.constant 0 : i32
      %dma_wait3A_144 = tpu.memref_slice %arg3[%dma_wait3A_143, %mul3A_18] : memref<64x16384xf32, #tpu.memory_space<hbm>> -> memref<64x128xf32, #tpu.memory_space<hbm>>
      tpu.wait_dma2 semaphore(%run_scoped3A : memref<!tpu.dma_semaphore, #tpu.memory_space<semaphore_mem>>) src(%dma_wait3A_144 : memref<64x128xf32, #tpu.memory_space<hbm>>) dst(%arg11 : memref<64x128xf32, #tpu.memory_space<vmem>>)
      tpu.yield
    }) : () -> ()
    "tpu.region"() ({
      %run_scoped3A = tpu.sem_alloc : memref<!tpu.dma_semaphore, #tpu.memory_space<semaphore_mem>>
      %dma_start3A = arith.constant 0 : i32
      %dma_start3A_139 = tpu.memref_slice %arg4[%dma_start3A, %mul3A_18] : memref<64x16384xf32, #tpu.memory_space<hbm>> -> memref<64x128xf32, #tpu.memory_space<hbm>>
      %dma_start3A_140 = arith.constant 0 : i32
      %dma_start3A_141 = tpu.memref_slice %arg4[%dma_start3A_140, %mul3A_18] : memref<64x16384xf32, #tpu.memory_space<hbm>> -> memref<64x128xf32, #tpu.memory_space<hbm>>
      tpu.enqueue_dma source(%dma_start3A_141 : memref<64x128xf32, #tpu.memory_space<hbm>>) target(%arg12 : memref<64x128xf32, #tpu.memory_space<vmem>>) target_semaphore(%run_scoped3A : memref<!tpu.dma_semaphore, #tpu.memory_space<semaphore_mem>>)
      %dma_wait3A = arith.constant 0 : i32
      %dma_wait3A_142 = tpu.memref_slice %arg4[%dma_wait3A, %mul3A_18] : memref<64x16384xf32, #tpu.memory_space<hbm>> -> memref<64x128xf32, #tpu.memory_space<hbm>>
      %dma_wait3A_143 = arith.constant 0 : i32
      %dma_wait3A_144 = tpu.memref_slice %arg4[%dma_wait3A_143, %mul3A_18] : memref<64x16384xf32, #tpu.memory_space<hbm>> -> memref<64x128xf32, #tpu.memory_space<hbm>>
      tpu.wait_dma2 semaphore(%run_scoped3A : memref<!tpu.dma_semaphore, #tpu.memory_space<semaphore_mem>>) src(%dma_wait3A_144 : memref<64x128xf32, #tpu.memory_space<hbm>>) dst(%arg12 : memref<64x128xf32, #tpu.memory_space<vmem>>)
      tpu.yield
    }) : () -> ()
    "tpu.region"() ({
      %run_scoped3A = tpu.sem_alloc : memref<!tpu.dma_semaphore, #tpu.memory_space<semaphore_mem>>
      %dma_start3A = arith.constant 0 : i32
      %dma_start3A_139 = tpu.memref_slice %arg5[%dma_start3A, %mul3A_18] : memref<64x16384xf32, #tpu.memory_space<hbm>> -> memref<64x128xf32, #tpu.memory_space<hbm>>
      %dma_start3A_140 = arith.constant 0 : i32
      %dma_start3A_141 = tpu.memref_slice %arg5[%dma_start3A_140, %mul3A_18] : memref<64x16384xf32, #tpu.memory_space<hbm>> -> memref<64x128xf32, #tpu.memory_space<hbm>>
      tpu.enqueue_dma source(%dma_start3A_141 : memref<64x128xf32, #tpu.memory_space<hbm>>) target(%arg13 : memref<64x128xf32, #tpu.memory_space<vmem>>) target_semaphore(%run_scoped3A : memref<!tpu.dma_semaphore, #tpu.memory_space<semaphore_mem>>)
      %dma_wait3A = arith.constant 0 : i32
      %dma_wait3A_142 = tpu.memref_slice %arg5[%dma_wait3A, %mul3A_18] : memref<64x16384xf32, #tpu.memory_space<hbm>> -> memref<64x128xf32, #tpu.memory_space<hbm>>
      %dma_wait3A_143 = arith.constant 0 : i32
      %dma_wait3A_144 = tpu.memref_slice %arg5[%dma_wait3A_143, %mul3A_18] : memref<64x16384xf32, #tpu.memory_space<hbm>> -> memref<64x128xf32, #tpu.memory_space<hbm>>
      tpu.wait_dma2 semaphore(%run_scoped3A : memref<!tpu.dma_semaphore, #tpu.memory_space<semaphore_mem>>) src(%dma_wait3A_144 : memref<64x128xf32, #tpu.memory_space<hbm>>) dst(%arg13 : memref<64x128xf32, #tpu.memory_space<vmem>>)
      tpu.yield
    }) : () -> ()
    "tpu.region"() ({
      %run_scoped3A = tpu.sem_alloc : memref<!tpu.dma_semaphore, #tpu.memory_space<semaphore_mem>>
      %dma_start3A = tpu.memref_slice %arg6[%add3A_35] : memref<16384xf32, #tpu.memory_space<hbm>> -> memref<64xf32, #tpu.memory_space<hbm>>
      %dma_start3A_139 = tpu.memref_slice %arg6[%add3A_35] : memref<16384xf32, #tpu.memory_space<hbm>> -> memref<64xf32, #tpu.memory_space<hbm>>
      tpu.enqueue_dma source(%dma_start3A_139 : memref<64xf32, #tpu.memory_space<hbm>>) target(%arg14 : memref<64xf32, #tpu.memory_space<vmem>>) target_semaphore(%run_scoped3A : memref<!tpu.dma_semaphore, #tpu.memory_space<semaphore_mem>>)
      %dma_wait3A = tpu.memref_slice %arg6[%add3A_35] : memref<16384xf32, #tpu.memory_space<hbm>> -> memref<64xf32, #tpu.memory_space<hbm>>
      %dma_wait3A_140 = tpu.memref_slice %arg6[%add3A_35] : memref<16384xf32, #tpu.memory_space<hbm>> -> memref<64xf32, #tpu.memory_space<hbm>>
      tpu.wait_dma2 semaphore(%run_scoped3A : memref<!tpu.dma_semaphore, #tpu.memory_space<semaphore_mem>>) src(%dma_wait3A_140 : memref<64xf32, #tpu.memory_space<hbm>>) dst(%arg14 : memref<64xf32, #tpu.memory_space<vmem>>)
      tpu.yield
    }) : () -> ()
    "tpu.region"() ({
      %run_scoped3A = tpu.sem_alloc : memref<!tpu.dma_semaphore, #tpu.memory_space<semaphore_mem>>
      %dma_start3A = tpu.memref_slice %arg7[%add3A_35] : memref<16384xf32, #tpu.memory_space<hbm>> -> memref<64xf32, #tpu.memory_space<hbm>>
      %dma_start3A_139 = tpu.memref_slice %arg7[%add3A_35] : memref<16384xf32, #tpu.memory_space<hbm>> -> memref<64xf32, #tpu.memory_space<hbm>>
      tpu.enqueue_dma source(%dma_start3A_139 : memref<64xf32, #tpu.memory_space<hbm>>) target(%arg15 : memref<64xf32, #tpu.memory_space<vmem>>) target_semaphore(%run_scoped3A : memref<!tpu.dma_semaphore, #tpu.memory_space<semaphore_mem>>)
      %dma_wait3A = tpu.memref_slice %arg7[%add3A_35] : memref<16384xf32, #tpu.memory_space<hbm>> -> memref<64xf32, #tpu.memory_space<hbm>>
      %dma_wait3A_140 = tpu.memref_slice %arg7[%add3A_35] : memref<16384xf32, #tpu.memory_space<hbm>> -> memref<64xf32, #tpu.memory_space<hbm>>
      tpu.wait_dma2 semaphore(%run_scoped3A : memref<!tpu.dma_semaphore, #tpu.memory_space<semaphore_mem>>) src(%dma_wait3A_140 : memref<64xf32, #tpu.memory_space<hbm>>) dst(%arg15 : memref<64xf32, #tpu.memory_space<vmem>>)
      tpu.yield
    }) : () -> ()
    "tpu.region"() ({
      %run_scoped3A = tpu.sem_alloc : memref<!tpu.dma_semaphore, #tpu.memory_space<semaphore_mem>>
      %dma_start3A = tpu.memref_slice %arg8[%add3A_35] : memref<16384xf32, #tpu.memory_space<hbm>> -> memref<64xf32, #tpu.memory_space<hbm>>
      %dma_start3A_139 = tpu.memref_slice %arg8[%add3A_35] : memref<16384xf32, #tpu.memory_space<hbm>> -> memref<64xf32, #tpu.memory_space<hbm>>
      tpu.enqueue_dma source(%dma_start3A_139 : memref<64xf32, #tpu.memory_space<hbm>>) target(%arg16 : memref<64xf32, #tpu.memory_space<vmem>>) target_semaphore(%run_scoped3A : memref<!tpu.dma_semaphore, #tpu.memory_space<semaphore_mem>>)
      %dma_wait3A = tpu.memref_slice %arg8[%add3A_35] : memref<16384xf32, #tpu.memory_space<hbm>> -> memref<64xf32, #tpu.memory_space<hbm>>
      %dma_wait3A_140 = tpu.memref_slice %arg8[%add3A_35] : memref<16384xf32, #tpu.memory_space<hbm>> -> memref<64xf32, #tpu.memory_space<hbm>>
      tpu.wait_dma2 semaphore(%run_scoped3A : memref<!tpu.dma_semaphore, #tpu.memory_space<semaphore_mem>>) src(%dma_wait3A_140 : memref<64xf32, #tpu.memory_space<hbm>>) dst(%arg16 : memref<64xf32, #tpu.memory_space<vmem>>)
      tpu.yield
    }) : () -> ()
    %get3A = arith.constant 0 : index
    %get3A_36 = tpu.vector_load %arg14[%get3A] {strides = array<i32>} : memref<64xf32, #tpu.memory_space<vmem>>, vector<16xf32>,
    %get3A_37 = vector.shape_cast %get3A_36 : vector<16xf32> to vector<16xf32>
    %get3A_38 = arith.constant 0 : index
    %get3A_39 = tpu.vector_load %arg15[%get3A_38] {strides = array<i32>} : memref<64xf32, #tpu.memory_space<vmem>>, vector<16xf32>,
    %get3A_40 = vector.shape_cast %get3A_39 : vector<16xf32> to vector<16xf32>
    %get3A_41 = arith.constant 0 : index
    %get3A_42 = tpu.vector_load %arg16[%get3A_41] {strides = array<i32>} : memref<64xf32, #tpu.memory_space<vmem>>, vector<16xf32>,
    %get3A_43 = vector.shape_cast %get3A_42 : vector<16xf32> to vector<16xf32>
    %broadcast_in_dim3A = arith.constant 0.000000e+00 : f32
    %broadcast_in_dim3A_44 = vector.broadcast %broadcast_in_dim3A : f32 to vector<16xf32>
    %broadcast_in_dim3A_45 = arith.constant 0.000000e+00 : f32
    %broadcast_in_dim3A_46 = vector.broadcast %broadcast_in_dim3A_45 : f32 to vector<16xf32>
    %scan3A = arith.constant 0 : i32
    %scan3A_47 = arith.constant 64 : i32
    %scan3A_48 = arith.addi %scan3A, %scan3A_47 : i32
    %scan3A_49 = arith.constant 1 : i32
    %scan3A_50:2 = scf.for %scan3A_139 = %scan3A to %scan3A_48 step %scan3A_49 iter_args(%scan3A_140 = %broadcast_in_dim3A_44, %scan3A_141 = %broadcast_in_dim3A_46) -> (vector<16xf32>, vector<16xf32>)  : i32 {
      %add3A_142 = arith.constant 0 : i32
      %add3A_143 = arith.addi %mul3A_34, %add3A_142 : i32
      %get3A_144 = arith.index_cast %scan3A_139 : i32 to index
      %get3A_145 = arith.index_cast %add3A_143 : i32 to index
      %get3A_146 = tpu.vector_load %arg10[%get3A_144, %get3A_145] {strides = array<i32>} : memref<64x128xf32, #tpu.memory_space<vmem>>, vector<1x16xf32>,
      %get3A_147 = vector.shape_cast %get3A_146 : vector<1x16xf32> to vector<16xf32>
      %add3A_148 = arith.constant 0 : i32
      %add3A_149 = arith.addi %mul3A_34, %add3A_148 : i32
      %get3A_150 = arith.index_cast %scan3A_139 : i32 to index
      %get3A_151 = arith.index_cast %add3A_149 : i32 to index
      %get3A_152 = tpu.vector_load %arg11[%get3A_150, %get3A_151] {strides = array<i32>} : memref<64x128xf32, #tpu.memory_space<vmem>>, vector<1x16xf32>,
      %get3A_153 = vector.shape_cast %get3A_152 : vector<1x16xf32> to vector<16xf32>
      %add3A_154 = arith.constant 0 : i32
      %add3A_155 = arith.addi %mul3A_34, %add3A_154 : i32
      %get3A_156 = arith.index_cast %scan3A_139 : i32 to index
      %get3A_157 = arith.index_cast %add3A_155 : i32 to index
      %get3A_158 = tpu.vector_load %arg12[%get3A_156, %get3A_157] {strides = array<i32>} : memref<64x128xf32, #tpu.memory_space<vmem>>, vector<1x16xf32>,
      %get3A_159 = vector.shape_cast %get3A_158 : vector<1x16xf32> to vector<16xf32>
      %add3A_160 = arith.constant 0 : i32
      %add3A_161 = arith.addi %mul3A_34, %add3A_160 : i32
      %get3A_162 = arith.index_cast %scan3A_139 : i32 to index
      %get3A_163 = arith.index_cast %add3A_161 : i32 to index
      %get3A_164 = tpu.vector_load %arg13[%get3A_162, %get3A_163] {strides = array<i32>} : memref<64x128xf32, #tpu.memory_space<vmem>>, vector<1x16xf32>,
      %get3A_165 = vector.shape_cast %get3A_164 : vector<1x16xf32> to vector<16xf32>
      %max3A_166 = arith.constant 0.000000e+00 : f32
      %max3A_167 = vector.broadcast %max3A_166 : f32 to vector<16xf32>
      %max3A_168 = arith.maximumf %get3A_147, %max3A_167 : vector<16xf32>
      %add3A_169 = arith.constant 9.99999997E-7 : f32
      %add3A_170 = vector.broadcast %add3A_169 : f32 to vector<16xf32>
      %add3A_171 = arith.addf %max3A_168, %add3A_170 : vector<16xf32>
      %sub3A_172 = arith.constant 1.57079637 : f32
      %sub3A_173 = vector.broadcast %sub3A_172 : f32 to vector<16xf32>
      %sub3A_174 = arith.subf %get3A_159, %sub3A_173 : vector<16xf32>
      %mul3A_175 = arith.mulf %sub3A_174, %sub3A_174 : vector<16xf32>
      %mul3A_176 = arith.constant 2.3153174E-5 : f32
      %mul3A_177 = vector.broadcast %mul3A_176 : f32 to vector<16xf32>
      %mul3A_178 = arith.mulf %mul3A_175, %mul3A_177 : vector<16xf32>
      %add3A_179 = arith.constant -0.00138536666 : f32
      %add3A_180 = vector.broadcast %add3A_179 : f32 to vector<16xf32>
      %add3A_181 = arith.addf %add3A_180, %mul3A_178 : vector<16xf32>
      %mul3A_182 = arith.mulf %mul3A_175, %add3A_181 : vector<16xf32>
      %add3A_183 = arith.constant 0.0416635796 : f32
      %add3A_184 = vector.broadcast %add3A_183 : f32 to vector<16xf32>
      %add3A_185 = arith.addf %add3A_184, %mul3A_182 : vector<16xf32>
      %mul3A_186 = arith.mulf %mul3A_175, %add3A_185 : vector<16xf32>
      %add3A_187 = arith.constant -0.499999046 : f32
      %add3A_188 = vector.broadcast %add3A_187 : f32 to vector<16xf32>
      %add3A_189 = arith.addf %add3A_188, %mul3A_186 : vector<16xf32>
      %mul3A_190 = arith.mulf %mul3A_175, %add3A_189 : vector<16xf32>
      %add3A_191 = arith.constant 0.99999994 : f32
      %add3A_192 = vector.broadcast %add3A_191 : f32 to vector<16xf32>
      %add3A_193 = arith.addf %add3A_192, %mul3A_190 : vector<16xf32>
      %mul3A_194 = arith.constant -1.8362749E-4 : f32
      %mul3A_195 = vector.broadcast %mul3A_194 : f32 to vector<16xf32>
      %mul3A_196 = arith.mulf %mul3A_175, %mul3A_195 : vector<16xf32>
      %add3A_197 = arith.constant 0.0083062863 : f32
      %add3A_198 = vector.broadcast %add3A_197 : f32 to vector<16xf32>
      %add3A_199 = arith.addf %add3A_198, %mul3A_196 : vector<16xf32>
      %mul3A_200 = arith.mulf %mul3A_175, %add3A_199 : vector<16xf32>
      %add3A_201 = arith.constant -0.166648239 : f32
      %add3A_202 = vector.broadcast %add3A_201 : f32 to vector<16xf32>
      %add3A_203 = arith.addf %add3A_202, %mul3A_200 : vector<16xf32>
      %mul3A_204 = arith.mulf %mul3A_175, %add3A_203 : vector<16xf32>
      %add3A_205 = arith.constant 0.999996602 : f32
      %add3A_206 = vector.broadcast %add3A_205 : f32 to vector<16xf32>
      %add3A_207 = arith.addf %add3A_206, %mul3A_204 : vector<16xf32>
      %mul3A_208 = arith.mulf %sub3A_174, %add3A_207 : vector<16xf32>
      %mul3A_209 = arith.constant 5.000000e-01 : f32
      %mul3A_210 = vector.broadcast %mul3A_209 : f32 to vector<16xf32>
      %mul3A_211 = arith.mulf %get3A_165, %mul3A_210 : vector<16xf32>
      %sub3A_212 = arith.constant 1.57079637 : f32
      %sub3A_213 = vector.broadcast %sub3A_212 : f32 to vector<16xf32>
      %sub3A_214 = arith.subf %mul3A_211, %sub3A_213 : vector<16xf32>
      %mul3A_215 = arith.mulf %sub3A_214, %sub3A_214 : vector<16xf32>
      %mul3A_216 = arith.constant -1.8362749E-4 : f32
      %mul3A_217 = vector.broadcast %mul3A_216 : f32 to vector<16xf32>
      %mul3A_218 = arith.mulf %mul3A_215, %mul3A_217 : vector<16xf32>
      %add3A_219 = arith.constant 0.0083062863 : f32
      %add3A_220 = vector.broadcast %add3A_219 : f32 to vector<16xf32>
      %add3A_221 = arith.addf %add3A_220, %mul3A_218 : vector<16xf32>
      %mul3A_222 = arith.mulf %mul3A_215, %add3A_221 : vector<16xf32>
      %add3A_223 = arith.constant -0.166648239 : f32
      %add3A_224 = vector.broadcast %add3A_223 : f32 to vector<16xf32>
      %add3A_225 = arith.addf %add3A_224, %mul3A_222 : vector<16xf32>
      %mul3A_226 = arith.mulf %mul3A_215, %add3A_225 : vector<16xf32>
      %add3A_227 = arith.constant 0.999996602 : f32
      %add3A_228 = vector.broadcast %add3A_227 : f32 to vector<16xf32>
      %add3A_229 = arith.addf %add3A_228, %mul3A_226 : vector<16xf32>
      %mul3A_230 = arith.mulf %sub3A_214, %add3A_229 : vector<16xf32>
      %mul3A_231 = arith.constant 2.3153174E-5 : f32
      %mul3A_232 = vector.broadcast %mul3A_231 : f32 to vector<16xf32>
      %mul3A_233 = arith.mulf %mul3A_215, %mul3A_232 : vector<16xf32>
      %add3A_234 = arith.constant -0.00138536666 : f32
      %add3A_235 = vector.broadcast %add3A_234 : f32 to vector<16xf32>
      %add3A_236 = arith.addf %add3A_235, %mul3A_233 : vector<16xf32>
      %mul3A_237 = arith.mulf %mul3A_215, %add3A_236 : vector<16xf32>
      %add3A_238 = arith.constant 0.0416635796 : f32
      %add3A_239 = vector.broadcast %add3A_238 : f32 to vector<16xf32>
      %add3A_240 = arith.addf %add3A_239, %mul3A_237 : vector<16xf32>
      %mul3A_241 = arith.mulf %mul3A_215, %add3A_240 : vector<16xf32>
      %add3A_242 = arith.constant -0.499999046 : f32
      %add3A_243 = vector.broadcast %add3A_242 : f32 to vector<16xf32>
      %add3A_244 = arith.addf %add3A_243, %mul3A_241 : vector<16xf32>
      %mul3A_245 = arith.mulf %mul3A_215, %add3A_244 : vector<16xf32>
      %add3A_246 = arith.constant 0.99999994 : f32
      %add3A_247 = vector.broadcast %add3A_246 : f32 to vector<16xf32>
      %add3A_248 = arith.addf %add3A_247, %mul3A_245 : vector<16xf32>
      %mul3A_249 = arith.constant 2.000000e+00 : f32
      %mul3A_250 = vector.broadcast %mul3A_249 : f32 to vector<16xf32>
      %mul3A_251 = arith.mulf %mul3A_250, %mul3A_230 : vector<16xf32>
      %mul3A_252 = arith.mulf %mul3A_251, %add3A_248 : vector<16xf32>
      %mul3A_253 = arith.mulf %mul3A_230, %mul3A_230 : vector<16xf32>
      %mul3A_254 = arith.constant 2.000000e+00 : f32
      %mul3A_255 = vector.broadcast %mul3A_254 : f32 to vector<16xf32>
      %mul3A_256 = arith.mulf %mul3A_255, %mul3A_253 : vector<16xf32>
      %sub3A_257 = arith.constant 1.000000e+00 : f32
      %sub3A_258 = vector.broadcast %sub3A_257 : f32 to vector<16xf32>
      %sub3A_259 = arith.subf %mul3A_256, %sub3A_258 : vector<16xf32>
      %mul3A_260 = arith.mulf %sub3A_259, %get3A_37 : vector<16xf32>
      %mul3A_261 = arith.mulf %mul3A_252, %get3A_40 : vector<16xf32>
      %sub3A_262 = arith.subf %mul3A_260, %mul3A_261 : vector<16xf32>
      %mul3A_263 = arith.mulf %add3A_193, %sub3A_262 : vector<16xf32>
      %mul3A_264 = arith.mulf %mul3A_208, %get3A_43 : vector<16xf32>
      %sub3A_265 = arith.subf %mul3A_263, %mul3A_264 : vector<16xf32>
      %max3A_266 = arith.constant 9.99999997E-7 : f32
      %max3A_267 = vector.broadcast %max3A_266 : f32 to vector<16xf32>
      %max3A_268 = arith.maximumf %get3A_153, %max3A_267 : vector<16xf32>
      %mul3A_269 = arith.constant -2.000000e+00 : f32
      %mul3A_270 = vector.broadcast %mul3A_269 : f32 to vector<16xf32>
      %mul3A_271 = arith.mulf %mul3A_270, %max3A_268 : vector<16xf32>
      %exp3A = math.exp %mul3A_271 : vector<16xf32>
      %sub3A_272 = arith.constant 1.000000e+00 : f32
      %sub3A_273 = vector.broadcast %sub3A_272 : f32 to vector<16xf32>
      %sub3A_274 = arith.subf %sub3A_273, %exp3A : vector<16xf32>
      %mul3A_275 = arith.constant 6.28318548 : f32
      %mul3A_276 = vector.broadcast %mul3A_275 : f32 to vector<16xf32>
      %mul3A_277 = arith.mulf %mul3A_276, %sub3A_274 : vector<16xf32>
      %div3A_278 = arith.divf %max3A_268, %mul3A_277 : vector<16xf32>
      %sub3A_279 = arith.constant 1.000000e+00 : f32
      %sub3A_280 = vector.broadcast %sub3A_279 : f32 to vector<16xf32>
      %sub3A_281 = arith.subf %sub3A_265, %sub3A_280 : vector<16xf32>
      %mul3A_282 = arith.mulf %get3A_153, %sub3A_281 : vector<16xf32>
      %exp3A_283 = math.exp %mul3A_282 : vector<16xf32>
      %mul3A_284 = arith.mulf %div3A_278, %exp3A_283 : vector<16xf32>
      %mul3A_285 = arith.mulf %add3A_171, %mul3A_284 : vector<16xf32>
      %add3A_286 = arith.addf %scan3A_140, %mul3A_285 : vector<16xf32>
      %add3A_287 = arith.addf %scan3A_141, %add3A_171 : vector<16xf32>
      scf.yield %add3A_286, %add3A_287 : vector<16xf32>, vector<16xf32>
    }
    %scan3A_51 = arith.constant 64 : i32
    %max3A = arith.constant 9.99999974E-6 : f32
    %max3A_52 = vector.broadcast %max3A : f32 to vector<16xf32>
    %max3A_53 = arith.maximumf %scan3A_50#1, %max3A_52 : vector<16xf32>
    %div3A_54 = arith.divf %scan3A_50#0, %max3A_53 : vector<16xf32>
    %swap3A = arith.constant 0 : index
    %swap3A_55 = tpu.vector_load %arg17[%swap3A] {strides = array<i32>} : memref<64xf32, #tpu.memory_space<vmem>>, vector<16xf32>,
    %swap3A_56 = vector.shape_cast %swap3A_55 : vector<16xf32> to vector<16xf32>
    %swap3A_57 = vector.shape_cast %div3A_54 : vector<16xf32> to vector<16xf32>
    tpu.vector_store %arg17[%swap3A], %swap3A_57 {strides = array<i32>} : memref<64xf32, #tpu.memory_space<vmem>>, vector<16xf32>,
    %get3A_58 = arith.constant 16 : index
    %get3A_59 = tpu.vector_load %arg14[%get3A_58] {strides = array<i32>} : memref<64xf32, #tpu.memory_space<vmem>>, vector<16xf32>,
    %get3A_60 = vector.shape_cast %get3A_59 : vector<16xf32> to vector<16xf32>
    %get3A_61 = arith.constant 16 : index
    %get3A_62 = tpu.vector_load %arg15[%get3A_61] {strides = array<i32>} : memref<64xf32, #tpu.memory_space<vmem>>, vector<16xf32>,
    %get3A_63 = vector.shape_cast %get3A_62 : vector<16xf32> to vector<16xf32>
    %get3A_64 = arith.constant 16 : index
    %get3A_65 = tpu.vector_load %arg16[%get3A_64] {strides = array<i32>} : memref<64xf32, #tpu.memory_space<vmem>>, vector<16xf32>,
    %get3A_66 = vector.shape_cast %get3A_65 : vector<16xf32> to vector<16xf32>
    %broadcast_in_dim3A_67 = arith.constant 0.000000e+00 : f32
    %broadcast_in_dim3A_68 = vector.broadcast %broadcast_in_dim3A_67 : f32 to vector<16xf32>
    %broadcast_in_dim3A_69 = arith.constant 0.000000e+00 : f32
    %broadcast_in_dim3A_70 = vector.broadcast %broadcast_in_dim3A_69 : f32 to vector<16xf32>
    %scan3A_71 = arith.constant 0 : i32
    %scan3A_72 = arith.constant 64 : i32
    %scan3A_73 = arith.addi %scan3A_71, %scan3A_72 : i32
    %scan3A_74 = arith.constant 1 : i32
    %scan3A_75:2 = scf.for %scan3A_139 = %scan3A_71 to %scan3A_73 step %scan3A_74 iter_args(%scan3A_140 = %broadcast_in_dim3A_68, %scan3A_141 = %broadcast_in_dim3A_70) -> (vector<16xf32>, vector<16xf32>)  : i32 {
      %add3A_142 = arith.constant 16 : i32
      %add3A_143 = arith.addi %mul3A_34, %add3A_142 : i32
      %get3A_144 = arith.index_cast %scan3A_139 : i32 to index
      %get3A_145 = arith.index_cast %add3A_143 : i32 to index
      %get3A_146 = tpu.vector_load %arg10[%get3A_144, %get3A_145] {strides = array<i32>} : memref<64x128xf32, #tpu.memory_space<vmem>>, vector<1x16xf32>,
      %get3A_147 = vector.shape_cast %get3A_146 : vector<1x16xf32> to vector<16xf32>
      %add3A_148 = arith.constant 16 : i32
      %add3A_149 = arith.addi %mul3A_34, %add3A_148 : i32
      %get3A_150 = arith.index_cast %scan3A_139 : i32 to index
      %get3A_151 = arith.index_cast %add3A_149 : i32 to index
      %get3A_152 = tpu.vector_load %arg11[%get3A_150, %get3A_151] {strides = array<i32>} : memref<64x128xf32, #tpu.memory_space<vmem>>, vector<1x16xf32>,
      %get3A_153 = vector.shape_cast %get3A_152 : vector<1x16xf32> to vector<16xf32>
      %add3A_154 = arith.constant 16 : i32
      %add3A_155 = arith.addi %mul3A_34, %add3A_154 : i32
      %get3A_156 = arith.index_cast %scan3A_139 : i32 to index
      %get3A_157 = arith.index_cast %add3A_155 : i32 to index
      %get3A_158 = tpu.vector_load %arg12[%get3A_156, %get3A_157] {strides = array<i32>} : memref<64x128xf32, #tpu.memory_space<vmem>>, vector<1x16xf32>,
      %get3A_159 = vector.shape_cast %get3A_158 : vector<1x16xf32> to vector<16xf32>
      %add3A_160 = arith.constant 16 : i32
      %add3A_161 = arith.addi %mul3A_34, %add3A_160 : i32
      %get3A_162 = arith.index_cast %scan3A_139 : i32 to index
      %get3A_163 = arith.index_cast %add3A_161 : i32 to index
      %get3A_164 = tpu.vector_load %arg13[%get3A_162, %get3A_163] {strides = array<i32>} : memref<64x128xf32, #tpu.memory_space<vmem>>, vector<1x16xf32>,
      %get3A_165 = vector.shape_cast %get3A_164 : vector<1x16xf32> to vector<16xf32>
      %max3A_166 = arith.constant 0.000000e+00 : f32
      %max3A_167 = vector.broadcast %max3A_166 : f32 to vector<16xf32>
      %max3A_168 = arith.maximumf %get3A_147, %max3A_167 : vector<16xf32>
      %add3A_169 = arith.constant 9.99999997E-7 : f32
      %add3A_170 = vector.broadcast %add3A_169 : f32 to vector<16xf32>
      %add3A_171 = arith.addf %max3A_168, %add3A_170 : vector<16xf32>
      %sub3A_172 = arith.constant 1.57079637 : f32
      %sub3A_173 = vector.broadcast %sub3A_172 : f32 to vector<16xf32>
      %sub3A_174 = arith.subf %get3A_159, %sub3A_173 : vector<16xf32>
      %mul3A_175 = arith.mulf %sub3A_174, %sub3A_174 : vector<16xf32>
      %mul3A_176 = arith.constant 2.3153174E-5 : f32
      %mul3A_177 = vector.broadcast %mul3A_176 : f32 to vector<16xf32>
      %mul3A_178 = arith.mulf %mul3A_175, %mul3A_177 : vector<16xf32>
      %add3A_179 = arith.constant -0.00138536666 : f32
      %add3A_180 = vector.broadcast %add3A_179 : f32 to vector<16xf32>
      %add3A_181 = arith.addf %add3A_180, %mul3A_178 : vector<16xf32>
      %mul3A_182 = arith.mulf %mul3A_175, %add3A_181 : vector<16xf32>
      %add3A_183 = arith.constant 0.0416635796 : f32
      %add3A_184 = vector.broadcast %add3A_183 : f32 to vector<16xf32>
      %add3A_185 = arith.addf %add3A_184, %mul3A_182 : vector<16xf32>
      %mul3A_186 = arith.mulf %mul3A_175, %add3A_185 : vector<16xf32>
      %add3A_187 = arith.constant -0.499999046 : f32
      %add3A_188 = vector.broadcast %add3A_187 : f32 to vector<16xf32>
      %add3A_189 = arith.addf %add3A_188, %mul3A_186 : vector<16xf32>
      %mul3A_190 = arith.mulf %mul3A_175, %add3A_189 : vector<16xf32>
      %add3A_191 = arith.constant 0.99999994 : f32
      %add3A_192 = vector.broadcast %add3A_191 : f32 to vector<16xf32>
      %add3A_193 = arith.addf %add3A_192, %mul3A_190 : vector<16xf32>
      %mul3A_194 = arith.constant -1.8362749E-4 : f32
      %mul3A_195 = vector.broadcast %mul3A_194 : f32 to vector<16xf32>
      %mul3A_196 = arith.mulf %mul3A_175, %mul3A_195 : vector<16xf32>
      %add3A_197 = arith.constant 0.0083062863 : f32
      %add3A_198 = vector.broadcast %add3A_197 : f32 to vector<16xf32>
      %add3A_199 = arith.addf %add3A_198, %mul3A_196 : vector<16xf32>
      %mul3A_200 = arith.mulf %mul3A_175, %add3A_199 : vector<16xf32>
      %add3A_201 = arith.constant -0.166648239 : f32
      %add3A_202 = vector.broadcast %add3A_201 : f32 to vector<16xf32>
      %add3A_203 = arith.addf %add3A_202, %mul3A_200 : vector<16xf32>
      %mul3A_204 = arith.mulf %mul3A_175, %add3A_203 : vector<16xf32>
      %add3A_205 = arith.constant 0.999996602 : f32
      %add3A_206 = vector.broadcast %add3A_205 : f32 to vector<16xf32>
      %add3A_207 = arith.addf %add3A_206, %mul3A_204 : vector<16xf32>
      %mul3A_208 = arith.mulf %sub3A_174, %add3A_207 : vector<16xf32>
      %mul3A_209 = arith.constant 5.000000e-01 : f32
      %mul3A_210 = vector.broadcast %mul3A_209 : f32 to vector<16xf32>
      %mul3A_211 = arith.mulf %get3A_165, %mul3A_210 : vector<16xf32>
      %sub3A_212 = arith.constant 1.57079637 : f32
      %sub3A_213 = vector.broadcast %sub3A_212 : f32 to vector<16xf32>
      %sub3A_214 = arith.subf %mul3A_211, %sub3A_213 : vector<16xf32>
      %mul3A_215 = arith.mulf %sub3A_214, %sub3A_214 : vector<16xf32>
      %mul3A_216 = arith.constant -1.8362749E-4 : f32
      %mul3A_217 = vector.broadcast %mul3A_216 : f32 to vector<16xf32>
      %mul3A_218 = arith.mulf %mul3A_215, %mul3A_217 : vector<16xf32>
      %add3A_219 = arith.constant 0.0083062863 : f32
      %add3A_220 = vector.broadcast %add3A_219 : f32 to vector<16xf32>
      %add3A_221 = arith.addf %add3A_220, %mul3A_218 : vector<16xf32>
      %mul3A_222 = arith.mulf %mul3A_215, %add3A_221 : vector<16xf32>
      %add3A_223 = arith.constant -0.166648239 : f32
      %add3A_224 = vector.broadcast %add3A_223 : f32 to vector<16xf32>
      %add3A_225 = arith.addf %add3A_224, %mul3A_222 : vector<16xf32>
      %mul3A_226 = arith.mulf %mul3A_215, %add3A_225 : vector<16xf32>
      %add3A_227 = arith.constant 0.999996602 : f32
      %add3A_228 = vector.broadcast %add3A_227 : f32 to vector<16xf32>
      %add3A_229 = arith.addf %add3A_228, %mul3A_226 : vector<16xf32>
      %mul3A_230 = arith.mulf %sub3A_214, %add3A_229 : vector<16xf32>
      %mul3A_231 = arith.constant 2.3153174E-5 : f32
      %mul3A_232 = vector.broadcast %mul3A_231 : f32 to vector<16xf32>
      %mul3A_233 = arith.mulf %mul3A_215, %mul3A_232 : vector<16xf32>
      %add3A_234 = arith.constant -0.00138536666 : f32
      %add3A_235 = vector.broadcast %add3A_234 : f32 to vector<16xf32>
      %add3A_236 = arith.addf %add3A_235, %mul3A_233 : vector<16xf32>
      %mul3A_237 = arith.mulf %mul3A_215, %add3A_236 : vector<16xf32>
      %add3A_238 = arith.constant 0.0416635796 : f32
      %add3A_239 = vector.broadcast %add3A_238 : f32 to vector<16xf32>
      %add3A_240 = arith.addf %add3A_239, %mul3A_237 : vector<16xf32>
      %mul3A_241 = arith.mulf %mul3A_215, %add3A_240 : vector<16xf32>
      %add3A_242 = arith.constant -0.499999046 : f32
      %add3A_243 = vector.broadcast %add3A_242 : f32 to vector<16xf32>
      %add3A_244 = arith.addf %add3A_243, %mul3A_241 : vector<16xf32>
      %mul3A_245 = arith.mulf %mul3A_215, %add3A_244 : vector<16xf32>
      %add3A_246 = arith.constant 0.99999994 : f32
      %add3A_247 = vector.broadcast %add3A_246 : f32 to vector<16xf32>
      %add3A_248 = arith.addf %add3A_247, %mul3A_245 : vector<16xf32>
      %mul3A_249 = arith.constant 2.000000e+00 : f32
      %mul3A_250 = vector.broadcast %mul3A_249 : f32 to vector<16xf32>
      %mul3A_251 = arith.mulf %mul3A_250, %mul3A_230 : vector<16xf32>
      %mul3A_252 = arith.mulf %mul3A_251, %add3A_248 : vector<16xf32>
      %mul3A_253 = arith.mulf %mul3A_230, %mul3A_230 : vector<16xf32>
      %mul3A_254 = arith.constant 2.000000e+00 : f32
      %mul3A_255 = vector.broadcast %mul3A_254 : f32 to vector<16xf32>
      %mul3A_256 = arith.mulf %mul3A_255, %mul3A_253 : vector<16xf32>
      %sub3A_257 = arith.constant 1.000000e+00 : f32
      %sub3A_258 = vector.broadcast %sub3A_257 : f32 to vector<16xf32>
      %sub3A_259 = arith.subf %mul3A_256, %sub3A_258 : vector<16xf32>
      %mul3A_260 = arith.mulf %sub3A_259, %get3A_60 : vector<16xf32>
      %mul3A_261 = arith.mulf %mul3A_252, %get3A_63 : vector<16xf32>
      %sub3A_262 = arith.subf %mul3A_260, %mul3A_261 : vector<16xf32>
      %mul3A_263 = arith.mulf %add3A_193, %sub3A_262 : vector<16xf32>
      %mul3A_264 = arith.mulf %mul3A_208, %get3A_66 : vector<16xf32>
      %sub3A_265 = arith.subf %mul3A_263, %mul3A_264 : vector<16xf32>
      %max3A_266 = arith.constant 9.99999997E-7 : f32
      %max3A_267 = vector.broadcast %max3A_266 : f32 to vector<16xf32>
      %max3A_268 = arith.maximumf %get3A_153, %max3A_267 : vector<16xf32>
      %mul3A_269 = arith.constant -2.000000e+00 : f32
      %mul3A_270 = vector.broadcast %mul3A_269 : f32 to vector<16xf32>
      %mul3A_271 = arith.mulf %mul3A_270, %max3A_268 : vector<16xf32>
      %exp3A = math.exp %mul3A_271 : vector<16xf32>
      %sub3A_272 = arith.constant 1.000000e+00 : f32
      %sub3A_273 = vector.broadcast %sub3A_272 : f32 to vector<16xf32>
      %sub3A_274 = arith.subf %sub3A_273, %exp3A : vector<16xf32>
      %mul3A_275 = arith.constant 6.28318548 : f32
      %mul3A_276 = vector.broadcast %mul3A_275 : f32 to vector<16xf32>
      %mul3A_277 = arith.mulf %mul3A_276, %sub3A_274 : vector<16xf32>
      %div3A_278 = arith.divf %max3A_268, %mul3A_277 : vector<16xf32>
      %sub3A_279 = arith.constant 1.000000e+00 : f32
      %sub3A_280 = vector.broadcast %sub3A_279 : f32 to vector<16xf32>
      %sub3A_281 = arith.subf %sub3A_265, %sub3A_280 : vector<16xf32>
      %mul3A_282 = arith.mulf %get3A_153, %sub3A_281 : vector<16xf32>
      %exp3A_283 = math.exp %mul3A_282 : vector<16xf32>
      %mul3A_284 = arith.mulf %div3A_278, %exp3A_283 : vector<16xf32>
      %mul3A_285 = arith.mulf %add3A_171, %mul3A_284 : vector<16xf32>
      %add3A_286 = arith.addf %scan3A_140, %mul3A_285 : vector<16xf32>
      %add3A_287 = arith.addf %scan3A_141, %add3A_171 : vector<16xf32>
      scf.yield %add3A_286, %add3A_287 : vector<16xf32>, vector<16xf32>
    }
    %scan3A_76 = arith.constant 64 : i32
    %max3A_77 = arith.constant 9.99999974E-6 : f32
    %max3A_78 = vector.broadcast %max3A_77 : f32 to vector<16xf32>
    %max3A_79 = arith.maximumf %scan3A_75#1, %max3A_78 : vector<16xf32>
    %div3A_80 = arith.divf %scan3A_75#0, %max3A_79 : vector<16xf32>
    %swap3A_81 = arith.constant 16 : index
    %swap3A_82 = tpu.vector_load %arg17[%swap3A_81] {strides = array<i32>} : memref<64xf32, #tpu.memory_space<vmem>>, vector<16xf32>,
    %swap3A_83 = vector.shape_cast %swap3A_82 : vector<16xf32> to vector<16xf32>
    %swap3A_84 = vector.shape_cast %div3A_80 : vector<16xf32> to vector<16xf32>
    tpu.vector_store %arg17[%swap3A_81], %swap3A_84 {strides = array<i32>} : memref<64xf32, #tpu.memory_space<vmem>>, vector<16xf32>,
    %get3A_85 = arith.constant 32 : index
    %get3A_86 = tpu.vector_load %arg14[%get3A_85] {strides = array<i32>} : memref<64xf32, #tpu.memory_space<vmem>>, vector<16xf32>,
    %get3A_87 = vector.shape_cast %get3A_86 : vector<16xf32> to vector<16xf32>
    %get3A_88 = arith.constant 32 : index
    %get3A_89 = tpu.vector_load %arg15[%get3A_88] {strides = array<i32>} : memref<64xf32, #tpu.memory_space<vmem>>, vector<16xf32>,
    %get3A_90 = vector.shape_cast %get3A_89 : vector<16xf32> to vector<16xf32>
    %get3A_91 = arith.constant 32 : index
    %get3A_92 = tpu.vector_load %arg16[%get3A_91] {strides = array<i32>} : memref<64xf32, #tpu.memory_space<vmem>>, vector<16xf32>,
    %get3A_93 = vector.shape_cast %get3A_92 : vector<16xf32> to vector<16xf32>
    %broadcast_in_dim3A_94 = arith.constant 0.000000e+00 : f32
    %broadcast_in_dim3A_95 = vector.broadcast %broadcast_in_dim3A_94 : f32 to vector<16xf32>
    %broadcast_in_dim3A_96 = arith.constant 0.000000e+00 : f32
    %broadcast_in_dim3A_97 = vector.broadcast %broadcast_in_dim3A_96 : f32 to vector<16xf32>
    %scan3A_98 = arith.constant 0 : i32
    %scan3A_99 = arith.constant 64 : i32
    %scan3A_100 = arith.addi %scan3A_98, %scan3A_99 : i32
    %scan3A_101 = arith.constant 1 : i32
    %scan3A_102:2 = scf.for %scan3A_139 = %scan3A_98 to %scan3A_100 step %scan3A_101 iter_args(%scan3A_140 = %broadcast_in_dim3A_95, %scan3A_141 = %broadcast_in_dim3A_97) -> (vector<16xf32>, vector<16xf32>)  : i32 {
      %add3A_142 = arith.constant 32 : i32
      %add3A_143 = arith.addi %mul3A_34, %add3A_142 : i32
      %get3A_144 = arith.index_cast %scan3A_139 : i32 to index
      %get3A_145 = arith.index_cast %add3A_143 : i32 to index
      %get3A_146 = tpu.vector_load %arg10[%get3A_144, %get3A_145] {strides = array<i32>} : memref<64x128xf32, #tpu.memory_space<vmem>>, vector<1x16xf32>,
      %get3A_147 = vector.shape_cast %get3A_146 : vector<1x16xf32> to vector<16xf32>
      %add3A_148 = arith.constant 32 : i32
      %add3A_149 = arith.addi %mul3A_34, %add3A_148 : i32
      %get3A_150 = arith.index_cast %scan3A_139 : i32 to index
      %get3A_151 = arith.index_cast %add3A_149 : i32 to index
      %get3A_152 = tpu.vector_load %arg11[%get3A_150, %get3A_151] {strides = array<i32>} : memref<64x128xf32, #tpu.memory_space<vmem>>, vector<1x16xf32>,
      %get3A_153 = vector.shape_cast %get3A_152 : vector<1x16xf32> to vector<16xf32>
      %add3A_154 = arith.constant 32 : i32
      %add3A_155 = arith.addi %mul3A_34, %add3A_154 : i32
      %get3A_156 = arith.index_cast %scan3A_139 : i32 to index
      %get3A_157 = arith.index_cast %add3A_155 : i32 to index
      %get3A_158 = tpu.vector_load %arg12[%get3A_156, %get3A_157] {strides = array<i32>} : memref<64x128xf32, #tpu.memory_space<vmem>>, vector<1x16xf32>,
      %get3A_159 = vector.shape_cast %get3A_158 : vector<1x16xf32> to vector<16xf32>
      %add3A_160 = arith.constant 32 : i32
      %add3A_161 = arith.addi %mul3A_34, %add3A_160 : i32
      %get3A_162 = arith.index_cast %scan3A_139 : i32 to index
      %get3A_163 = arith.index_cast %add3A_161 : i32 to index
      %get3A_164 = tpu.vector_load %arg13[%get3A_162, %get3A_163] {strides = array<i32>} : memref<64x128xf32, #tpu.memory_space<vmem>>, vector<1x16xf32>,
      %get3A_165 = vector.shape_cast %get3A_164 : vector<1x16xf32> to vector<16xf32>
      %max3A_166 = arith.constant 0.000000e+00 : f32
      %max3A_167 = vector.broadcast %max3A_166 : f32 to vector<16xf32>
      %max3A_168 = arith.maximumf %get3A_147, %max3A_167 : vector<16xf32>
      %add3A_169 = arith.constant 9.99999997E-7 : f32
      %add3A_170 = vector.broadcast %add3A_169 : f32 to vector<16xf32>
      %add3A_171 = arith.addf %max3A_168, %add3A_170 : vector<16xf32>
      %sub3A_172 = arith.constant 1.57079637 : f32
      %sub3A_173 = vector.broadcast %sub3A_172 : f32 to vector<16xf32>
      %sub3A_174 = arith.subf %get3A_159, %sub3A_173 : vector<16xf32>
      %mul3A_175 = arith.mulf %sub3A_174, %sub3A_174 : vector<16xf32>
      %mul3A_176 = arith.constant 2.3153174E-5 : f32
      %mul3A_177 = vector.broadcast %mul3A_176 : f32 to vector<16xf32>
      %mul3A_178 = arith.mulf %mul3A_175, %mul3A_177 : vector<16xf32>
      %add3A_179 = arith.constant -0.00138536666 : f32
      %add3A_180 = vector.broadcast %add3A_179 : f32 to vector<16xf32>
      %add3A_181 = arith.addf %add3A_180, %mul3A_178 : vector<16xf32>
      %mul3A_182 = arith.mulf %mul3A_175, %add3A_181 : vector<16xf32>
      %add3A_183 = arith.constant 0.0416635796 : f32
      %add3A_184 = vector.broadcast %add3A_183 : f32 to vector<16xf32>
      %add3A_185 = arith.addf %add3A_184, %mul3A_182 : vector<16xf32>
      %mul3A_186 = arith.mulf %mul3A_175, %add3A_185 : vector<16xf32>
      %add3A_187 = arith.constant -0.499999046 : f32
      %add3A_188 = vector.broadcast %add3A_187 : f32 to vector<16xf32>
      %add3A_189 = arith.addf %add3A_188, %mul3A_186 : vector<16xf32>
      %mul3A_190 = arith.mulf %mul3A_175, %add3A_189 : vector<16xf32>
      %add3A_191 = arith.constant 0.99999994 : f32
      %add3A_192 = vector.broadcast %add3A_191 : f32 to vector<16xf32>
      %add3A_193 = arith.addf %add3A_192, %mul3A_190 : vector<16xf32>
      %mul3A_194 = arith.constant -1.8362749E-4 : f32
      %mul3A_195 = vector.broadcast %mul3A_194 : f32 to vector<16xf32>
      %mul3A_196 = arith.mulf %mul3A_175, %mul3A_195 : vector<16xf32>
      %add3A_197 = arith.constant 0.0083062863 : f32
      %add3A_198 = vector.broadcast %add3A_197 : f32 to vector<16xf32>
      %add3A_199 = arith.addf %add3A_198, %mul3A_196 : vector<16xf32>
      %mul3A_200 = arith.mulf %mul3A_175, %add3A_199 : vector<16xf32>
      %add3A_201 = arith.constant -0.166648239 : f32
      %add3A_202 = vector.broadcast %add3A_201 : f32 to vector<16xf32>
      %add3A_203 = arith.addf %add3A_202, %mul3A_200 : vector<16xf32>
      %mul3A_204 = arith.mulf %mul3A_175, %add3A_203 : vector<16xf32>
      %add3A_205 = arith.constant 0.999996602 : f32
      %add3A_206 = vector.broadcast %add3A_205 : f32 to vector<16xf32>
      %add3A_207 = arith.addf %add3A_206, %mul3A_204 : vector<16xf32>
      %mul3A_208 = arith.mulf %sub3A_174, %add3A_207 : vector<16xf32>
      %mul3A_209 = arith.constant 5.000000e-01 : f32
      %mul3A_210 = vector.broadcast %mul3A_209 : f32 to vector<16xf32>
      %mul3A_211 = arith.mulf %get3A_165, %mul3A_210 : vector<16xf32>
      %sub3A_212 = arith.constant 1.57079637 : f32
      %sub3A_213 = vector.broadcast %sub3A_212 : f32 to vector<16xf32>
      %sub3A_214 = arith.subf %mul3A_211, %sub3A_213 : vector<16xf32>
      %mul3A_215 = arith.mulf %sub3A_214, %sub3A_214 : vector<16xf32>
      %mul3A_216 = arith.constant -1.8362749E-4 : f32
      %mul3A_217 = vector.broadcast %mul3A_216 : f32 to vector<16xf32>
      %mul3A_218 = arith.mulf %mul3A_215, %mul3A_217 : vector<16xf32>
      %add3A_219 = arith.constant 0.0083062863 : f32
      %add3A_220 = vector.broadcast %add3A_219 : f32 to vector<16xf32>
      %add3A_221 = arith.addf %add3A_220, %mul3A_218 : vector<16xf32>
      %mul3A_222 = arith.mulf %mul3A_215, %add3A_221 : vector<16xf32>
      %add3A_223 = arith.constant -0.166648239 : f32
      %add3A_224 = vector.broadcast %add3A_223 : f32 to vector<16xf32>
      %add3A_225 = arith.addf %add3A_224, %mul3A_222 : vector<16xf32>
      %mul3A_226 = arith.mulf %mul3A_215, %add3A_225 : vector<16xf32>
      %add3A_227 = arith.constant 0.999996602 : f32
      %add3A_228 = vector.broadcast %add3A_227 : f32 to vector<16xf32>
      %add3A_229 = arith.addf %add3A_228, %mul3A_226 : vector<16xf32>
      %mul3A_230 = arith.mulf %sub3A_214, %add3A_229 : vector<16xf32>
      %mul3A_231 = arith.constant 2.3153174E-5 : f32
      %mul3A_232 = vector.broadcast %mul3A_231 : f32 to vector<16xf32>
      %mul3A_233 = arith.mulf %mul3A_215, %mul3A_232 : vector<16xf32>
      %add3A_234 = arith.constant -0.00138536666 : f32
      %add3A_235 = vector.broadcast %add3A_234 : f32 to vector<16xf32>
      %add3A_236 = arith.addf %add3A_235, %mul3A_233 : vector<16xf32>
      %mul3A_237 = arith.mulf %mul3A_215, %add3A_236 : vector<16xf32>
      %add3A_238 = arith.constant 0.0416635796 : f32
      %add3A_239 = vector.broadcast %add3A_238 : f32 to vector<16xf32>
      %add3A_240 = arith.addf %add3A_239, %mul3A_237 : vector<16xf32>
      %mul3A_241 = arith.mulf %mul3A_215, %add3A_240 : vector<16xf32>
      %add3A_242 = arith.constant -0.499999046 : f32
      %add3A_243 = vector.broadcast %add3A_242 : f32 to vector<16xf32>
      %add3A_244 = arith.addf %add3A_243, %mul3A_241 : vector<16xf32>
      %mul3A_245 = arith.mulf %mul3A_215, %add3A_244 : vector<16xf32>
      %add3A_246 = arith.constant 0.99999994 : f32
      %add3A_247 = vector.broadcast %add3A_246 : f32 to vector<16xf32>
      %add3A_248 = arith.addf %add3A_247, %mul3A_245 : vector<16xf32>
      %mul3A_249 = arith.constant 2.000000e+00 : f32
      %mul3A_250 = vector.broadcast %mul3A_249 : f32 to vector<16xf32>
      %mul3A_251 = arith.mulf %mul3A_250, %mul3A_230 : vector<16xf32>
      %mul3A_252 = arith.mulf %mul3A_251, %add3A_248 : vector<16xf32>
      %mul3A_253 = arith.mulf %mul3A_230, %mul3A_230 : vector<16xf32>
      %mul3A_254 = arith.constant 2.000000e+00 : f32
      %mul3A_255 = vector.broadcast %mul3A_254 : f32 to vector<16xf32>
      %mul3A_256 = arith.mulf %mul3A_255, %mul3A_253 : vector<16xf32>
      %sub3A_257 = arith.constant 1.000000e+00 : f32
      %sub3A_258 = vector.broadcast %sub3A_257 : f32 to vector<16xf32>
      %sub3A_259 = arith.subf %mul3A_256, %sub3A_258 : vector<16xf32>
      %mul3A_260 = arith.mulf %sub3A_259, %get3A_87 : vector<16xf32>
      %mul3A_261 = arith.mulf %mul3A_252, %get3A_90 : vector<16xf32>
      %sub3A_262 = arith.subf %mul3A_260, %mul3A_261 : vector<16xf32>
      %mul3A_263 = arith.mulf %add3A_193, %sub3A_262 : vector<16xf32>
      %mul3A_264 = arith.mulf %mul3A_208, %get3A_93 : vector<16xf32>
      %sub3A_265 = arith.subf %mul3A_263, %mul3A_264 : vector<16xf32>
      %max3A_266 = arith.constant 9.99999997E-7 : f32
      %max3A_267 = vector.broadcast %max3A_266 : f32 to vector<16xf32>
      %max3A_268 = arith.maximumf %get3A_153, %max3A_267 : vector<16xf32>
      %mul3A_269 = arith.constant -2.000000e+00 : f32
      %mul3A_270 = vector.broadcast %mul3A_269 : f32 to vector<16xf32>
      %mul3A_271 = arith.mulf %mul3A_270, %max3A_268 : vector<16xf32>
      %exp3A = math.exp %mul3A_271 : vector<16xf32>
      %sub3A_272 = arith.constant 1.000000e+00 : f32
      %sub3A_273 = vector.broadcast %sub3A_272 : f32 to vector<16xf32>
      %sub3A_274 = arith.subf %sub3A_273, %exp3A : vector<16xf32>
      %mul3A_275 = arith.constant 6.28318548 : f32
      %mul3A_276 = vector.broadcast %mul3A_275 : f32 to vector<16xf32>
      %mul3A_277 = arith.mulf %mul3A_276, %sub3A_274 : vector<16xf32>
      %div3A_278 = arith.divf %max3A_268, %mul3A_277 : vector<16xf32>
      %sub3A_279 = arith.constant 1.000000e+00 : f32
      %sub3A_280 = vector.broadcast %sub3A_279 : f32 to vector<16xf32>
      %sub3A_281 = arith.subf %sub3A_265, %sub3A_280 : vector<16xf32>
      %mul3A_282 = arith.mulf %get3A_153, %sub3A_281 : vector<16xf32>
      %exp3A_283 = math.exp %mul3A_282 : vector<16xf32>
      %mul3A_284 = arith.mulf %div3A_278, %exp3A_283 : vector<16xf32>
      %mul3A_285 = arith.mulf %add3A_171, %mul3A_284 : vector<16xf32>
      %add3A_286 = arith.addf %scan3A_140, %mul3A_285 : vector<16xf32>
      %add3A_287 = arith.addf %scan3A_141, %add3A_171 : vector<16xf32>
      scf.yield %add3A_286, %add3A_287 : vector<16xf32>, vector<16xf32>
    }
    %scan3A_103 = arith.constant 64 : i32
    %max3A_104 = arith.constant 9.99999974E-6 : f32
    %max3A_105 = vector.broadcast %max3A_104 : f32 to vector<16xf32>
    %max3A_106 = arith.maximumf %scan3A_102#1, %max3A_105 : vector<16xf32>
    %div3A_107 = arith.divf %scan3A_102#0, %max3A_106 : vector<16xf32>
    %swap3A_108 = arith.constant 32 : index
    %swap3A_109 = tpu.vector_load %arg17[%swap3A_108] {strides = array<i32>} : memref<64xf32, #tpu.memory_space<vmem>>, vector<16xf32>,
    %swap3A_110 = vector.shape_cast %swap3A_109 : vector<16xf32> to vector<16xf32>
    %swap3A_111 = vector.shape_cast %div3A_107 : vector<16xf32> to vector<16xf32>
    tpu.vector_store %arg17[%swap3A_108], %swap3A_111 {strides = array<i32>} : memref<64xf32, #tpu.memory_space<vmem>>, vector<16xf32>,
    %get3A_112 = arith.constant 48 : index
    %get3A_113 = tpu.vector_load %arg14[%get3A_112] {strides = array<i32>} : memref<64xf32, #tpu.memory_space<vmem>>, vector<16xf32>,
    %get3A_114 = vector.shape_cast %get3A_113 : vector<16xf32> to vector<16xf32>
    %get3A_115 = arith.constant 48 : index
    %get3A_116 = tpu.vector_load %arg15[%get3A_115] {strides = array<i32>} : memref<64xf32, #tpu.memory_space<vmem>>, vector<16xf32>,
    %get3A_117 = vector.shape_cast %get3A_116 : vector<16xf32> to vector<16xf32>
    %get3A_118 = arith.constant 48 : index
    %get3A_119 = tpu.vector_load %arg16[%get3A_118] {strides = array<i32>} : memref<64xf32, #tpu.memory_space<vmem>>, vector<16xf32>,
    %get3A_120 = vector.shape_cast %get3A_119 : vector<16xf32> to vector<16xf32>
    %broadcast_in_dim3A_121 = arith.constant 0.000000e+00 : f32
    %broadcast_in_dim3A_122 = vector.broadcast %broadcast_in_dim3A_121 : f32 to vector<16xf32>
    %broadcast_in_dim3A_123 = arith.constant 0.000000e+00 : f32
    %broadcast_in_dim3A_124 = vector.broadcast %broadcast_in_dim3A_123 : f32 to vector<16xf32>
    %scan3A_125 = arith.constant 0 : i32
    %scan3A_126 = arith.constant 64 : i32
    %scan3A_127 = arith.addi %scan3A_125, %scan3A_126 : i32
    %scan3A_128 = arith.constant 1 : i32
    %scan3A_129:2 = scf.for %scan3A_139 = %scan3A_125 to %scan3A_127 step %scan3A_128 iter_args(%scan3A_140 = %broadcast_in_dim3A_122, %scan3A_141 = %broadcast_in_dim3A_124) -> (vector<16xf32>, vector<16xf32>)  : i32 {
      %add3A_142 = arith.constant 48 : i32
      %add3A_143 = arith.addi %mul3A_34, %add3A_142 : i32
      %get3A_144 = arith.index_cast %scan3A_139 : i32 to index
      %get3A_145 = arith.index_cast %add3A_143 : i32 to index
      %get3A_146 = tpu.vector_load %arg10[%get3A_144, %get3A_145] {strides = array<i32>} : memref<64x128xf32, #tpu.memory_space<vmem>>, vector<1x16xf32>,
      %get3A_147 = vector.shape_cast %get3A_146 : vector<1x16xf32> to vector<16xf32>
      %add3A_148 = arith.constant 48 : i32
      %add3A_149 = arith.addi %mul3A_34, %add3A_148 : i32
      %get3A_150 = arith.index_cast %scan3A_139 : i32 to index
      %get3A_151 = arith.index_cast %add3A_149 : i32 to index
      %get3A_152 = tpu.vector_load %arg11[%get3A_150, %get3A_151] {strides = array<i32>} : memref<64x128xf32, #tpu.memory_space<vmem>>, vector<1x16xf32>,
      %get3A_153 = vector.shape_cast %get3A_152 : vector<1x16xf32> to vector<16xf32>
      %add3A_154 = arith.constant 48 : i32
      %add3A_155 = arith.addi %mul3A_34, %add3A_154 : i32
      %get3A_156 = arith.index_cast %scan3A_139 : i32 to index
      %get3A_157 = arith.index_cast %add3A_155 : i32 to index
      %get3A_158 = tpu.vector_load %arg12[%get3A_156, %get3A_157] {strides = array<i32>} : memref<64x128xf32, #tpu.memory_space<vmem>>, vector<1x16xf32>,
      %get3A_159 = vector.shape_cast %get3A_158 : vector<1x16xf32> to vector<16xf32>
      %add3A_160 = arith.constant 48 : i32
      %add3A_161 = arith.addi %mul3A_34, %add3A_160 : i32
      %get3A_162 = arith.index_cast %scan3A_139 : i32 to index
      %get3A_163 = arith.index_cast %add3A_161 : i32 to index
      %get3A_164 = tpu.vector_load %arg13[%get3A_162, %get3A_163] {strides = array<i32>} : memref<64x128xf32, #tpu.memory_space<vmem>>, vector<1x16xf32>,
      %get3A_165 = vector.shape_cast %get3A_164 : vector<1x16xf32> to vector<16xf32>
      %max3A_166 = arith.constant 0.000000e+00 : f32
      %max3A_167 = vector.broadcast %max3A_166 : f32 to vector<16xf32>
      %max3A_168 = arith.maximumf %get3A_147, %max3A_167 : vector<16xf32>
      %add3A_169 = arith.constant 9.99999997E-7 : f32
      %add3A_170 = vector.broadcast %add3A_169 : f32 to vector<16xf32>
      %add3A_171 = arith.addf %max3A_168, %add3A_170 : vector<16xf32>
      %sub3A_172 = arith.constant 1.57079637 : f32
      %sub3A_173 = vector.broadcast %sub3A_172 : f32 to vector<16xf32>
      %sub3A_174 = arith.subf %get3A_159, %sub3A_173 : vector<16xf32>
      %mul3A_175 = arith.mulf %sub3A_174, %sub3A_174 : vector<16xf32>
      %mul3A_176 = arith.constant 2.3153174E-5 : f32
      %mul3A_177 = vector.broadcast %mul3A_176 : f32 to vector<16xf32>
      %mul3A_178 = arith.mulf %mul3A_175, %mul3A_177 : vector<16xf32>
      %add3A_179 = arith.constant -0.00138536666 : f32
      %add3A_180 = vector.broadcast %add3A_179 : f32 to vector<16xf32>
      %add3A_181 = arith.addf %add3A_180, %mul3A_178 : vector<16xf32>
      %mul3A_182 = arith.mulf %mul3A_175, %add3A_181 : vector<16xf32>
      %add3A_183 = arith.constant 0.0416635796 : f32
      %add3A_184 = vector.broadcast %add3A_183 : f32 to vector<16xf32>
      %add3A_185 = arith.addf %add3A_184, %mul3A_182 : vector<16xf32>
      %mul3A_186 = arith.mulf %mul3A_175, %add3A_185 : vector<16xf32>
      %add3A_187 = arith.constant -0.499999046 : f32
      %add3A_188 = vector.broadcast %add3A_187 : f32 to vector<16xf32>
      %add3A_189 = arith.addf %add3A_188, %mul3A_186 : vector<16xf32>
      %mul3A_190 = arith.mulf %mul3A_175, %add3A_189 : vector<16xf32>
      %add3A_191 = arith.constant 0.99999994 : f32
      %add3A_192 = vector.broadcast %add3A_191 : f32 to vector<16xf32>
      %add3A_193 = arith.addf %add3A_192, %mul3A_190 : vector<16xf32>
      %mul3A_194 = arith.constant -1.8362749E-4 : f32
      %mul3A_195 = vector.broadcast %mul3A_194 : f32 to vector<16xf32>
      %mul3A_196 = arith.mulf %mul3A_175, %mul3A_195 : vector<16xf32>
      %add3A_197 = arith.constant 0.0083062863 : f32
      %add3A_198 = vector.broadcast %add3A_197 : f32 to vector<16xf32>
      %add3A_199 = arith.addf %add3A_198, %mul3A_196 : vector<16xf32>
      %mul3A_200 = arith.mulf %mul3A_175, %add3A_199 : vector<16xf32>
      %add3A_201 = arith.constant -0.166648239 : f32
      %add3A_202 = vector.broadcast %add3A_201 : f32 to vector<16xf32>
      %add3A_203 = arith.addf %add3A_202, %mul3A_200 : vector<16xf32>
      %mul3A_204 = arith.mulf %mul3A_175, %add3A_203 : vector<16xf32>
      %add3A_205 = arith.constant 0.999996602 : f32
      %add3A_206 = vector.broadcast %add3A_205 : f32 to vector<16xf32>
      %add3A_207 = arith.addf %add3A_206, %mul3A_204 : vector<16xf32>
      %mul3A_208 = arith.mulf %sub3A_174, %add3A_207 : vector<16xf32>
      %mul3A_209 = arith.constant 5.000000e-01 : f32
      %mul3A_210 = vector.broadcast %mul3A_209 : f32 to vector<16xf32>
      %mul3A_211 = arith.mulf %get3A_165, %mul3A_210 : vector<16xf32>
      %sub3A_212 = arith.constant 1.57079637 : f32
      %sub3A_213 = vector.broadcast %sub3A_212 : f32 to vector<16xf32>
      %sub3A_214 = arith.subf %mul3A_211, %sub3A_213 : vector<16xf32>
      %mul3A_215 = arith.mulf %sub3A_214, %sub3A_214 : vector<16xf32>
      %mul3A_216 = arith.constant -1.8362749E-4 : f32
      %mul3A_217 = vector.broadcast %mul3A_216 : f32 to vector<16xf32>
      %mul3A_218 = arith.mulf %mul3A_215, %mul3A_217 : vector<16xf32>
      %add3A_219 = arith.constant 0.0083062863 : f32
      %add3A_220 = vector.broadcast %add3A_219 : f32 to vector<16xf32>
      %add3A_221 = arith.addf %add3A_220, %mul3A_218 : vector<16xf32>
      %mul3A_222 = arith.mulf %mul3A_215, %add3A_221 : vector<16xf32>
      %add3A_223 = arith.constant -0.166648239 : f32
      %add3A_224 = vector.broadcast %add3A_223 : f32 to vector<16xf32>
      %add3A_225 = arith.addf %add3A_224, %mul3A_222 : vector<16xf32>
      %mul3A_226 = arith.mulf %mul3A_215, %add3A_225 : vector<16xf32>
      %add3A_227 = arith.constant 0.999996602 : f32
      %add3A_228 = vector.broadcast %add3A_227 : f32 to vector<16xf32>
      %add3A_229 = arith.addf %add3A_228, %mul3A_226 : vector<16xf32>
      %mul3A_230 = arith.mulf %sub3A_214, %add3A_229 : vector<16xf32>
      %mul3A_231 = arith.constant 2.3153174E-5 : f32
      %mul3A_232 = vector.broadcast %mul3A_231 : f32 to vector<16xf32>
      %mul3A_233 = arith.mulf %mul3A_215, %mul3A_232 : vector<16xf32>
      %add3A_234 = arith.constant -0.00138536666 : f32
      %add3A_235 = vector.broadcast %add3A_234 : f32 to vector<16xf32>
      %add3A_236 = arith.addf %add3A_235, %mul3A_233 : vector<16xf32>
      %mul3A_237 = arith.mulf %mul3A_215, %add3A_236 : vector<16xf32>
      %add3A_238 = arith.constant 0.0416635796 : f32
      %add3A_239 = vector.broadcast %add3A_238 : f32 to vector<16xf32>
      %add3A_240 = arith.addf %add3A_239, %mul3A_237 : vector<16xf32>
      %mul3A_241 = arith.mulf %mul3A_215, %add3A_240 : vector<16xf32>
      %add3A_242 = arith.constant -0.499999046 : f32
      %add3A_243 = vector.broadcast %add3A_242 : f32 to vector<16xf32>
      %add3A_244 = arith.addf %add3A_243, %mul3A_241 : vector<16xf32>
      %mul3A_245 = arith.mulf %mul3A_215, %add3A_244 : vector<16xf32>
      %add3A_246 = arith.constant 0.99999994 : f32
      %add3A_247 = vector.broadcast %add3A_246 : f32 to vector<16xf32>
      %add3A_248 = arith.addf %add3A_247, %mul3A_245 : vector<16xf32>
      %mul3A_249 = arith.constant 2.000000e+00 : f32
      %mul3A_250 = vector.broadcast %mul3A_249 : f32 to vector<16xf32>
      %mul3A_251 = arith.mulf %mul3A_250, %mul3A_230 : vector<16xf32>
      %mul3A_252 = arith.mulf %mul3A_251, %add3A_248 : vector<16xf32>
      %mul3A_253 = arith.mulf %mul3A_230, %mul3A_230 : vector<16xf32>
      %mul3A_254 = arith.constant 2.000000e+00 : f32
      %mul3A_255 = vector.broadcast %mul3A_254 : f32 to vector<16xf32>
      %mul3A_256 = arith.mulf %mul3A_255, %mul3A_253 : vector<16xf32>
      %sub3A_257 = arith.constant 1.000000e+00 : f32
      %sub3A_258 = vector.broadcast %sub3A_257 : f32 to vector<16xf32>
      %sub3A_259 = arith.subf %mul3A_256, %sub3A_258 : vector<16xf32>
      %mul3A_260 = arith.mulf %sub3A_259, %get3A_114 : vector<16xf32>
      %mul3A_261 = arith.mulf %mul3A_252, %get3A_117 : vector<16xf32>
      %sub3A_262 = arith.subf %mul3A_260, %mul3A_261 : vector<16xf32>
      %mul3A_263 = arith.mulf %add3A_193, %sub3A_262 : vector<16xf32>
      %mul3A_264 = arith.mulf %mul3A_208, %get3A_120 : vector<16xf32>
      %sub3A_265 = arith.subf %mul3A_263, %mul3A_264 : vector<16xf32>
      %max3A_266 = arith.constant 9.99999997E-7 : f32
      %max3A_267 = vector.broadcast %max3A_266 : f32 to vector<16xf32>
      %max3A_268 = arith.maximumf %get3A_153, %max3A_267 : vector<16xf32>
      %mul3A_269 = arith.constant -2.000000e+00 : f32
      %mul3A_270 = vector.broadcast %mul3A_269 : f32 to vector<16xf32>
      %mul3A_271 = arith.mulf %mul3A_270, %max3A_268 : vector<16xf32>
      %exp3A = math.exp %mul3A_271 : vector<16xf32>
      %sub3A_272 = arith.constant 1.000000e+00 : f32
      %sub3A_273 = vector.broadcast %sub3A_272 : f32 to vector<16xf32>
      %sub3A_274 = arith.subf %sub3A_273, %exp3A : vector<16xf32>
      %mul3A_275 = arith.constant 6.28318548 : f32
      %mul3A_276 = vector.broadcast %mul3A_275 : f32 to vector<16xf32>
      %mul3A_277 = arith.mulf %mul3A_276, %sub3A_274 : vector<16xf32>
      %div3A_278 = arith.divf %max3A_268, %mul3A_277 : vector<16xf32>
      %sub3A_279 = arith.constant 1.000000e+00 : f32
      %sub3A_280 = vector.broadcast %sub3A_279 : f32 to vector<16xf32>
      %sub3A_281 = arith.subf %sub3A_265, %sub3A_280 : vector<16xf32>
      %mul3A_282 = arith.mulf %get3A_153, %sub3A_281 : vector<16xf32>
      %exp3A_283 = math.exp %mul3A_282 : vector<16xf32>
      %mul3A_284 = arith.mulf %div3A_278, %exp3A_283 : vector<16xf32>
      %mul3A_285 = arith.mulf %add3A_171, %mul3A_284 : vector<16xf32>
      %add3A_286 = arith.addf %scan3A_140, %mul3A_285 : vector<16xf32>
      %add3A_287 = arith.addf %scan3A_141, %add3A_171 : vector<16xf32>
      scf.yield %add3A_286, %add3A_287 : vector<16xf32>, vector<16xf32>
    }
    %scan3A_130 = arith.constant 64 : i32
    %max3A_131 = arith.constant 9.99999974E-6 : f32
    %max3A_132 = vector.broadcast %max3A_131 : f32 to vector<16xf32>
    %max3A_133 = arith.maximumf %scan3A_129#1, %max3A_132 : vector<16xf32>
    %div3A_134 = arith.divf %scan3A_129#0, %max3A_133 : vector<16xf32>
    %swap3A_135 = arith.constant 48 : index
    %swap3A_136 = tpu.vector_load %arg17[%swap3A_135] {strides = array<i32>} : memref<64xf32, #tpu.memory_space<vmem>>, vector<16xf32>,
    %swap3A_137 = vector.shape_cast %swap3A_136 : vector<16xf32> to vector<16xf32>
    %swap3A_138 = vector.shape_cast %div3A_134 : vector<16xf32> to vector<16xf32>
    tpu.vector_store %arg17[%swap3A_135], %swap3A_138 {strides = array<i32>} : memref<64xf32, #tpu.memory_space<vmem>>, vector<16xf32>,
    "tpu.region"() ({
      %run_scoped3A = tpu.sem_alloc : memref<!tpu.dma_semaphore, #tpu.memory_space<semaphore_mem>>
      %dma_start3A = tpu.memref_slice %arg9[%add3A_35] : memref<2048xf32, #tpu.memory_space<hbm>> -> memref<64xf32, #tpu.memory_space<hbm>>
      %dma_start3A_139 = tpu.memref_slice %arg9[%add3A_35] : memref<2048xf32, #tpu.memory_space<hbm>> -> memref<64xf32, #tpu.memory_space<hbm>>
      tpu.enqueue_dma source(%arg17 : memref<64xf32, #tpu.memory_space<vmem>>) target(%dma_start3A_139 : memref<64xf32, #tpu.memory_space<hbm>>) target_semaphore(%run_scoped3A : memref<!tpu.dma_semaphore, #tpu.memory_space<semaphore_mem>>)
      %dma_wait3A = tpu.memref_slice %arg9[%add3A_35] : memref<2048xf32, #tpu.memory_space<hbm>> -> memref<64xf32, #tpu.memory_space<hbm>>
      %dma_wait3A_140 = tpu.memref_slice %arg9[%add3A_35] : memref<2048xf32, #tpu.memory_space<hbm>> -> memref<64xf32, #tpu.memory_space<hbm>>
      tpu.wait_dma2 semaphore(%run_scoped3A : memref<!tpu.dma_semaphore, #tpu.memory_space<semaphore_mem>>) src(%arg17 : memref<64xf32, #tpu.memory_space<vmem>>) dst(%dma_wait3A_140 : memref<64xf32, #tpu.memory_space<hbm>>)
      tpu.yield
    }) : () -> ()
    return
  }
}

module attributes {stable_mosaic.version = 14 : i64} {
  func.func @_tc_body(%arg0: i32, %arg1: memref<64x2048xf32, #tpu.memory_space<vmem>>, %arg2: memref<64x2048xf32, #tpu.memory_space<vmem>>, %arg3: memref<64x2048xf32, #tpu.memory_space<vmem>>, %arg4: memref<64x2048xf32, #tpu.memory_space<vmem>>, %arg5: memref<2048xf32, #tpu.memory_space<vmem>>, %arg6: memref<2048xf32, #tpu.memory_space<vmem>>, %arg7: memref<2048xf32, #tpu.memory_space<vmem>>, %arg8: memref<2048xf32, #tpu.memory_space<vmem>>) attributes {dimension_semantics = [#tpu.dimension_semantics<arbitrary>], iteration_bounds = array<i64: 7>, scalar_prefetch = 0 : i64, scratch_operands = 0 : i64, tpu.core_type = #tpu.core_type<tc>, window_params = [{transform_indices = @transform_0, window_bounds = array<i64: 64, 2048>}, {transform_indices = @transform_1, window_bounds = array<i64: 64, 2048>}, {transform_indices = @transform_2, window_bounds = array<i64: 64, 2048>}, {transform_indices = @transform_3, window_bounds = array<i64: 64, 2048>}, {transform_indices = @transform_4, window_bounds = array<i64: 2048>}, {transform_indices = @transform_5, window_bounds = array<i64: 2048>}, {transform_indices = @transform_6, window_bounds = array<i64: 2048>}, {transform_indices = @transform_7, window_bounds = array<i64: 2048>}]} {
    %get3A = arith.constant 0 : index
    %get3A_0 = vector.load %arg5[%get3A] : memref<2048xf32, #tpu.memory_space<vmem>>, vector<2048xf32>
    %broadcast_in_dim3A = vector.shape_cast %get3A_0 : vector<2048xf32> to vector<1x2048xf32>
    %get3A_1 = arith.constant 0 : index
    %get3A_2 = vector.load %arg6[%get3A_1] : memref<2048xf32, #tpu.memory_space<vmem>>, vector<2048xf32>
    %broadcast_in_dim3A_3 = vector.shape_cast %get3A_2 : vector<2048xf32> to vector<1x2048xf32>
    %get3A_4 = arith.constant 0 : index
    %get3A_5 = vector.load %arg7[%get3A_4] : memref<2048xf32, #tpu.memory_space<vmem>>, vector<2048xf32>
    %broadcast_in_dim3A_6 = vector.shape_cast %get3A_5 : vector<2048xf32> to vector<1x2048xf32>
    %broadcast_in_dim3A_7 = arith.constant 0.000000e+00 : f32
    %broadcast_in_dim3A_8 = vector.broadcast %broadcast_in_dim3A_7 : f32 to vector<8x2048xf32>
    %broadcast_in_dim3A_9 = arith.constant 0.000000e+00 : f32
    %broadcast_in_dim3A_10 = vector.broadcast %broadcast_in_dim3A_9 : f32 to vector<8x2048xf32>
    %get3A_11 = arith.constant 0 : index
    %get3A_12 = arith.constant 0 : index
    %get3A_13 = vector.load %arg1[%get3A_11, %get3A_12] : memref<64x2048xf32, #tpu.memory_space<vmem>>, vector<8x2048xf32>
    %get3A_14 = arith.constant 0 : index
    %get3A_15 = arith.constant 0 : index
    %get3A_16 = vector.load %arg2[%get3A_14, %get3A_15] : memref<64x2048xf32, #tpu.memory_space<vmem>>, vector<8x2048xf32>
    %get3A_17 = arith.constant 0 : index
    %get3A_18 = arith.constant 0 : index
    %get3A_19 = vector.load %arg3[%get3A_17, %get3A_18] : memref<64x2048xf32, #tpu.memory_space<vmem>>, vector<8x2048xf32>
    %get3A_20 = arith.constant 0 : index
    %get3A_21 = arith.constant 0 : index
    %get3A_22 = vector.load %arg4[%get3A_20, %get3A_21] : memref<64x2048xf32, #tpu.memory_space<vmem>>, vector<8x2048xf32>
    %max3A = arith.constant 0.000000e+00 : f32
    %max3A_23 = vector.broadcast %max3A : f32 to vector<8x2048xf32>
    %max3A_24 = arith.maximumf %get3A_13, %max3A_23 : vector<8x2048xf32>
    %add3A = arith.constant 9.99999997E-7 : f32
    %add3A_25 = vector.broadcast %add3A : f32 to vector<8x2048xf32>
    %add3A_26 = arith.addf %max3A_24, %add3A_25 : vector<8x2048xf32>
    %sub3A = arith.constant 1.57079637 : f32
    %sub3A_27 = vector.broadcast %sub3A : f32 to vector<8x2048xf32>
    %sub3A_28 = arith.subf %get3A_19, %sub3A_27 : vector<8x2048xf32>
    %mul3A = arith.mulf %sub3A_28, %sub3A_28 : vector<8x2048xf32>
    %mul3A_29 = arith.constant 2.3153174E-5 : f32
    %mul3A_30 = vector.broadcast %mul3A_29 : f32 to vector<8x2048xf32>
    %mul3A_31 = arith.mulf %mul3A, %mul3A_30 : vector<8x2048xf32>
    %add3A_32 = arith.constant -0.00138536666 : f32
    %add3A_33 = vector.broadcast %add3A_32 : f32 to vector<8x2048xf32>
    %add3A_34 = arith.addf %add3A_33, %mul3A_31 : vector<8x2048xf32>
    %mul3A_35 = arith.mulf %mul3A, %add3A_34 : vector<8x2048xf32>
    %add3A_36 = arith.constant 0.0416635796 : f32
    %add3A_37 = vector.broadcast %add3A_36 : f32 to vector<8x2048xf32>
    %add3A_38 = arith.addf %add3A_37, %mul3A_35 : vector<8x2048xf32>
    %mul3A_39 = arith.mulf %mul3A, %add3A_38 : vector<8x2048xf32>
    %add3A_40 = arith.constant -0.499999046 : f32
    %add3A_41 = vector.broadcast %add3A_40 : f32 to vector<8x2048xf32>
    %add3A_42 = arith.addf %add3A_41, %mul3A_39 : vector<8x2048xf32>
    %mul3A_43 = arith.mulf %mul3A, %add3A_42 : vector<8x2048xf32>
    %add3A_44 = arith.constant 0.99999994 : f32
    %add3A_45 = vector.broadcast %add3A_44 : f32 to vector<8x2048xf32>
    %add3A_46 = arith.addf %add3A_45, %mul3A_43 : vector<8x2048xf32>
    %mul3A_47 = arith.constant -1.8362749E-4 : f32
    %mul3A_48 = vector.broadcast %mul3A_47 : f32 to vector<8x2048xf32>
    %mul3A_49 = arith.mulf %mul3A, %mul3A_48 : vector<8x2048xf32>
    %add3A_50 = arith.constant 0.0083062863 : f32
    %add3A_51 = vector.broadcast %add3A_50 : f32 to vector<8x2048xf32>
    %add3A_52 = arith.addf %add3A_51, %mul3A_49 : vector<8x2048xf32>
    %mul3A_53 = arith.mulf %mul3A, %add3A_52 : vector<8x2048xf32>
    %add3A_54 = arith.constant -0.166648239 : f32
    %add3A_55 = vector.broadcast %add3A_54 : f32 to vector<8x2048xf32>
    %add3A_56 = arith.addf %add3A_55, %mul3A_53 : vector<8x2048xf32>
    %mul3A_57 = arith.mulf %mul3A, %add3A_56 : vector<8x2048xf32>
    %add3A_58 = arith.constant 0.999996602 : f32
    %add3A_59 = vector.broadcast %add3A_58 : f32 to vector<8x2048xf32>
    %add3A_60 = arith.addf %add3A_59, %mul3A_57 : vector<8x2048xf32>
    %mul3A_61 = arith.mulf %sub3A_28, %add3A_60 : vector<8x2048xf32>
    %mul3A_62 = arith.constant 5.000000e-01 : f32
    %mul3A_63 = vector.broadcast %mul3A_62 : f32 to vector<8x2048xf32>
    %mul3A_64 = arith.mulf %get3A_22, %mul3A_63 : vector<8x2048xf32>
    %sub3A_65 = arith.constant 1.57079637 : f32
    %sub3A_66 = vector.broadcast %sub3A_65 : f32 to vector<8x2048xf32>
    %sub3A_67 = arith.subf %mul3A_64, %sub3A_66 : vector<8x2048xf32>
    %mul3A_68 = arith.mulf %sub3A_67, %sub3A_67 : vector<8x2048xf32>
    %mul3A_69 = arith.constant -1.8362749E-4 : f32
    %mul3A_70 = vector.broadcast %mul3A_69 : f32 to vector<8x2048xf32>
    %mul3A_71 = arith.mulf %mul3A_68, %mul3A_70 : vector<8x2048xf32>
    %add3A_72 = arith.constant 0.0083062863 : f32
    %add3A_73 = vector.broadcast %add3A_72 : f32 to vector<8x2048xf32>
    %add3A_74 = arith.addf %add3A_73, %mul3A_71 : vector<8x2048xf32>
    %mul3A_75 = arith.mulf %mul3A_68, %add3A_74 : vector<8x2048xf32>
    %add3A_76 = arith.constant -0.166648239 : f32
    %add3A_77 = vector.broadcast %add3A_76 : f32 to vector<8x2048xf32>
    %add3A_78 = arith.addf %add3A_77, %mul3A_75 : vector<8x2048xf32>
    %mul3A_79 = arith.mulf %mul3A_68, %add3A_78 : vector<8x2048xf32>
    %add3A_80 = arith.constant 0.999996602 : f32
    %add3A_81 = vector.broadcast %add3A_80 : f32 to vector<8x2048xf32>
    %add3A_82 = arith.addf %add3A_81, %mul3A_79 : vector<8x2048xf32>
    %mul3A_83 = arith.mulf %sub3A_67, %add3A_82 : vector<8x2048xf32>
    %mul3A_84 = arith.constant 2.3153174E-5 : f32
    %mul3A_85 = vector.broadcast %mul3A_84 : f32 to vector<8x2048xf32>
    %mul3A_86 = arith.mulf %mul3A_68, %mul3A_85 : vector<8x2048xf32>
    %add3A_87 = arith.constant -0.00138536666 : f32
    %add3A_88 = vector.broadcast %add3A_87 : f32 to vector<8x2048xf32>
    %add3A_89 = arith.addf %add3A_88, %mul3A_86 : vector<8x2048xf32>
    %mul3A_90 = arith.mulf %mul3A_68, %add3A_89 : vector<8x2048xf32>
    %add3A_91 = arith.constant 0.0416635796 : f32
    %add3A_92 = vector.broadcast %add3A_91 : f32 to vector<8x2048xf32>
    %add3A_93 = arith.addf %add3A_92, %mul3A_90 : vector<8x2048xf32>
    %mul3A_94 = arith.mulf %mul3A_68, %add3A_93 : vector<8x2048xf32>
    %add3A_95 = arith.constant -0.499999046 : f32
    %add3A_96 = vector.broadcast %add3A_95 : f32 to vector<8x2048xf32>
    %add3A_97 = arith.addf %add3A_96, %mul3A_94 : vector<8x2048xf32>
    %mul3A_98 = arith.mulf %mul3A_68, %add3A_97 : vector<8x2048xf32>
    %add3A_99 = arith.constant 0.99999994 : f32
    %add3A_100 = vector.broadcast %add3A_99 : f32 to vector<8x2048xf32>
    %add3A_101 = arith.addf %add3A_100, %mul3A_98 : vector<8x2048xf32>
    %mul3A_102 = arith.constant 2.000000e+00 : f32
    %mul3A_103 = vector.broadcast %mul3A_102 : f32 to vector<8x2048xf32>
    %mul3A_104 = arith.mulf %mul3A_103, %mul3A_83 : vector<8x2048xf32>
    %mul3A_105 = arith.mulf %mul3A_104, %add3A_101 : vector<8x2048xf32>
    %mul3A_106 = arith.mulf %mul3A_83, %mul3A_83 : vector<8x2048xf32>
    %mul3A_107 = arith.constant 2.000000e+00 : f32
    %mul3A_108 = vector.broadcast %mul3A_107 : f32 to vector<8x2048xf32>
    %mul3A_109 = arith.mulf %mul3A_108, %mul3A_106 : vector<8x2048xf32>
    %sub3A_110 = arith.constant 1.000000e+00 : f32
    %sub3A_111 = vector.broadcast %sub3A_110 : f32 to vector<8x2048xf32>
    %sub3A_112 = arith.subf %mul3A_109, %sub3A_111 : vector<8x2048xf32>
    %mul3A_113 = vector.broadcast %broadcast_in_dim3A : vector<1x2048xf32> to vector<8x2048xf32>
    %mul3A_114 = arith.mulf %sub3A_112, %mul3A_113 : vector<8x2048xf32>
    %mul3A_115 = vector.broadcast %broadcast_in_dim3A_3 : vector<1x2048xf32> to vector<8x2048xf32>
    %mul3A_116 = arith.mulf %mul3A_105, %mul3A_115 : vector<8x2048xf32>
    %sub3A_117 = arith.subf %mul3A_114, %mul3A_116 : vector<8x2048xf32>
    %mul3A_118 = arith.mulf %add3A_46, %sub3A_117 : vector<8x2048xf32>
    %mul3A_119 = vector.broadcast %broadcast_in_dim3A_6 : vector<1x2048xf32> to vector<8x2048xf32>
    %mul3A_120 = arith.mulf %mul3A_61, %mul3A_119 : vector<8x2048xf32>
    %sub3A_121 = arith.subf %mul3A_118, %mul3A_120 : vector<8x2048xf32>
    %max3A_122 = arith.constant 9.99999997E-7 : f32
    %max3A_123 = vector.broadcast %max3A_122 : f32 to vector<8x2048xf32>
    %max3A_124 = arith.maximumf %get3A_16, %max3A_123 : vector<8x2048xf32>
    %mul3A_125 = arith.constant -2.000000e+00 : f32
    %mul3A_126 = vector.broadcast %mul3A_125 : f32 to vector<8x2048xf32>
    %mul3A_127 = arith.mulf %mul3A_126, %max3A_124 : vector<8x2048xf32>
    %exp3A = math.exp %mul3A_127 : vector<8x2048xf32>
    %sub3A_128 = arith.constant 1.000000e+00 : f32
    %sub3A_129 = vector.broadcast %sub3A_128 : f32 to vector<8x2048xf32>
    %sub3A_130 = arith.subf %sub3A_129, %exp3A : vector<8x2048xf32>
    %mul3A_131 = arith.constant 6.28318548 : f32
    %mul3A_132 = vector.broadcast %mul3A_131 : f32 to vector<8x2048xf32>
    %mul3A_133 = arith.mulf %mul3A_132, %sub3A_130 : vector<8x2048xf32>
    %div3A = arith.divf %max3A_124, %mul3A_133 : vector<8x2048xf32>
    %sub3A_134 = arith.constant 1.000000e+00 : f32
    %sub3A_135 = vector.broadcast %sub3A_134 : f32 to vector<8x2048xf32>
    %sub3A_136 = arith.subf %sub3A_121, %sub3A_135 : vector<8x2048xf32>
    %mul3A_137 = arith.mulf %get3A_16, %sub3A_136 : vector<8x2048xf32>
    %exp3A_138 = math.exp %mul3A_137 : vector<8x2048xf32>
    %mul3A_139 = arith.mulf %div3A, %exp3A_138 : vector<8x2048xf32>
    %mul3A_140 = arith.mulf %add3A_26, %mul3A_139 : vector<8x2048xf32>
    %add3A_141 = arith.addf %broadcast_in_dim3A_8, %mul3A_140 : vector<8x2048xf32>
    %add3A_142 = arith.addf %broadcast_in_dim3A_10, %add3A_26 : vector<8x2048xf32>
    %get3A_143 = arith.constant 8 : index
    %get3A_144 = arith.constant 0 : index
    %get3A_145 = vector.load %arg1[%get3A_143, %get3A_144] : memref<64x2048xf32, #tpu.memory_space<vmem>>, vector<8x2048xf32>
    %get3A_146 = arith.constant 8 : index
    %get3A_147 = arith.constant 0 : index
    %get3A_148 = vector.load %arg2[%get3A_146, %get3A_147] : memref<64x2048xf32, #tpu.memory_space<vmem>>, vector<8x2048xf32>
    %get3A_149 = arith.constant 8 : index
    %get3A_150 = arith.constant 0 : index
    %get3A_151 = vector.load %arg3[%get3A_149, %get3A_150] : memref<64x2048xf32, #tpu.memory_space<vmem>>, vector<8x2048xf32>
    %get3A_152 = arith.constant 8 : index
    %get3A_153 = arith.constant 0 : index
    %get3A_154 = vector.load %arg4[%get3A_152, %get3A_153] : memref<64x2048xf32, #tpu.memory_space<vmem>>, vector<8x2048xf32>
    %max3A_155 = arith.constant 0.000000e+00 : f32
    %max3A_156 = vector.broadcast %max3A_155 : f32 to vector<8x2048xf32>
    %max3A_157 = arith.maximumf %get3A_145, %max3A_156 : vector<8x2048xf32>
    %add3A_158 = arith.constant 9.99999997E-7 : f32
    %add3A_159 = vector.broadcast %add3A_158 : f32 to vector<8x2048xf32>
    %add3A_160 = arith.addf %max3A_157, %add3A_159 : vector<8x2048xf32>
    %sub3A_161 = arith.constant 1.57079637 : f32
    %sub3A_162 = vector.broadcast %sub3A_161 : f32 to vector<8x2048xf32>
    %sub3A_163 = arith.subf %get3A_151, %sub3A_162 : vector<8x2048xf32>
    %mul3A_164 = arith.mulf %sub3A_163, %sub3A_163 : vector<8x2048xf32>
    %mul3A_165 = arith.constant 2.3153174E-5 : f32
    %mul3A_166 = vector.broadcast %mul3A_165 : f32 to vector<8x2048xf32>
    %mul3A_167 = arith.mulf %mul3A_164, %mul3A_166 : vector<8x2048xf32>
    %add3A_168 = arith.constant -0.00138536666 : f32
    %add3A_169 = vector.broadcast %add3A_168 : f32 to vector<8x2048xf32>
    %add3A_170 = arith.addf %add3A_169, %mul3A_167 : vector<8x2048xf32>
    %mul3A_171 = arith.mulf %mul3A_164, %add3A_170 : vector<8x2048xf32>
    %add3A_172 = arith.constant 0.0416635796 : f32
    %add3A_173 = vector.broadcast %add3A_172 : f32 to vector<8x2048xf32>
    %add3A_174 = arith.addf %add3A_173, %mul3A_171 : vector<8x2048xf32>
    %mul3A_175 = arith.mulf %mul3A_164, %add3A_174 : vector<8x2048xf32>
    %add3A_176 = arith.constant -0.499999046 : f32
    %add3A_177 = vector.broadcast %add3A_176 : f32 to vector<8x2048xf32>
    %add3A_178 = arith.addf %add3A_177, %mul3A_175 : vector<8x2048xf32>
    %mul3A_179 = arith.mulf %mul3A_164, %add3A_178 : vector<8x2048xf32>
    %add3A_180 = arith.constant 0.99999994 : f32
    %add3A_181 = vector.broadcast %add3A_180 : f32 to vector<8x2048xf32>
    %add3A_182 = arith.addf %add3A_181, %mul3A_179 : vector<8x2048xf32>
    %mul3A_183 = arith.constant -1.8362749E-4 : f32
    %mul3A_184 = vector.broadcast %mul3A_183 : f32 to vector<8x2048xf32>
    %mul3A_185 = arith.mulf %mul3A_164, %mul3A_184 : vector<8x2048xf32>
    %add3A_186 = arith.constant 0.0083062863 : f32
    %add3A_187 = vector.broadcast %add3A_186 : f32 to vector<8x2048xf32>
    %add3A_188 = arith.addf %add3A_187, %mul3A_185 : vector<8x2048xf32>
    %mul3A_189 = arith.mulf %mul3A_164, %add3A_188 : vector<8x2048xf32>
    %add3A_190 = arith.constant -0.166648239 : f32
    %add3A_191 = vector.broadcast %add3A_190 : f32 to vector<8x2048xf32>
    %add3A_192 = arith.addf %add3A_191, %mul3A_189 : vector<8x2048xf32>
    %mul3A_193 = arith.mulf %mul3A_164, %add3A_192 : vector<8x2048xf32>
    %add3A_194 = arith.constant 0.999996602 : f32
    %add3A_195 = vector.broadcast %add3A_194 : f32 to vector<8x2048xf32>
    %add3A_196 = arith.addf %add3A_195, %mul3A_193 : vector<8x2048xf32>
    %mul3A_197 = arith.mulf %sub3A_163, %add3A_196 : vector<8x2048xf32>
    %mul3A_198 = arith.constant 5.000000e-01 : f32
    %mul3A_199 = vector.broadcast %mul3A_198 : f32 to vector<8x2048xf32>
    %mul3A_200 = arith.mulf %get3A_154, %mul3A_199 : vector<8x2048xf32>
    %sub3A_201 = arith.constant 1.57079637 : f32
    %sub3A_202 = vector.broadcast %sub3A_201 : f32 to vector<8x2048xf32>
    %sub3A_203 = arith.subf %mul3A_200, %sub3A_202 : vector<8x2048xf32>
    %mul3A_204 = arith.mulf %sub3A_203, %sub3A_203 : vector<8x2048xf32>
    %mul3A_205 = arith.constant -1.8362749E-4 : f32
    %mul3A_206 = vector.broadcast %mul3A_205 : f32 to vector<8x2048xf32>
    %mul3A_207 = arith.mulf %mul3A_204, %mul3A_206 : vector<8x2048xf32>
    %add3A_208 = arith.constant 0.0083062863 : f32
    %add3A_209 = vector.broadcast %add3A_208 : f32 to vector<8x2048xf32>
    %add3A_210 = arith.addf %add3A_209, %mul3A_207 : vector<8x2048xf32>
    %mul3A_211 = arith.mulf %mul3A_204, %add3A_210 : vector<8x2048xf32>
    %add3A_212 = arith.constant -0.166648239 : f32
    %add3A_213 = vector.broadcast %add3A_212 : f32 to vector<8x2048xf32>
    %add3A_214 = arith.addf %add3A_213, %mul3A_211 : vector<8x2048xf32>
    %mul3A_215 = arith.mulf %mul3A_204, %add3A_214 : vector<8x2048xf32>
    %add3A_216 = arith.constant 0.999996602 : f32
    %add3A_217 = vector.broadcast %add3A_216 : f32 to vector<8x2048xf32>
    %add3A_218 = arith.addf %add3A_217, %mul3A_215 : vector<8x2048xf32>
    %mul3A_219 = arith.mulf %sub3A_203, %add3A_218 : vector<8x2048xf32>
    %mul3A_220 = arith.constant 2.3153174E-5 : f32
    %mul3A_221 = vector.broadcast %mul3A_220 : f32 to vector<8x2048xf32>
    %mul3A_222 = arith.mulf %mul3A_204, %mul3A_221 : vector<8x2048xf32>
    %add3A_223 = arith.constant -0.00138536666 : f32
    %add3A_224 = vector.broadcast %add3A_223 : f32 to vector<8x2048xf32>
    %add3A_225 = arith.addf %add3A_224, %mul3A_222 : vector<8x2048xf32>
    %mul3A_226 = arith.mulf %mul3A_204, %add3A_225 : vector<8x2048xf32>
    %add3A_227 = arith.constant 0.0416635796 : f32
    %add3A_228 = vector.broadcast %add3A_227 : f32 to vector<8x2048xf32>
    %add3A_229 = arith.addf %add3A_228, %mul3A_226 : vector<8x2048xf32>
    %mul3A_230 = arith.mulf %mul3A_204, %add3A_229 : vector<8x2048xf32>
    %add3A_231 = arith.constant -0.499999046 : f32
    %add3A_232 = vector.broadcast %add3A_231 : f32 to vector<8x2048xf32>
    %add3A_233 = arith.addf %add3A_232, %mul3A_230 : vector<8x2048xf32>
    %mul3A_234 = arith.mulf %mul3A_204, %add3A_233 : vector<8x2048xf32>
    %add3A_235 = arith.constant 0.99999994 : f32
    %add3A_236 = vector.broadcast %add3A_235 : f32 to vector<8x2048xf32>
    %add3A_237 = arith.addf %add3A_236, %mul3A_234 : vector<8x2048xf32>
    %mul3A_238 = arith.constant 2.000000e+00 : f32
    %mul3A_239 = vector.broadcast %mul3A_238 : f32 to vector<8x2048xf32>
    %mul3A_240 = arith.mulf %mul3A_239, %mul3A_219 : vector<8x2048xf32>
    %mul3A_241 = arith.mulf %mul3A_240, %add3A_237 : vector<8x2048xf32>
    %mul3A_242 = arith.mulf %mul3A_219, %mul3A_219 : vector<8x2048xf32>
    %mul3A_243 = arith.constant 2.000000e+00 : f32
    %mul3A_244 = vector.broadcast %mul3A_243 : f32 to vector<8x2048xf32>
    %mul3A_245 = arith.mulf %mul3A_244, %mul3A_242 : vector<8x2048xf32>
    %sub3A_246 = arith.constant 1.000000e+00 : f32
    %sub3A_247 = vector.broadcast %sub3A_246 : f32 to vector<8x2048xf32>
    %sub3A_248 = arith.subf %mul3A_245, %sub3A_247 : vector<8x2048xf32>
    %mul3A_249 = vector.broadcast %broadcast_in_dim3A : vector<1x2048xf32> to vector<8x2048xf32>
    %mul3A_250 = arith.mulf %sub3A_248, %mul3A_249 : vector<8x2048xf32>
    %mul3A_251 = vector.broadcast %broadcast_in_dim3A_3 : vector<1x2048xf32> to vector<8x2048xf32>
    %mul3A_252 = arith.mulf %mul3A_241, %mul3A_251 : vector<8x2048xf32>
    %sub3A_253 = arith.subf %mul3A_250, %mul3A_252 : vector<8x2048xf32>
    %mul3A_254 = arith.mulf %add3A_182, %sub3A_253 : vector<8x2048xf32>
    %mul3A_255 = vector.broadcast %broadcast_in_dim3A_6 : vector<1x2048xf32> to vector<8x2048xf32>
    %mul3A_256 = arith.mulf %mul3A_197, %mul3A_255 : vector<8x2048xf32>
    %sub3A_257 = arith.subf %mul3A_254, %mul3A_256 : vector<8x2048xf32>
    %max3A_258 = arith.constant 9.99999997E-7 : f32
    %max3A_259 = vector.broadcast %max3A_258 : f32 to vector<8x2048xf32>
    %max3A_260 = arith.maximumf %get3A_148, %max3A_259 : vector<8x2048xf32>
    %mul3A_261 = arith.constant -2.000000e+00 : f32
    %mul3A_262 = vector.broadcast %mul3A_261 : f32 to vector<8x2048xf32>
    %mul3A_263 = arith.mulf %mul3A_262, %max3A_260 : vector<8x2048xf32>
    %exp3A_264 = math.exp %mul3A_263 : vector<8x2048xf32>
    %sub3A_265 = arith.constant 1.000000e+00 : f32
    %sub3A_266 = vector.broadcast %sub3A_265 : f32 to vector<8x2048xf32>
    %sub3A_267 = arith.subf %sub3A_266, %exp3A_264 : vector<8x2048xf32>
    %mul3A_268 = arith.constant 6.28318548 : f32
    %mul3A_269 = vector.broadcast %mul3A_268 : f32 to vector<8x2048xf32>
    %mul3A_270 = arith.mulf %mul3A_269, %sub3A_267 : vector<8x2048xf32>
    %div3A_271 = arith.divf %max3A_260, %mul3A_270 : vector<8x2048xf32>
    %sub3A_272 = arith.constant 1.000000e+00 : f32
    %sub3A_273 = vector.broadcast %sub3A_272 : f32 to vector<8x2048xf32>
    %sub3A_274 = arith.subf %sub3A_257, %sub3A_273 : vector<8x2048xf32>
    %mul3A_275 = arith.mulf %get3A_148, %sub3A_274 : vector<8x2048xf32>
    %exp3A_276 = math.exp %mul3A_275 : vector<8x2048xf32>
    %mul3A_277 = arith.mulf %div3A_271, %exp3A_276 : vector<8x2048xf32>
    %mul3A_278 = arith.mulf %add3A_160, %mul3A_277 : vector<8x2048xf32>
    %add3A_279 = arith.addf %add3A_141, %mul3A_278 : vector<8x2048xf32>
    %add3A_280 = arith.addf %add3A_142, %add3A_160 : vector<8x2048xf32>
    %get3A_281 = arith.constant 16 : index
    %get3A_282 = arith.constant 0 : index
    %get3A_283 = vector.load %arg1[%get3A_281, %get3A_282] : memref<64x2048xf32, #tpu.memory_space<vmem>>, vector<8x2048xf32>
    %get3A_284 = arith.constant 16 : index
    %get3A_285 = arith.constant 0 : index
    %get3A_286 = vector.load %arg2[%get3A_284, %get3A_285] : memref<64x2048xf32, #tpu.memory_space<vmem>>, vector<8x2048xf32>
    %get3A_287 = arith.constant 16 : index
    %get3A_288 = arith.constant 0 : index
    %get3A_289 = vector.load %arg3[%get3A_287, %get3A_288] : memref<64x2048xf32, #tpu.memory_space<vmem>>, vector<8x2048xf32>
    %get3A_290 = arith.constant 16 : index
    %get3A_291 = arith.constant 0 : index
    %get3A_292 = vector.load %arg4[%get3A_290, %get3A_291] : memref<64x2048xf32, #tpu.memory_space<vmem>>, vector<8x2048xf32>
    %max3A_293 = arith.constant 0.000000e+00 : f32
    %max3A_294 = vector.broadcast %max3A_293 : f32 to vector<8x2048xf32>
    %max3A_295 = arith.maximumf %get3A_283, %max3A_294 : vector<8x2048xf32>
    %add3A_296 = arith.constant 9.99999997E-7 : f32
    %add3A_297 = vector.broadcast %add3A_296 : f32 to vector<8x2048xf32>
    %add3A_298 = arith.addf %max3A_295, %add3A_297 : vector<8x2048xf32>
    %sub3A_299 = arith.constant 1.57079637 : f32
    %sub3A_300 = vector.broadcast %sub3A_299 : f32 to vector<8x2048xf32>
    %sub3A_301 = arith.subf %get3A_289, %sub3A_300 : vector<8x2048xf32>
    %mul3A_302 = arith.mulf %sub3A_301, %sub3A_301 : vector<8x2048xf32>
    %mul3A_303 = arith.constant 2.3153174E-5 : f32
    %mul3A_304 = vector.broadcast %mul3A_303 : f32 to vector<8x2048xf32>
    %mul3A_305 = arith.mulf %mul3A_302, %mul3A_304 : vector<8x2048xf32>
    %add3A_306 = arith.constant -0.00138536666 : f32
    %add3A_307 = vector.broadcast %add3A_306 : f32 to vector<8x2048xf32>
    %add3A_308 = arith.addf %add3A_307, %mul3A_305 : vector<8x2048xf32>
    %mul3A_309 = arith.mulf %mul3A_302, %add3A_308 : vector<8x2048xf32>
    %add3A_310 = arith.constant 0.0416635796 : f32
    %add3A_311 = vector.broadcast %add3A_310 : f32 to vector<8x2048xf32>
    %add3A_312 = arith.addf %add3A_311, %mul3A_309 : vector<8x2048xf32>
    %mul3A_313 = arith.mulf %mul3A_302, %add3A_312 : vector<8x2048xf32>
    %add3A_314 = arith.constant -0.499999046 : f32
    %add3A_315 = vector.broadcast %add3A_314 : f32 to vector<8x2048xf32>
    %add3A_316 = arith.addf %add3A_315, %mul3A_313 : vector<8x2048xf32>
    %mul3A_317 = arith.mulf %mul3A_302, %add3A_316 : vector<8x2048xf32>
    %add3A_318 = arith.constant 0.99999994 : f32
    %add3A_319 = vector.broadcast %add3A_318 : f32 to vector<8x2048xf32>
    %add3A_320 = arith.addf %add3A_319, %mul3A_317 : vector<8x2048xf32>
    %mul3A_321 = arith.constant -1.8362749E-4 : f32
    %mul3A_322 = vector.broadcast %mul3A_321 : f32 to vector<8x2048xf32>
    %mul3A_323 = arith.mulf %mul3A_302, %mul3A_322 : vector<8x2048xf32>
    %add3A_324 = arith.constant 0.0083062863 : f32
    %add3A_325 = vector.broadcast %add3A_324 : f32 to vector<8x2048xf32>
    %add3A_326 = arith.addf %add3A_325, %mul3A_323 : vector<8x2048xf32>
    %mul3A_327 = arith.mulf %mul3A_302, %add3A_326 : vector<8x2048xf32>
    %add3A_328 = arith.constant -0.166648239 : f32
    %add3A_329 = vector.broadcast %add3A_328 : f32 to vector<8x2048xf32>
    %add3A_330 = arith.addf %add3A_329, %mul3A_327 : vector<8x2048xf32>
    %mul3A_331 = arith.mulf %mul3A_302, %add3A_330 : vector<8x2048xf32>
    %add3A_332 = arith.constant 0.999996602 : f32
    %add3A_333 = vector.broadcast %add3A_332 : f32 to vector<8x2048xf32>
    %add3A_334 = arith.addf %add3A_333, %mul3A_331 : vector<8x2048xf32>
    %mul3A_335 = arith.mulf %sub3A_301, %add3A_334 : vector<8x2048xf32>
    %mul3A_336 = arith.constant 5.000000e-01 : f32
    %mul3A_337 = vector.broadcast %mul3A_336 : f32 to vector<8x2048xf32>
    %mul3A_338 = arith.mulf %get3A_292, %mul3A_337 : vector<8x2048xf32>
    %sub3A_339 = arith.constant 1.57079637 : f32
    %sub3A_340 = vector.broadcast %sub3A_339 : f32 to vector<8x2048xf32>
    %sub3A_341 = arith.subf %mul3A_338, %sub3A_340 : vector<8x2048xf32>
    %mul3A_342 = arith.mulf %sub3A_341, %sub3A_341 : vector<8x2048xf32>
    %mul3A_343 = arith.constant -1.8362749E-4 : f32
    %mul3A_344 = vector.broadcast %mul3A_343 : f32 to vector<8x2048xf32>
    %mul3A_345 = arith.mulf %mul3A_342, %mul3A_344 : vector<8x2048xf32>
    %add3A_346 = arith.constant 0.0083062863 : f32
    %add3A_347 = vector.broadcast %add3A_346 : f32 to vector<8x2048xf32>
    %add3A_348 = arith.addf %add3A_347, %mul3A_345 : vector<8x2048xf32>
    %mul3A_349 = arith.mulf %mul3A_342, %add3A_348 : vector<8x2048xf32>
    %add3A_350 = arith.constant -0.166648239 : f32
    %add3A_351 = vector.broadcast %add3A_350 : f32 to vector<8x2048xf32>
    %add3A_352 = arith.addf %add3A_351, %mul3A_349 : vector<8x2048xf32>
    %mul3A_353 = arith.mulf %mul3A_342, %add3A_352 : vector<8x2048xf32>
    %add3A_354 = arith.constant 0.999996602 : f32
    %add3A_355 = vector.broadcast %add3A_354 : f32 to vector<8x2048xf32>
    %add3A_356 = arith.addf %add3A_355, %mul3A_353 : vector<8x2048xf32>
    %mul3A_357 = arith.mulf %sub3A_341, %add3A_356 : vector<8x2048xf32>
    %mul3A_358 = arith.constant 2.3153174E-5 : f32
    %mul3A_359 = vector.broadcast %mul3A_358 : f32 to vector<8x2048xf32>
    %mul3A_360 = arith.mulf %mul3A_342, %mul3A_359 : vector<8x2048xf32>
    %add3A_361 = arith.constant -0.00138536666 : f32
    %add3A_362 = vector.broadcast %add3A_361 : f32 to vector<8x2048xf32>
    %add3A_363 = arith.addf %add3A_362, %mul3A_360 : vector<8x2048xf32>
    %mul3A_364 = arith.mulf %mul3A_342, %add3A_363 : vector<8x2048xf32>
    %add3A_365 = arith.constant 0.0416635796 : f32
    %add3A_366 = vector.broadcast %add3A_365 : f32 to vector<8x2048xf32>
    %add3A_367 = arith.addf %add3A_366, %mul3A_364 : vector<8x2048xf32>
    %mul3A_368 = arith.mulf %mul3A_342, %add3A_367 : vector<8x2048xf32>
    %add3A_369 = arith.constant -0.499999046 : f32
    %add3A_370 = vector.broadcast %add3A_369 : f32 to vector<8x2048xf32>
    %add3A_371 = arith.addf %add3A_370, %mul3A_368 : vector<8x2048xf32>
    %mul3A_372 = arith.mulf %mul3A_342, %add3A_371 : vector<8x2048xf32>
    %add3A_373 = arith.constant 0.99999994 : f32
    %add3A_374 = vector.broadcast %add3A_373 : f32 to vector<8x2048xf32>
    %add3A_375 = arith.addf %add3A_374, %mul3A_372 : vector<8x2048xf32>
    %mul3A_376 = arith.constant 2.000000e+00 : f32
    %mul3A_377 = vector.broadcast %mul3A_376 : f32 to vector<8x2048xf32>
    %mul3A_378 = arith.mulf %mul3A_377, %mul3A_357 : vector<8x2048xf32>
    %mul3A_379 = arith.mulf %mul3A_378, %add3A_375 : vector<8x2048xf32>
    %mul3A_380 = arith.mulf %mul3A_357, %mul3A_357 : vector<8x2048xf32>
    %mul3A_381 = arith.constant 2.000000e+00 : f32
    %mul3A_382 = vector.broadcast %mul3A_381 : f32 to vector<8x2048xf32>
    %mul3A_383 = arith.mulf %mul3A_382, %mul3A_380 : vector<8x2048xf32>
    %sub3A_384 = arith.constant 1.000000e+00 : f32
    %sub3A_385 = vector.broadcast %sub3A_384 : f32 to vector<8x2048xf32>
    %sub3A_386 = arith.subf %mul3A_383, %sub3A_385 : vector<8x2048xf32>
    %mul3A_387 = vector.broadcast %broadcast_in_dim3A : vector<1x2048xf32> to vector<8x2048xf32>
    %mul3A_388 = arith.mulf %sub3A_386, %mul3A_387 : vector<8x2048xf32>
    %mul3A_389 = vector.broadcast %broadcast_in_dim3A_3 : vector<1x2048xf32> to vector<8x2048xf32>
    %mul3A_390 = arith.mulf %mul3A_379, %mul3A_389 : vector<8x2048xf32>
    %sub3A_391 = arith.subf %mul3A_388, %mul3A_390 : vector<8x2048xf32>
    %mul3A_392 = arith.mulf %add3A_320, %sub3A_391 : vector<8x2048xf32>
    %mul3A_393 = vector.broadcast %broadcast_in_dim3A_6 : vector<1x2048xf32> to vector<8x2048xf32>
    %mul3A_394 = arith.mulf %mul3A_335, %mul3A_393 : vector<8x2048xf32>
    %sub3A_395 = arith.subf %mul3A_392, %mul3A_394 : vector<8x2048xf32>
    %max3A_396 = arith.constant 9.99999997E-7 : f32
    %max3A_397 = vector.broadcast %max3A_396 : f32 to vector<8x2048xf32>
    %max3A_398 = arith.maximumf %get3A_286, %max3A_397 : vector<8x2048xf32>
    %mul3A_399 = arith.constant -2.000000e+00 : f32
    %mul3A_400 = vector.broadcast %mul3A_399 : f32 to vector<8x2048xf32>
    %mul3A_401 = arith.mulf %mul3A_400, %max3A_398 : vector<8x2048xf32>
    %exp3A_402 = math.exp %mul3A_401 : vector<8x2048xf32>
    %sub3A_403 = arith.constant 1.000000e+00 : f32
    %sub3A_404 = vector.broadcast %sub3A_403 : f32 to vector<8x2048xf32>
    %sub3A_405 = arith.subf %sub3A_404, %exp3A_402 : vector<8x2048xf32>
    %mul3A_406 = arith.constant 6.28318548 : f32
    %mul3A_407 = vector.broadcast %mul3A_406 : f32 to vector<8x2048xf32>
    %mul3A_408 = arith.mulf %mul3A_407, %sub3A_405 : vector<8x2048xf32>
    %div3A_409 = arith.divf %max3A_398, %mul3A_408 : vector<8x2048xf32>
    %sub3A_410 = arith.constant 1.000000e+00 : f32
    %sub3A_411 = vector.broadcast %sub3A_410 : f32 to vector<8x2048xf32>
    %sub3A_412 = arith.subf %sub3A_395, %sub3A_411 : vector<8x2048xf32>
    %mul3A_413 = arith.mulf %get3A_286, %sub3A_412 : vector<8x2048xf32>
    %exp3A_414 = math.exp %mul3A_413 : vector<8x2048xf32>
    %mul3A_415 = arith.mulf %div3A_409, %exp3A_414 : vector<8x2048xf32>
    %mul3A_416 = arith.mulf %add3A_298, %mul3A_415 : vector<8x2048xf32>
    %add3A_417 = arith.addf %add3A_279, %mul3A_416 : vector<8x2048xf32>
    %add3A_418 = arith.addf %add3A_280, %add3A_298 : vector<8x2048xf32>
    %get3A_419 = arith.constant 24 : index
    %get3A_420 = arith.constant 0 : index
    %get3A_421 = vector.load %arg1[%get3A_419, %get3A_420] : memref<64x2048xf32, #tpu.memory_space<vmem>>, vector<8x2048xf32>
    %get3A_422 = arith.constant 24 : index
    %get3A_423 = arith.constant 0 : index
    %get3A_424 = vector.load %arg2[%get3A_422, %get3A_423] : memref<64x2048xf32, #tpu.memory_space<vmem>>, vector<8x2048xf32>
    %get3A_425 = arith.constant 24 : index
    %get3A_426 = arith.constant 0 : index
    %get3A_427 = vector.load %arg3[%get3A_425, %get3A_426] : memref<64x2048xf32, #tpu.memory_space<vmem>>, vector<8x2048xf32>
    %get3A_428 = arith.constant 24 : index
    %get3A_429 = arith.constant 0 : index
    %get3A_430 = vector.load %arg4[%get3A_428, %get3A_429] : memref<64x2048xf32, #tpu.memory_space<vmem>>, vector<8x2048xf32>
    %max3A_431 = arith.constant 0.000000e+00 : f32
    %max3A_432 = vector.broadcast %max3A_431 : f32 to vector<8x2048xf32>
    %max3A_433 = arith.maximumf %get3A_421, %max3A_432 : vector<8x2048xf32>
    %add3A_434 = arith.constant 9.99999997E-7 : f32
    %add3A_435 = vector.broadcast %add3A_434 : f32 to vector<8x2048xf32>
    %add3A_436 = arith.addf %max3A_433, %add3A_435 : vector<8x2048xf32>
    %sub3A_437 = arith.constant 1.57079637 : f32
    %sub3A_438 = vector.broadcast %sub3A_437 : f32 to vector<8x2048xf32>
    %sub3A_439 = arith.subf %get3A_427, %sub3A_438 : vector<8x2048xf32>
    %mul3A_440 = arith.mulf %sub3A_439, %sub3A_439 : vector<8x2048xf32>
    %mul3A_441 = arith.constant 2.3153174E-5 : f32
    %mul3A_442 = vector.broadcast %mul3A_441 : f32 to vector<8x2048xf32>
    %mul3A_443 = arith.mulf %mul3A_440, %mul3A_442 : vector<8x2048xf32>
    %add3A_444 = arith.constant -0.00138536666 : f32
    %add3A_445 = vector.broadcast %add3A_444 : f32 to vector<8x2048xf32>
    %add3A_446 = arith.addf %add3A_445, %mul3A_443 : vector<8x2048xf32>
    %mul3A_447 = arith.mulf %mul3A_440, %add3A_446 : vector<8x2048xf32>
    %add3A_448 = arith.constant 0.0416635796 : f32
    %add3A_449 = vector.broadcast %add3A_448 : f32 to vector<8x2048xf32>
    %add3A_450 = arith.addf %add3A_449, %mul3A_447 : vector<8x2048xf32>
    %mul3A_451 = arith.mulf %mul3A_440, %add3A_450 : vector<8x2048xf32>
    %add3A_452 = arith.constant -0.499999046 : f32
    %add3A_453 = vector.broadcast %add3A_452 : f32 to vector<8x2048xf32>
    %add3A_454 = arith.addf %add3A_453, %mul3A_451 : vector<8x2048xf32>
    %mul3A_455 = arith.mulf %mul3A_440, %add3A_454 : vector<8x2048xf32>
    %add3A_456 = arith.constant 0.99999994 : f32
    %add3A_457 = vector.broadcast %add3A_456 : f32 to vector<8x2048xf32>
    %add3A_458 = arith.addf %add3A_457, %mul3A_455 : vector<8x2048xf32>
    %mul3A_459 = arith.constant -1.8362749E-4 : f32
    %mul3A_460 = vector.broadcast %mul3A_459 : f32 to vector<8x2048xf32>
    %mul3A_461 = arith.mulf %mul3A_440, %mul3A_460 : vector<8x2048xf32>
    %add3A_462 = arith.constant 0.0083062863 : f32
    %add3A_463 = vector.broadcast %add3A_462 : f32 to vector<8x2048xf32>
    %add3A_464 = arith.addf %add3A_463, %mul3A_461 : vector<8x2048xf32>
    %mul3A_465 = arith.mulf %mul3A_440, %add3A_464 : vector<8x2048xf32>
    %add3A_466 = arith.constant -0.166648239 : f32
    %add3A_467 = vector.broadcast %add3A_466 : f32 to vector<8x2048xf32>
    %add3A_468 = arith.addf %add3A_467, %mul3A_465 : vector<8x2048xf32>
    %mul3A_469 = arith.mulf %mul3A_440, %add3A_468 : vector<8x2048xf32>
    %add3A_470 = arith.constant 0.999996602 : f32
    %add3A_471 = vector.broadcast %add3A_470 : f32 to vector<8x2048xf32>
    %add3A_472 = arith.addf %add3A_471, %mul3A_469 : vector<8x2048xf32>
    %mul3A_473 = arith.mulf %sub3A_439, %add3A_472 : vector<8x2048xf32>
    %mul3A_474 = arith.constant 5.000000e-01 : f32
    %mul3A_475 = vector.broadcast %mul3A_474 : f32 to vector<8x2048xf32>
    %mul3A_476 = arith.mulf %get3A_430, %mul3A_475 : vector<8x2048xf32>
    %sub3A_477 = arith.constant 1.57079637 : f32
    %sub3A_478 = vector.broadcast %sub3A_477 : f32 to vector<8x2048xf32>
    %sub3A_479 = arith.subf %mul3A_476, %sub3A_478 : vector<8x2048xf32>
    %mul3A_480 = arith.mulf %sub3A_479, %sub3A_479 : vector<8x2048xf32>
    %mul3A_481 = arith.constant -1.8362749E-4 : f32
    %mul3A_482 = vector.broadcast %mul3A_481 : f32 to vector<8x2048xf32>
    %mul3A_483 = arith.mulf %mul3A_480, %mul3A_482 : vector<8x2048xf32>
    %add3A_484 = arith.constant 0.0083062863 : f32
    %add3A_485 = vector.broadcast %add3A_484 : f32 to vector<8x2048xf32>
    %add3A_486 = arith.addf %add3A_485, %mul3A_483 : vector<8x2048xf32>
    %mul3A_487 = arith.mulf %mul3A_480, %add3A_486 : vector<8x2048xf32>
    %add3A_488 = arith.constant -0.166648239 : f32
    %add3A_489 = vector.broadcast %add3A_488 : f32 to vector<8x2048xf32>
    %add3A_490 = arith.addf %add3A_489, %mul3A_487 : vector<8x2048xf32>
    %mul3A_491 = arith.mulf %mul3A_480, %add3A_490 : vector<8x2048xf32>
    %add3A_492 = arith.constant 0.999996602 : f32
    %add3A_493 = vector.broadcast %add3A_492 : f32 to vector<8x2048xf32>
    %add3A_494 = arith.addf %add3A_493, %mul3A_491 : vector<8x2048xf32>
    %mul3A_495 = arith.mulf %sub3A_479, %add3A_494 : vector<8x2048xf32>
    %mul3A_496 = arith.constant 2.3153174E-5 : f32
    %mul3A_497 = vector.broadcast %mul3A_496 : f32 to vector<8x2048xf32>
    %mul3A_498 = arith.mulf %mul3A_480, %mul3A_497 : vector<8x2048xf32>
    %add3A_499 = arith.constant -0.00138536666 : f32
    %add3A_500 = vector.broadcast %add3A_499 : f32 to vector<8x2048xf32>
    %add3A_501 = arith.addf %add3A_500, %mul3A_498 : vector<8x2048xf32>
    %mul3A_502 = arith.mulf %mul3A_480, %add3A_501 : vector<8x2048xf32>
    %add3A_503 = arith.constant 0.0416635796 : f32
    %add3A_504 = vector.broadcast %add3A_503 : f32 to vector<8x2048xf32>
    %add3A_505 = arith.addf %add3A_504, %mul3A_502 : vector<8x2048xf32>
    %mul3A_506 = arith.mulf %mul3A_480, %add3A_505 : vector<8x2048xf32>
    %add3A_507 = arith.constant -0.499999046 : f32
    %add3A_508 = vector.broadcast %add3A_507 : f32 to vector<8x2048xf32>
    %add3A_509 = arith.addf %add3A_508, %mul3A_506 : vector<8x2048xf32>
    %mul3A_510 = arith.mulf %mul3A_480, %add3A_509 : vector<8x2048xf32>
    %add3A_511 = arith.constant 0.99999994 : f32
    %add3A_512 = vector.broadcast %add3A_511 : f32 to vector<8x2048xf32>
    %add3A_513 = arith.addf %add3A_512, %mul3A_510 : vector<8x2048xf32>
    %mul3A_514 = arith.constant 2.000000e+00 : f32
    %mul3A_515 = vector.broadcast %mul3A_514 : f32 to vector<8x2048xf32>
    %mul3A_516 = arith.mulf %mul3A_515, %mul3A_495 : vector<8x2048xf32>
    %mul3A_517 = arith.mulf %mul3A_516, %add3A_513 : vector<8x2048xf32>
    %mul3A_518 = arith.mulf %mul3A_495, %mul3A_495 : vector<8x2048xf32>
    %mul3A_519 = arith.constant 2.000000e+00 : f32
    %mul3A_520 = vector.broadcast %mul3A_519 : f32 to vector<8x2048xf32>
    %mul3A_521 = arith.mulf %mul3A_520, %mul3A_518 : vector<8x2048xf32>
    %sub3A_522 = arith.constant 1.000000e+00 : f32
    %sub3A_523 = vector.broadcast %sub3A_522 : f32 to vector<8x2048xf32>
    %sub3A_524 = arith.subf %mul3A_521, %sub3A_523 : vector<8x2048xf32>
    %mul3A_525 = vector.broadcast %broadcast_in_dim3A : vector<1x2048xf32> to vector<8x2048xf32>
    %mul3A_526 = arith.mulf %sub3A_524, %mul3A_525 : vector<8x2048xf32>
    %mul3A_527 = vector.broadcast %broadcast_in_dim3A_3 : vector<1x2048xf32> to vector<8x2048xf32>
    %mul3A_528 = arith.mulf %mul3A_517, %mul3A_527 : vector<8x2048xf32>
    %sub3A_529 = arith.subf %mul3A_526, %mul3A_528 : vector<8x2048xf32>
    %mul3A_530 = arith.mulf %add3A_458, %sub3A_529 : vector<8x2048xf32>
    %mul3A_531 = vector.broadcast %broadcast_in_dim3A_6 : vector<1x2048xf32> to vector<8x2048xf32>
    %mul3A_532 = arith.mulf %mul3A_473, %mul3A_531 : vector<8x2048xf32>
    %sub3A_533 = arith.subf %mul3A_530, %mul3A_532 : vector<8x2048xf32>
    %max3A_534 = arith.constant 9.99999997E-7 : f32
    %max3A_535 = vector.broadcast %max3A_534 : f32 to vector<8x2048xf32>
    %max3A_536 = arith.maximumf %get3A_424, %max3A_535 : vector<8x2048xf32>
    %mul3A_537 = arith.constant -2.000000e+00 : f32
    %mul3A_538 = vector.broadcast %mul3A_537 : f32 to vector<8x2048xf32>
    %mul3A_539 = arith.mulf %mul3A_538, %max3A_536 : vector<8x2048xf32>
    %exp3A_540 = math.exp %mul3A_539 : vector<8x2048xf32>
    %sub3A_541 = arith.constant 1.000000e+00 : f32
    %sub3A_542 = vector.broadcast %sub3A_541 : f32 to vector<8x2048xf32>
    %sub3A_543 = arith.subf %sub3A_542, %exp3A_540 : vector<8x2048xf32>
    %mul3A_544 = arith.constant 6.28318548 : f32
    %mul3A_545 = vector.broadcast %mul3A_544 : f32 to vector<8x2048xf32>
    %mul3A_546 = arith.mulf %mul3A_545, %sub3A_543 : vector<8x2048xf32>
    %div3A_547 = arith.divf %max3A_536, %mul3A_546 : vector<8x2048xf32>
    %sub3A_548 = arith.constant 1.000000e+00 : f32
    %sub3A_549 = vector.broadcast %sub3A_548 : f32 to vector<8x2048xf32>
    %sub3A_550 = arith.subf %sub3A_533, %sub3A_549 : vector<8x2048xf32>
    %mul3A_551 = arith.mulf %get3A_424, %sub3A_550 : vector<8x2048xf32>
    %exp3A_552 = math.exp %mul3A_551 : vector<8x2048xf32>
    %mul3A_553 = arith.mulf %div3A_547, %exp3A_552 : vector<8x2048xf32>
    %mul3A_554 = arith.mulf %add3A_436, %mul3A_553 : vector<8x2048xf32>
    %add3A_555 = arith.addf %add3A_417, %mul3A_554 : vector<8x2048xf32>
    %add3A_556 = arith.addf %add3A_418, %add3A_436 : vector<8x2048xf32>
    %get3A_557 = arith.constant 32 : index
    %get3A_558 = arith.constant 0 : index
    %get3A_559 = vector.load %arg1[%get3A_557, %get3A_558] : memref<64x2048xf32, #tpu.memory_space<vmem>>, vector<8x2048xf32>
    %get3A_560 = arith.constant 32 : index
    %get3A_561 = arith.constant 0 : index
    %get3A_562 = vector.load %arg2[%get3A_560, %get3A_561] : memref<64x2048xf32, #tpu.memory_space<vmem>>, vector<8x2048xf32>
    %get3A_563 = arith.constant 32 : index
    %get3A_564 = arith.constant 0 : index
    %get3A_565 = vector.load %arg3[%get3A_563, %get3A_564] : memref<64x2048xf32, #tpu.memory_space<vmem>>, vector<8x2048xf32>
    %get3A_566 = arith.constant 32 : index
    %get3A_567 = arith.constant 0 : index
    %get3A_568 = vector.load %arg4[%get3A_566, %get3A_567] : memref<64x2048xf32, #tpu.memory_space<vmem>>, vector<8x2048xf32>
    %max3A_569 = arith.constant 0.000000e+00 : f32
    %max3A_570 = vector.broadcast %max3A_569 : f32 to vector<8x2048xf32>
    %max3A_571 = arith.maximumf %get3A_559, %max3A_570 : vector<8x2048xf32>
    %add3A_572 = arith.constant 9.99999997E-7 : f32
    %add3A_573 = vector.broadcast %add3A_572 : f32 to vector<8x2048xf32>
    %add3A_574 = arith.addf %max3A_571, %add3A_573 : vector<8x2048xf32>
    %sub3A_575 = arith.constant 1.57079637 : f32
    %sub3A_576 = vector.broadcast %sub3A_575 : f32 to vector<8x2048xf32>
    %sub3A_577 = arith.subf %get3A_565, %sub3A_576 : vector<8x2048xf32>
    %mul3A_578 = arith.mulf %sub3A_577, %sub3A_577 : vector<8x2048xf32>
    %mul3A_579 = arith.constant 2.3153174E-5 : f32
    %mul3A_580 = vector.broadcast %mul3A_579 : f32 to vector<8x2048xf32>
    %mul3A_581 = arith.mulf %mul3A_578, %mul3A_580 : vector<8x2048xf32>
    %add3A_582 = arith.constant -0.00138536666 : f32
    %add3A_583 = vector.broadcast %add3A_582 : f32 to vector<8x2048xf32>
    %add3A_584 = arith.addf %add3A_583, %mul3A_581 : vector<8x2048xf32>
    %mul3A_585 = arith.mulf %mul3A_578, %add3A_584 : vector<8x2048xf32>
    %add3A_586 = arith.constant 0.0416635796 : f32
    %add3A_587 = vector.broadcast %add3A_586 : f32 to vector<8x2048xf32>
    %add3A_588 = arith.addf %add3A_587, %mul3A_585 : vector<8x2048xf32>
    %mul3A_589 = arith.mulf %mul3A_578, %add3A_588 : vector<8x2048xf32>
    %add3A_590 = arith.constant -0.499999046 : f32
    %add3A_591 = vector.broadcast %add3A_590 : f32 to vector<8x2048xf32>
    %add3A_592 = arith.addf %add3A_591, %mul3A_589 : vector<8x2048xf32>
    %mul3A_593 = arith.mulf %mul3A_578, %add3A_592 : vector<8x2048xf32>
    %add3A_594 = arith.constant 0.99999994 : f32
    %add3A_595 = vector.broadcast %add3A_594 : f32 to vector<8x2048xf32>
    %add3A_596 = arith.addf %add3A_595, %mul3A_593 : vector<8x2048xf32>
    %mul3A_597 = arith.constant -1.8362749E-4 : f32
    %mul3A_598 = vector.broadcast %mul3A_597 : f32 to vector<8x2048xf32>
    %mul3A_599 = arith.mulf %mul3A_578, %mul3A_598 : vector<8x2048xf32>
    %add3A_600 = arith.constant 0.0083062863 : f32
    %add3A_601 = vector.broadcast %add3A_600 : f32 to vector<8x2048xf32>
    %add3A_602 = arith.addf %add3A_601, %mul3A_599 : vector<8x2048xf32>
    %mul3A_603 = arith.mulf %mul3A_578, %add3A_602 : vector<8x2048xf32>
    %add3A_604 = arith.constant -0.166648239 : f32
    %add3A_605 = vector.broadcast %add3A_604 : f32 to vector<8x2048xf32>
    %add3A_606 = arith.addf %add3A_605, %mul3A_603 : vector<8x2048xf32>
    %mul3A_607 = arith.mulf %mul3A_578, %add3A_606 : vector<8x2048xf32>
    %add3A_608 = arith.constant 0.999996602 : f32
    %add3A_609 = vector.broadcast %add3A_608 : f32 to vector<8x2048xf32>
    %add3A_610 = arith.addf %add3A_609, %mul3A_607 : vector<8x2048xf32>
    %mul3A_611 = arith.mulf %sub3A_577, %add3A_610 : vector<8x2048xf32>
    %mul3A_612 = arith.constant 5.000000e-01 : f32
    %mul3A_613 = vector.broadcast %mul3A_612 : f32 to vector<8x2048xf32>
    %mul3A_614 = arith.mulf %get3A_568, %mul3A_613 : vector<8x2048xf32>
    %sub3A_615 = arith.constant 1.57079637 : f32
    %sub3A_616 = vector.broadcast %sub3A_615 : f32 to vector<8x2048xf32>
    %sub3A_617 = arith.subf %mul3A_614, %sub3A_616 : vector<8x2048xf32>
    %mul3A_618 = arith.mulf %sub3A_617, %sub3A_617 : vector<8x2048xf32>
    %mul3A_619 = arith.constant -1.8362749E-4 : f32
    %mul3A_620 = vector.broadcast %mul3A_619 : f32 to vector<8x2048xf32>
    %mul3A_621 = arith.mulf %mul3A_618, %mul3A_620 : vector<8x2048xf32>
    %add3A_622 = arith.constant 0.0083062863 : f32
    %add3A_623 = vector.broadcast %add3A_622 : f32 to vector<8x2048xf32>
    %add3A_624 = arith.addf %add3A_623, %mul3A_621 : vector<8x2048xf32>
    %mul3A_625 = arith.mulf %mul3A_618, %add3A_624 : vector<8x2048xf32>
    %add3A_626 = arith.constant -0.166648239 : f32
    %add3A_627 = vector.broadcast %add3A_626 : f32 to vector<8x2048xf32>
    %add3A_628 = arith.addf %add3A_627, %mul3A_625 : vector<8x2048xf32>
    %mul3A_629 = arith.mulf %mul3A_618, %add3A_628 : vector<8x2048xf32>
    %add3A_630 = arith.constant 0.999996602 : f32
    %add3A_631 = vector.broadcast %add3A_630 : f32 to vector<8x2048xf32>
    %add3A_632 = arith.addf %add3A_631, %mul3A_629 : vector<8x2048xf32>
    %mul3A_633 = arith.mulf %sub3A_617, %add3A_632 : vector<8x2048xf32>
    %mul3A_634 = arith.constant 2.3153174E-5 : f32
    %mul3A_635 = vector.broadcast %mul3A_634 : f32 to vector<8x2048xf32>
    %mul3A_636 = arith.mulf %mul3A_618, %mul3A_635 : vector<8x2048xf32>
    %add3A_637 = arith.constant -0.00138536666 : f32
    %add3A_638 = vector.broadcast %add3A_637 : f32 to vector<8x2048xf32>
    %add3A_639 = arith.addf %add3A_638, %mul3A_636 : vector<8x2048xf32>
    %mul3A_640 = arith.mulf %mul3A_618, %add3A_639 : vector<8x2048xf32>
    %add3A_641 = arith.constant 0.0416635796 : f32
    %add3A_642 = vector.broadcast %add3A_641 : f32 to vector<8x2048xf32>
    %add3A_643 = arith.addf %add3A_642, %mul3A_640 : vector<8x2048xf32>
    %mul3A_644 = arith.mulf %mul3A_618, %add3A_643 : vector<8x2048xf32>
    %add3A_645 = arith.constant -0.499999046 : f32
    %add3A_646 = vector.broadcast %add3A_645 : f32 to vector<8x2048xf32>
    %add3A_647 = arith.addf %add3A_646, %mul3A_644 : vector<8x2048xf32>
    %mul3A_648 = arith.mulf %mul3A_618, %add3A_647 : vector<8x2048xf32>
    %add3A_649 = arith.constant 0.99999994 : f32
    %add3A_650 = vector.broadcast %add3A_649 : f32 to vector<8x2048xf32>
    %add3A_651 = arith.addf %add3A_650, %mul3A_648 : vector<8x2048xf32>
    %mul3A_652 = arith.constant 2.000000e+00 : f32
    %mul3A_653 = vector.broadcast %mul3A_652 : f32 to vector<8x2048xf32>
    %mul3A_654 = arith.mulf %mul3A_653, %mul3A_633 : vector<8x2048xf32>
    %mul3A_655 = arith.mulf %mul3A_654, %add3A_651 : vector<8x2048xf32>
    %mul3A_656 = arith.mulf %mul3A_633, %mul3A_633 : vector<8x2048xf32>
    %mul3A_657 = arith.constant 2.000000e+00 : f32
    %mul3A_658 = vector.broadcast %mul3A_657 : f32 to vector<8x2048xf32>
    %mul3A_659 = arith.mulf %mul3A_658, %mul3A_656 : vector<8x2048xf32>
    %sub3A_660 = arith.constant 1.000000e+00 : f32
    %sub3A_661 = vector.broadcast %sub3A_660 : f32 to vector<8x2048xf32>
    %sub3A_662 = arith.subf %mul3A_659, %sub3A_661 : vector<8x2048xf32>
    %mul3A_663 = vector.broadcast %broadcast_in_dim3A : vector<1x2048xf32> to vector<8x2048xf32>
    %mul3A_664 = arith.mulf %sub3A_662, %mul3A_663 : vector<8x2048xf32>
    %mul3A_665 = vector.broadcast %broadcast_in_dim3A_3 : vector<1x2048xf32> to vector<8x2048xf32>
    %mul3A_666 = arith.mulf %mul3A_655, %mul3A_665 : vector<8x2048xf32>
    %sub3A_667 = arith.subf %mul3A_664, %mul3A_666 : vector<8x2048xf32>
    %mul3A_668 = arith.mulf %add3A_596, %sub3A_667 : vector<8x2048xf32>
    %mul3A_669 = vector.broadcast %broadcast_in_dim3A_6 : vector<1x2048xf32> to vector<8x2048xf32>
    %mul3A_670 = arith.mulf %mul3A_611, %mul3A_669 : vector<8x2048xf32>
    %sub3A_671 = arith.subf %mul3A_668, %mul3A_670 : vector<8x2048xf32>
    %max3A_672 = arith.constant 9.99999997E-7 : f32
    %max3A_673 = vector.broadcast %max3A_672 : f32 to vector<8x2048xf32>
    %max3A_674 = arith.maximumf %get3A_562, %max3A_673 : vector<8x2048xf32>
    %mul3A_675 = arith.constant -2.000000e+00 : f32
    %mul3A_676 = vector.broadcast %mul3A_675 : f32 to vector<8x2048xf32>
    %mul3A_677 = arith.mulf %mul3A_676, %max3A_674 : vector<8x2048xf32>
    %exp3A_678 = math.exp %mul3A_677 : vector<8x2048xf32>
    %sub3A_679 = arith.constant 1.000000e+00 : f32
    %sub3A_680 = vector.broadcast %sub3A_679 : f32 to vector<8x2048xf32>
    %sub3A_681 = arith.subf %sub3A_680, %exp3A_678 : vector<8x2048xf32>
    %mul3A_682 = arith.constant 6.28318548 : f32
    %mul3A_683 = vector.broadcast %mul3A_682 : f32 to vector<8x2048xf32>
    %mul3A_684 = arith.mulf %mul3A_683, %sub3A_681 : vector<8x2048xf32>
    %div3A_685 = arith.divf %max3A_674, %mul3A_684 : vector<8x2048xf32>
    %sub3A_686 = arith.constant 1.000000e+00 : f32
    %sub3A_687 = vector.broadcast %sub3A_686 : f32 to vector<8x2048xf32>
    %sub3A_688 = arith.subf %sub3A_671, %sub3A_687 : vector<8x2048xf32>
    %mul3A_689 = arith.mulf %get3A_562, %sub3A_688 : vector<8x2048xf32>
    %exp3A_690 = math.exp %mul3A_689 : vector<8x2048xf32>
    %mul3A_691 = arith.mulf %div3A_685, %exp3A_690 : vector<8x2048xf32>
    %mul3A_692 = arith.mulf %add3A_574, %mul3A_691 : vector<8x2048xf32>
    %add3A_693 = arith.addf %add3A_555, %mul3A_692 : vector<8x2048xf32>
    %add3A_694 = arith.addf %add3A_556, %add3A_574 : vector<8x2048xf32>
    %get3A_695 = arith.constant 40 : index
    %get3A_696 = arith.constant 0 : index
    %get3A_697 = vector.load %arg1[%get3A_695, %get3A_696] : memref<64x2048xf32, #tpu.memory_space<vmem>>, vector<8x2048xf32>
    %get3A_698 = arith.constant 40 : index
    %get3A_699 = arith.constant 0 : index
    %get3A_700 = vector.load %arg2[%get3A_698, %get3A_699] : memref<64x2048xf32, #tpu.memory_space<vmem>>, vector<8x2048xf32>
    %get3A_701 = arith.constant 40 : index
    %get3A_702 = arith.constant 0 : index
    %get3A_703 = vector.load %arg3[%get3A_701, %get3A_702] : memref<64x2048xf32, #tpu.memory_space<vmem>>, vector<8x2048xf32>
    %get3A_704 = arith.constant 40 : index
    %get3A_705 = arith.constant 0 : index
    %get3A_706 = vector.load %arg4[%get3A_704, %get3A_705] : memref<64x2048xf32, #tpu.memory_space<vmem>>, vector<8x2048xf32>
    %max3A_707 = arith.constant 0.000000e+00 : f32
    %max3A_708 = vector.broadcast %max3A_707 : f32 to vector<8x2048xf32>
    %max3A_709 = arith.maximumf %get3A_697, %max3A_708 : vector<8x2048xf32>
    %add3A_710 = arith.constant 9.99999997E-7 : f32
    %add3A_711 = vector.broadcast %add3A_710 : f32 to vector<8x2048xf32>
    %add3A_712 = arith.addf %max3A_709, %add3A_711 : vector<8x2048xf32>
    %sub3A_713 = arith.constant 1.57079637 : f32
    %sub3A_714 = vector.broadcast %sub3A_713 : f32 to vector<8x2048xf32>
    %sub3A_715 = arith.subf %get3A_703, %sub3A_714 : vector<8x2048xf32>
    %mul3A_716 = arith.mulf %sub3A_715, %sub3A_715 : vector<8x2048xf32>
    %mul3A_717 = arith.constant 2.3153174E-5 : f32
    %mul3A_718 = vector.broadcast %mul3A_717 : f32 to vector<8x2048xf32>
    %mul3A_719 = arith.mulf %mul3A_716, %mul3A_718 : vector<8x2048xf32>
    %add3A_720 = arith.constant -0.00138536666 : f32
    %add3A_721 = vector.broadcast %add3A_720 : f32 to vector<8x2048xf32>
    %add3A_722 = arith.addf %add3A_721, %mul3A_719 : vector<8x2048xf32>
    %mul3A_723 = arith.mulf %mul3A_716, %add3A_722 : vector<8x2048xf32>
    %add3A_724 = arith.constant 0.0416635796 : f32
    %add3A_725 = vector.broadcast %add3A_724 : f32 to vector<8x2048xf32>
    %add3A_726 = arith.addf %add3A_725, %mul3A_723 : vector<8x2048xf32>
    %mul3A_727 = arith.mulf %mul3A_716, %add3A_726 : vector<8x2048xf32>
    %add3A_728 = arith.constant -0.499999046 : f32
    %add3A_729 = vector.broadcast %add3A_728 : f32 to vector<8x2048xf32>
    %add3A_730 = arith.addf %add3A_729, %mul3A_727 : vector<8x2048xf32>
    %mul3A_731 = arith.mulf %mul3A_716, %add3A_730 : vector<8x2048xf32>
    %add3A_732 = arith.constant 0.99999994 : f32
    %add3A_733 = vector.broadcast %add3A_732 : f32 to vector<8x2048xf32>
    %add3A_734 = arith.addf %add3A_733, %mul3A_731 : vector<8x2048xf32>
    %mul3A_735 = arith.constant -1.8362749E-4 : f32
    %mul3A_736 = vector.broadcast %mul3A_735 : f32 to vector<8x2048xf32>
    %mul3A_737 = arith.mulf %mul3A_716, %mul3A_736 : vector<8x2048xf32>
    %add3A_738 = arith.constant 0.0083062863 : f32
    %add3A_739 = vector.broadcast %add3A_738 : f32 to vector<8x2048xf32>
    %add3A_740 = arith.addf %add3A_739, %mul3A_737 : vector<8x2048xf32>
    %mul3A_741 = arith.mulf %mul3A_716, %add3A_740 : vector<8x2048xf32>
    %add3A_742 = arith.constant -0.166648239 : f32
    %add3A_743 = vector.broadcast %add3A_742 : f32 to vector<8x2048xf32>
    %add3A_744 = arith.addf %add3A_743, %mul3A_741 : vector<8x2048xf32>
    %mul3A_745 = arith.mulf %mul3A_716, %add3A_744 : vector<8x2048xf32>
    %add3A_746 = arith.constant 0.999996602 : f32
    %add3A_747 = vector.broadcast %add3A_746 : f32 to vector<8x2048xf32>
    %add3A_748 = arith.addf %add3A_747, %mul3A_745 : vector<8x2048xf32>
    %mul3A_749 = arith.mulf %sub3A_715, %add3A_748 : vector<8x2048xf32>
    %mul3A_750 = arith.constant 5.000000e-01 : f32
    %mul3A_751 = vector.broadcast %mul3A_750 : f32 to vector<8x2048xf32>
    %mul3A_752 = arith.mulf %get3A_706, %mul3A_751 : vector<8x2048xf32>
    %sub3A_753 = arith.constant 1.57079637 : f32
    %sub3A_754 = vector.broadcast %sub3A_753 : f32 to vector<8x2048xf32>
    %sub3A_755 = arith.subf %mul3A_752, %sub3A_754 : vector<8x2048xf32>
    %mul3A_756 = arith.mulf %sub3A_755, %sub3A_755 : vector<8x2048xf32>
    %mul3A_757 = arith.constant -1.8362749E-4 : f32
    %mul3A_758 = vector.broadcast %mul3A_757 : f32 to vector<8x2048xf32>
    %mul3A_759 = arith.mulf %mul3A_756, %mul3A_758 : vector<8x2048xf32>
    %add3A_760 = arith.constant 0.0083062863 : f32
    %add3A_761 = vector.broadcast %add3A_760 : f32 to vector<8x2048xf32>
    %add3A_762 = arith.addf %add3A_761, %mul3A_759 : vector<8x2048xf32>
    %mul3A_763 = arith.mulf %mul3A_756, %add3A_762 : vector<8x2048xf32>
    %add3A_764 = arith.constant -0.166648239 : f32
    %add3A_765 = vector.broadcast %add3A_764 : f32 to vector<8x2048xf32>
    %add3A_766 = arith.addf %add3A_765, %mul3A_763 : vector<8x2048xf32>
    %mul3A_767 = arith.mulf %mul3A_756, %add3A_766 : vector<8x2048xf32>
    %add3A_768 = arith.constant 0.999996602 : f32
    %add3A_769 = vector.broadcast %add3A_768 : f32 to vector<8x2048xf32>
    %add3A_770 = arith.addf %add3A_769, %mul3A_767 : vector<8x2048xf32>
    %mul3A_771 = arith.mulf %sub3A_755, %add3A_770 : vector<8x2048xf32>
    %mul3A_772 = arith.constant 2.3153174E-5 : f32
    %mul3A_773 = vector.broadcast %mul3A_772 : f32 to vector<8x2048xf32>
    %mul3A_774 = arith.mulf %mul3A_756, %mul3A_773 : vector<8x2048xf32>
    %add3A_775 = arith.constant -0.00138536666 : f32
    %add3A_776 = vector.broadcast %add3A_775 : f32 to vector<8x2048xf32>
    %add3A_777 = arith.addf %add3A_776, %mul3A_774 : vector<8x2048xf32>
    %mul3A_778 = arith.mulf %mul3A_756, %add3A_777 : vector<8x2048xf32>
    %add3A_779 = arith.constant 0.0416635796 : f32
    %add3A_780 = vector.broadcast %add3A_779 : f32 to vector<8x2048xf32>
    %add3A_781 = arith.addf %add3A_780, %mul3A_778 : vector<8x2048xf32>
    %mul3A_782 = arith.mulf %mul3A_756, %add3A_781 : vector<8x2048xf32>
    %add3A_783 = arith.constant -0.499999046 : f32
    %add3A_784 = vector.broadcast %add3A_783 : f32 to vector<8x2048xf32>
    %add3A_785 = arith.addf %add3A_784, %mul3A_782 : vector<8x2048xf32>
    %mul3A_786 = arith.mulf %mul3A_756, %add3A_785 : vector<8x2048xf32>
    %add3A_787 = arith.constant 0.99999994 : f32
    %add3A_788 = vector.broadcast %add3A_787 : f32 to vector<8x2048xf32>
    %add3A_789 = arith.addf %add3A_788, %mul3A_786 : vector<8x2048xf32>
    %mul3A_790 = arith.constant 2.000000e+00 : f32
    %mul3A_791 = vector.broadcast %mul3A_790 : f32 to vector<8x2048xf32>
    %mul3A_792 = arith.mulf %mul3A_791, %mul3A_771 : vector<8x2048xf32>
    %mul3A_793 = arith.mulf %mul3A_792, %add3A_789 : vector<8x2048xf32>
    %mul3A_794 = arith.mulf %mul3A_771, %mul3A_771 : vector<8x2048xf32>
    %mul3A_795 = arith.constant 2.000000e+00 : f32
    %mul3A_796 = vector.broadcast %mul3A_795 : f32 to vector<8x2048xf32>
    %mul3A_797 = arith.mulf %mul3A_796, %mul3A_794 : vector<8x2048xf32>
    %sub3A_798 = arith.constant 1.000000e+00 : f32
    %sub3A_799 = vector.broadcast %sub3A_798 : f32 to vector<8x2048xf32>
    %sub3A_800 = arith.subf %mul3A_797, %sub3A_799 : vector<8x2048xf32>
    %mul3A_801 = vector.broadcast %broadcast_in_dim3A : vector<1x2048xf32> to vector<8x2048xf32>
    %mul3A_802 = arith.mulf %sub3A_800, %mul3A_801 : vector<8x2048xf32>
    %mul3A_803 = vector.broadcast %broadcast_in_dim3A_3 : vector<1x2048xf32> to vector<8x2048xf32>
    %mul3A_804 = arith.mulf %mul3A_793, %mul3A_803 : vector<8x2048xf32>
    %sub3A_805 = arith.subf %mul3A_802, %mul3A_804 : vector<8x2048xf32>
    %mul3A_806 = arith.mulf %add3A_734, %sub3A_805 : vector<8x2048xf32>
    %mul3A_807 = vector.broadcast %broadcast_in_dim3A_6 : vector<1x2048xf32> to vector<8x2048xf32>
    %mul3A_808 = arith.mulf %mul3A_749, %mul3A_807 : vector<8x2048xf32>
    %sub3A_809 = arith.subf %mul3A_806, %mul3A_808 : vector<8x2048xf32>
    %max3A_810 = arith.constant 9.99999997E-7 : f32
    %max3A_811 = vector.broadcast %max3A_810 : f32 to vector<8x2048xf32>
    %max3A_812 = arith.maximumf %get3A_700, %max3A_811 : vector<8x2048xf32>
    %mul3A_813 = arith.constant -2.000000e+00 : f32
    %mul3A_814 = vector.broadcast %mul3A_813 : f32 to vector<8x2048xf32>
    %mul3A_815 = arith.mulf %mul3A_814, %max3A_812 : vector<8x2048xf32>
    %exp3A_816 = math.exp %mul3A_815 : vector<8x2048xf32>
    %sub3A_817 = arith.constant 1.000000e+00 : f32
    %sub3A_818 = vector.broadcast %sub3A_817 : f32 to vector<8x2048xf32>
    %sub3A_819 = arith.subf %sub3A_818, %exp3A_816 : vector<8x2048xf32>
    %mul3A_820 = arith.constant 6.28318548 : f32
    %mul3A_821 = vector.broadcast %mul3A_820 : f32 to vector<8x2048xf32>
    %mul3A_822 = arith.mulf %mul3A_821, %sub3A_819 : vector<8x2048xf32>
    %div3A_823 = arith.divf %max3A_812, %mul3A_822 : vector<8x2048xf32>
    %sub3A_824 = arith.constant 1.000000e+00 : f32
    %sub3A_825 = vector.broadcast %sub3A_824 : f32 to vector<8x2048xf32>
    %sub3A_826 = arith.subf %sub3A_809, %sub3A_825 : vector<8x2048xf32>
    %mul3A_827 = arith.mulf %get3A_700, %sub3A_826 : vector<8x2048xf32>
    %exp3A_828 = math.exp %mul3A_827 : vector<8x2048xf32>
    %mul3A_829 = arith.mulf %div3A_823, %exp3A_828 : vector<8x2048xf32>
    %mul3A_830 = arith.mulf %add3A_712, %mul3A_829 : vector<8x2048xf32>
    %add3A_831 = arith.addf %add3A_693, %mul3A_830 : vector<8x2048xf32>
    %add3A_832 = arith.addf %add3A_694, %add3A_712 : vector<8x2048xf32>
    %get3A_833 = arith.constant 48 : index
    %get3A_834 = arith.constant 0 : index
    %get3A_835 = vector.load %arg1[%get3A_833, %get3A_834] : memref<64x2048xf32, #tpu.memory_space<vmem>>, vector<8x2048xf32>
    %get3A_836 = arith.constant 48 : index
    %get3A_837 = arith.constant 0 : index
    %get3A_838 = vector.load %arg2[%get3A_836, %get3A_837] : memref<64x2048xf32, #tpu.memory_space<vmem>>, vector<8x2048xf32>
    %get3A_839 = arith.constant 48 : index
    %get3A_840 = arith.constant 0 : index
    %get3A_841 = vector.load %arg3[%get3A_839, %get3A_840] : memref<64x2048xf32, #tpu.memory_space<vmem>>, vector<8x2048xf32>
    %get3A_842 = arith.constant 48 : index
    %get3A_843 = arith.constant 0 : index
    %get3A_844 = vector.load %arg4[%get3A_842, %get3A_843] : memref<64x2048xf32, #tpu.memory_space<vmem>>, vector<8x2048xf32>
    %max3A_845 = arith.constant 0.000000e+00 : f32
    %max3A_846 = vector.broadcast %max3A_845 : f32 to vector<8x2048xf32>
    %max3A_847 = arith.maximumf %get3A_835, %max3A_846 : vector<8x2048xf32>
    %add3A_848 = arith.constant 9.99999997E-7 : f32
    %add3A_849 = vector.broadcast %add3A_848 : f32 to vector<8x2048xf32>
    %add3A_850 = arith.addf %max3A_847, %add3A_849 : vector<8x2048xf32>
    %sub3A_851 = arith.constant 1.57079637 : f32
    %sub3A_852 = vector.broadcast %sub3A_851 : f32 to vector<8x2048xf32>
    %sub3A_853 = arith.subf %get3A_841, %sub3A_852 : vector<8x2048xf32>
    %mul3A_854 = arith.mulf %sub3A_853, %sub3A_853 : vector<8x2048xf32>
    %mul3A_855 = arith.constant 2.3153174E-5 : f32
    %mul3A_856 = vector.broadcast %mul3A_855 : f32 to vector<8x2048xf32>
    %mul3A_857 = arith.mulf %mul3A_854, %mul3A_856 : vector<8x2048xf32>
    %add3A_858 = arith.constant -0.00138536666 : f32
    %add3A_859 = vector.broadcast %add3A_858 : f32 to vector<8x2048xf32>
    %add3A_860 = arith.addf %add3A_859, %mul3A_857 : vector<8x2048xf32>
    %mul3A_861 = arith.mulf %mul3A_854, %add3A_860 : vector<8x2048xf32>
    %add3A_862 = arith.constant 0.0416635796 : f32
    %add3A_863 = vector.broadcast %add3A_862 : f32 to vector<8x2048xf32>
    %add3A_864 = arith.addf %add3A_863, %mul3A_861 : vector<8x2048xf32>
    %mul3A_865 = arith.mulf %mul3A_854, %add3A_864 : vector<8x2048xf32>
    %add3A_866 = arith.constant -0.499999046 : f32
    %add3A_867 = vector.broadcast %add3A_866 : f32 to vector<8x2048xf32>
    %add3A_868 = arith.addf %add3A_867, %mul3A_865 : vector<8x2048xf32>
    %mul3A_869 = arith.mulf %mul3A_854, %add3A_868 : vector<8x2048xf32>
    %add3A_870 = arith.constant 0.99999994 : f32
    %add3A_871 = vector.broadcast %add3A_870 : f32 to vector<8x2048xf32>
    %add3A_872 = arith.addf %add3A_871, %mul3A_869 : vector<8x2048xf32>
    %mul3A_873 = arith.constant -1.8362749E-4 : f32
    %mul3A_874 = vector.broadcast %mul3A_873 : f32 to vector<8x2048xf32>
    %mul3A_875 = arith.mulf %mul3A_854, %mul3A_874 : vector<8x2048xf32>
    %add3A_876 = arith.constant 0.0083062863 : f32
    %add3A_877 = vector.broadcast %add3A_876 : f32 to vector<8x2048xf32>
    %add3A_878 = arith.addf %add3A_877, %mul3A_875 : vector<8x2048xf32>
    %mul3A_879 = arith.mulf %mul3A_854, %add3A_878 : vector<8x2048xf32>
    %add3A_880 = arith.constant -0.166648239 : f32
    %add3A_881 = vector.broadcast %add3A_880 : f32 to vector<8x2048xf32>
    %add3A_882 = arith.addf %add3A_881, %mul3A_879 : vector<8x2048xf32>
    %mul3A_883 = arith.mulf %mul3A_854, %add3A_882 : vector<8x2048xf32>
    %add3A_884 = arith.constant 0.999996602 : f32
    %add3A_885 = vector.broadcast %add3A_884 : f32 to vector<8x2048xf32>
    %add3A_886 = arith.addf %add3A_885, %mul3A_883 : vector<8x2048xf32>
    %mul3A_887 = arith.mulf %sub3A_853, %add3A_886 : vector<8x2048xf32>
    %mul3A_888 = arith.constant 5.000000e-01 : f32
    %mul3A_889 = vector.broadcast %mul3A_888 : f32 to vector<8x2048xf32>
    %mul3A_890 = arith.mulf %get3A_844, %mul3A_889 : vector<8x2048xf32>
    %sub3A_891 = arith.constant 1.57079637 : f32
    %sub3A_892 = vector.broadcast %sub3A_891 : f32 to vector<8x2048xf32>
    %sub3A_893 = arith.subf %mul3A_890, %sub3A_892 : vector<8x2048xf32>
    %mul3A_894 = arith.mulf %sub3A_893, %sub3A_893 : vector<8x2048xf32>
    %mul3A_895 = arith.constant -1.8362749E-4 : f32
    %mul3A_896 = vector.broadcast %mul3A_895 : f32 to vector<8x2048xf32>
    %mul3A_897 = arith.mulf %mul3A_894, %mul3A_896 : vector<8x2048xf32>
    %add3A_898 = arith.constant 0.0083062863 : f32
    %add3A_899 = vector.broadcast %add3A_898 : f32 to vector<8x2048xf32>
    %add3A_900 = arith.addf %add3A_899, %mul3A_897 : vector<8x2048xf32>
    %mul3A_901 = arith.mulf %mul3A_894, %add3A_900 : vector<8x2048xf32>
    %add3A_902 = arith.constant -0.166648239 : f32
    %add3A_903 = vector.broadcast %add3A_902 : f32 to vector<8x2048xf32>
    %add3A_904 = arith.addf %add3A_903, %mul3A_901 : vector<8x2048xf32>
    %mul3A_905 = arith.mulf %mul3A_894, %add3A_904 : vector<8x2048xf32>
    %add3A_906 = arith.constant 0.999996602 : f32
    %add3A_907 = vector.broadcast %add3A_906 : f32 to vector<8x2048xf32>
    %add3A_908 = arith.addf %add3A_907, %mul3A_905 : vector<8x2048xf32>
    %mul3A_909 = arith.mulf %sub3A_893, %add3A_908 : vector<8x2048xf32>
    %mul3A_910 = arith.constant 2.3153174E-5 : f32
    %mul3A_911 = vector.broadcast %mul3A_910 : f32 to vector<8x2048xf32>
    %mul3A_912 = arith.mulf %mul3A_894, %mul3A_911 : vector<8x2048xf32>
    %add3A_913 = arith.constant -0.00138536666 : f32
    %add3A_914 = vector.broadcast %add3A_913 : f32 to vector<8x2048xf32>
    %add3A_915 = arith.addf %add3A_914, %mul3A_912 : vector<8x2048xf32>
    %mul3A_916 = arith.mulf %mul3A_894, %add3A_915 : vector<8x2048xf32>
    %add3A_917 = arith.constant 0.0416635796 : f32
    %add3A_918 = vector.broadcast %add3A_917 : f32 to vector<8x2048xf32>
    %add3A_919 = arith.addf %add3A_918, %mul3A_916 : vector<8x2048xf32>
    %mul3A_920 = arith.mulf %mul3A_894, %add3A_919 : vector<8x2048xf32>
    %add3A_921 = arith.constant -0.499999046 : f32
    %add3A_922 = vector.broadcast %add3A_921 : f32 to vector<8x2048xf32>
    %add3A_923 = arith.addf %add3A_922, %mul3A_920 : vector<8x2048xf32>
    %mul3A_924 = arith.mulf %mul3A_894, %add3A_923 : vector<8x2048xf32>
    %add3A_925 = arith.constant 0.99999994 : f32
    %add3A_926 = vector.broadcast %add3A_925 : f32 to vector<8x2048xf32>
    %add3A_927 = arith.addf %add3A_926, %mul3A_924 : vector<8x2048xf32>
    %mul3A_928 = arith.constant 2.000000e+00 : f32
    %mul3A_929 = vector.broadcast %mul3A_928 : f32 to vector<8x2048xf32>
    %mul3A_930 = arith.mulf %mul3A_929, %mul3A_909 : vector<8x2048xf32>
    %mul3A_931 = arith.mulf %mul3A_930, %add3A_927 : vector<8x2048xf32>
    %mul3A_932 = arith.mulf %mul3A_909, %mul3A_909 : vector<8x2048xf32>
    %mul3A_933 = arith.constant 2.000000e+00 : f32
    %mul3A_934 = vector.broadcast %mul3A_933 : f32 to vector<8x2048xf32>
    %mul3A_935 = arith.mulf %mul3A_934, %mul3A_932 : vector<8x2048xf32>
    %sub3A_936 = arith.constant 1.000000e+00 : f32
    %sub3A_937 = vector.broadcast %sub3A_936 : f32 to vector<8x2048xf32>
    %sub3A_938 = arith.subf %mul3A_935, %sub3A_937 : vector<8x2048xf32>
    %mul3A_939 = vector.broadcast %broadcast_in_dim3A : vector<1x2048xf32> to vector<8x2048xf32>
    %mul3A_940 = arith.mulf %sub3A_938, %mul3A_939 : vector<8x2048xf32>
    %mul3A_941 = vector.broadcast %broadcast_in_dim3A_3 : vector<1x2048xf32> to vector<8x2048xf32>
    %mul3A_942 = arith.mulf %mul3A_931, %mul3A_941 : vector<8x2048xf32>
    %sub3A_943 = arith.subf %mul3A_940, %mul3A_942 : vector<8x2048xf32>
    %mul3A_944 = arith.mulf %add3A_872, %sub3A_943 : vector<8x2048xf32>
    %mul3A_945 = vector.broadcast %broadcast_in_dim3A_6 : vector<1x2048xf32> to vector<8x2048xf32>
    %mul3A_946 = arith.mulf %mul3A_887, %mul3A_945 : vector<8x2048xf32>
    %sub3A_947 = arith.subf %mul3A_944, %mul3A_946 : vector<8x2048xf32>
    %max3A_948 = arith.constant 9.99999997E-7 : f32
    %max3A_949 = vector.broadcast %max3A_948 : f32 to vector<8x2048xf32>
    %max3A_950 = arith.maximumf %get3A_838, %max3A_949 : vector<8x2048xf32>
    %mul3A_951 = arith.constant -2.000000e+00 : f32
    %mul3A_952 = vector.broadcast %mul3A_951 : f32 to vector<8x2048xf32>
    %mul3A_953 = arith.mulf %mul3A_952, %max3A_950 : vector<8x2048xf32>
    %exp3A_954 = math.exp %mul3A_953 : vector<8x2048xf32>
    %sub3A_955 = arith.constant 1.000000e+00 : f32
    %sub3A_956 = vector.broadcast %sub3A_955 : f32 to vector<8x2048xf32>
    %sub3A_957 = arith.subf %sub3A_956, %exp3A_954 : vector<8x2048xf32>
    %mul3A_958 = arith.constant 6.28318548 : f32
    %mul3A_959 = vector.broadcast %mul3A_958 : f32 to vector<8x2048xf32>
    %mul3A_960 = arith.mulf %mul3A_959, %sub3A_957 : vector<8x2048xf32>
    %div3A_961 = arith.divf %max3A_950, %mul3A_960 : vector<8x2048xf32>
    %sub3A_962 = arith.constant 1.000000e+00 : f32
    %sub3A_963 = vector.broadcast %sub3A_962 : f32 to vector<8x2048xf32>
    %sub3A_964 = arith.subf %sub3A_947, %sub3A_963 : vector<8x2048xf32>
    %mul3A_965 = arith.mulf %get3A_838, %sub3A_964 : vector<8x2048xf32>
    %exp3A_966 = math.exp %mul3A_965 : vector<8x2048xf32>
    %mul3A_967 = arith.mulf %div3A_961, %exp3A_966 : vector<8x2048xf32>
    %mul3A_968 = arith.mulf %add3A_850, %mul3A_967 : vector<8x2048xf32>
    %add3A_969 = arith.addf %add3A_831, %mul3A_968 : vector<8x2048xf32>
    %add3A_970 = arith.addf %add3A_832, %add3A_850 : vector<8x2048xf32>
    %get3A_971 = arith.constant 56 : index
    %get3A_972 = arith.constant 0 : index
    %get3A_973 = vector.load %arg1[%get3A_971, %get3A_972] : memref<64x2048xf32, #tpu.memory_space<vmem>>, vector<8x2048xf32>
    %get3A_974 = arith.constant 56 : index
    %get3A_975 = arith.constant 0 : index
    %get3A_976 = vector.load %arg2[%get3A_974, %get3A_975] : memref<64x2048xf32, #tpu.memory_space<vmem>>, vector<8x2048xf32>
    %get3A_977 = arith.constant 56 : index
    %get3A_978 = arith.constant 0 : index
    %get3A_979 = vector.load %arg3[%get3A_977, %get3A_978] : memref<64x2048xf32, #tpu.memory_space<vmem>>, vector<8x2048xf32>
    %get3A_980 = arith.constant 56 : index
    %get3A_981 = arith.constant 0 : index
    %get3A_982 = vector.load %arg4[%get3A_980, %get3A_981] : memref<64x2048xf32, #tpu.memory_space<vmem>>, vector<8x2048xf32>
    %max3A_983 = arith.constant 0.000000e+00 : f32
    %max3A_984 = vector.broadcast %max3A_983 : f32 to vector<8x2048xf32>
    %max3A_985 = arith.maximumf %get3A_973, %max3A_984 : vector<8x2048xf32>
    %add3A_986 = arith.constant 9.99999997E-7 : f32
    %add3A_987 = vector.broadcast %add3A_986 : f32 to vector<8x2048xf32>
    %add3A_988 = arith.addf %max3A_985, %add3A_987 : vector<8x2048xf32>
    %sub3A_989 = arith.constant 1.57079637 : f32
    %sub3A_990 = vector.broadcast %sub3A_989 : f32 to vector<8x2048xf32>
    %sub3A_991 = arith.subf %get3A_979, %sub3A_990 : vector<8x2048xf32>
    %mul3A_992 = arith.mulf %sub3A_991, %sub3A_991 : vector<8x2048xf32>
    %mul3A_993 = arith.constant 2.3153174E-5 : f32
    %mul3A_994 = vector.broadcast %mul3A_993 : f32 to vector<8x2048xf32>
    %mul3A_995 = arith.mulf %mul3A_992, %mul3A_994 : vector<8x2048xf32>
    %add3A_996 = arith.constant -0.00138536666 : f32
    %add3A_997 = vector.broadcast %add3A_996 : f32 to vector<8x2048xf32>
    %add3A_998 = arith.addf %add3A_997, %mul3A_995 : vector<8x2048xf32>
    %mul3A_999 = arith.mulf %mul3A_992, %add3A_998 : vector<8x2048xf32>
    %add3A_1000 = arith.constant 0.0416635796 : f32
    %add3A_1001 = vector.broadcast %add3A_1000 : f32 to vector<8x2048xf32>
    %add3A_1002 = arith.addf %add3A_1001, %mul3A_999 : vector<8x2048xf32>
    %mul3A_1003 = arith.mulf %mul3A_992, %add3A_1002 : vector<8x2048xf32>
    %add3A_1004 = arith.constant -0.499999046 : f32
    %add3A_1005 = vector.broadcast %add3A_1004 : f32 to vector<8x2048xf32>
    %add3A_1006 = arith.addf %add3A_1005, %mul3A_1003 : vector<8x2048xf32>
    %mul3A_1007 = arith.mulf %mul3A_992, %add3A_1006 : vector<8x2048xf32>
    %add3A_1008 = arith.constant 0.99999994 : f32
    %add3A_1009 = vector.broadcast %add3A_1008 : f32 to vector<8x2048xf32>
    %add3A_1010 = arith.addf %add3A_1009, %mul3A_1007 : vector<8x2048xf32>
    %mul3A_1011 = arith.constant -1.8362749E-4 : f32
    %mul3A_1012 = vector.broadcast %mul3A_1011 : f32 to vector<8x2048xf32>
    %mul3A_1013 = arith.mulf %mul3A_992, %mul3A_1012 : vector<8x2048xf32>
    %add3A_1014 = arith.constant 0.0083062863 : f32
    %add3A_1015 = vector.broadcast %add3A_1014 : f32 to vector<8x2048xf32>
    %add3A_1016 = arith.addf %add3A_1015, %mul3A_1013 : vector<8x2048xf32>
    %mul3A_1017 = arith.mulf %mul3A_992, %add3A_1016 : vector<8x2048xf32>
    %add3A_1018 = arith.constant -0.166648239 : f32
    %add3A_1019 = vector.broadcast %add3A_1018 : f32 to vector<8x2048xf32>
    %add3A_1020 = arith.addf %add3A_1019, %mul3A_1017 : vector<8x2048xf32>
    %mul3A_1021 = arith.mulf %mul3A_992, %add3A_1020 : vector<8x2048xf32>
    %add3A_1022 = arith.constant 0.999996602 : f32
    %add3A_1023 = vector.broadcast %add3A_1022 : f32 to vector<8x2048xf32>
    %add3A_1024 = arith.addf %add3A_1023, %mul3A_1021 : vector<8x2048xf32>
    %mul3A_1025 = arith.mulf %sub3A_991, %add3A_1024 : vector<8x2048xf32>
    %mul3A_1026 = arith.constant 5.000000e-01 : f32
    %mul3A_1027 = vector.broadcast %mul3A_1026 : f32 to vector<8x2048xf32>
    %mul3A_1028 = arith.mulf %get3A_982, %mul3A_1027 : vector<8x2048xf32>
    %sub3A_1029 = arith.constant 1.57079637 : f32
    %sub3A_1030 = vector.broadcast %sub3A_1029 : f32 to vector<8x2048xf32>
    %sub3A_1031 = arith.subf %mul3A_1028, %sub3A_1030 : vector<8x2048xf32>
    %mul3A_1032 = arith.mulf %sub3A_1031, %sub3A_1031 : vector<8x2048xf32>
    %mul3A_1033 = arith.constant -1.8362749E-4 : f32
    %mul3A_1034 = vector.broadcast %mul3A_1033 : f32 to vector<8x2048xf32>
    %mul3A_1035 = arith.mulf %mul3A_1032, %mul3A_1034 : vector<8x2048xf32>
    %add3A_1036 = arith.constant 0.0083062863 : f32
    %add3A_1037 = vector.broadcast %add3A_1036 : f32 to vector<8x2048xf32>
    %add3A_1038 = arith.addf %add3A_1037, %mul3A_1035 : vector<8x2048xf32>
    %mul3A_1039 = arith.mulf %mul3A_1032, %add3A_1038 : vector<8x2048xf32>
    %add3A_1040 = arith.constant -0.166648239 : f32
    %add3A_1041 = vector.broadcast %add3A_1040 : f32 to vector<8x2048xf32>
    %add3A_1042 = arith.addf %add3A_1041, %mul3A_1039 : vector<8x2048xf32>
    %mul3A_1043 = arith.mulf %mul3A_1032, %add3A_1042 : vector<8x2048xf32>
    %add3A_1044 = arith.constant 0.999996602 : f32
    %add3A_1045 = vector.broadcast %add3A_1044 : f32 to vector<8x2048xf32>
    %add3A_1046 = arith.addf %add3A_1045, %mul3A_1043 : vector<8x2048xf32>
    %mul3A_1047 = arith.mulf %sub3A_1031, %add3A_1046 : vector<8x2048xf32>
    %mul3A_1048 = arith.constant 2.3153174E-5 : f32
    %mul3A_1049 = vector.broadcast %mul3A_1048 : f32 to vector<8x2048xf32>
    %mul3A_1050 = arith.mulf %mul3A_1032, %mul3A_1049 : vector<8x2048xf32>
    %add3A_1051 = arith.constant -0.00138536666 : f32
    %add3A_1052 = vector.broadcast %add3A_1051 : f32 to vector<8x2048xf32>
    %add3A_1053 = arith.addf %add3A_1052, %mul3A_1050 : vector<8x2048xf32>
    %mul3A_1054 = arith.mulf %mul3A_1032, %add3A_1053 : vector<8x2048xf32>
    %add3A_1055 = arith.constant 0.0416635796 : f32
    %add3A_1056 = vector.broadcast %add3A_1055 : f32 to vector<8x2048xf32>
    %add3A_1057 = arith.addf %add3A_1056, %mul3A_1054 : vector<8x2048xf32>
    %mul3A_1058 = arith.mulf %mul3A_1032, %add3A_1057 : vector<8x2048xf32>
    %add3A_1059 = arith.constant -0.499999046 : f32
    %add3A_1060 = vector.broadcast %add3A_1059 : f32 to vector<8x2048xf32>
    %add3A_1061 = arith.addf %add3A_1060, %mul3A_1058 : vector<8x2048xf32>
    %mul3A_1062 = arith.mulf %mul3A_1032, %add3A_1061 : vector<8x2048xf32>
    %add3A_1063 = arith.constant 0.99999994 : f32
    %add3A_1064 = vector.broadcast %add3A_1063 : f32 to vector<8x2048xf32>
    %add3A_1065 = arith.addf %add3A_1064, %mul3A_1062 : vector<8x2048xf32>
    %mul3A_1066 = arith.constant 2.000000e+00 : f32
    %mul3A_1067 = vector.broadcast %mul3A_1066 : f32 to vector<8x2048xf32>
    %mul3A_1068 = arith.mulf %mul3A_1067, %mul3A_1047 : vector<8x2048xf32>
    %mul3A_1069 = arith.mulf %mul3A_1068, %add3A_1065 : vector<8x2048xf32>
    %mul3A_1070 = arith.mulf %mul3A_1047, %mul3A_1047 : vector<8x2048xf32>
    %mul3A_1071 = arith.constant 2.000000e+00 : f32
    %mul3A_1072 = vector.broadcast %mul3A_1071 : f32 to vector<8x2048xf32>
    %mul3A_1073 = arith.mulf %mul3A_1072, %mul3A_1070 : vector<8x2048xf32>
    %sub3A_1074 = arith.constant 1.000000e+00 : f32
    %sub3A_1075 = vector.broadcast %sub3A_1074 : f32 to vector<8x2048xf32>
    %sub3A_1076 = arith.subf %mul3A_1073, %sub3A_1075 : vector<8x2048xf32>
    %mul3A_1077 = vector.broadcast %broadcast_in_dim3A : vector<1x2048xf32> to vector<8x2048xf32>
    %mul3A_1078 = arith.mulf %sub3A_1076, %mul3A_1077 : vector<8x2048xf32>
    %mul3A_1079 = vector.broadcast %broadcast_in_dim3A_3 : vector<1x2048xf32> to vector<8x2048xf32>
    %mul3A_1080 = arith.mulf %mul3A_1069, %mul3A_1079 : vector<8x2048xf32>
    %sub3A_1081 = arith.subf %mul3A_1078, %mul3A_1080 : vector<8x2048xf32>
    %mul3A_1082 = arith.mulf %add3A_1010, %sub3A_1081 : vector<8x2048xf32>
    %mul3A_1083 = vector.broadcast %broadcast_in_dim3A_6 : vector<1x2048xf32> to vector<8x2048xf32>
    %mul3A_1084 = arith.mulf %mul3A_1025, %mul3A_1083 : vector<8x2048xf32>
    %sub3A_1085 = arith.subf %mul3A_1082, %mul3A_1084 : vector<8x2048xf32>
    %max3A_1086 = arith.constant 9.99999997E-7 : f32
    %max3A_1087 = vector.broadcast %max3A_1086 : f32 to vector<8x2048xf32>
    %max3A_1088 = arith.maximumf %get3A_976, %max3A_1087 : vector<8x2048xf32>
    %mul3A_1089 = arith.constant -2.000000e+00 : f32
    %mul3A_1090 = vector.broadcast %mul3A_1089 : f32 to vector<8x2048xf32>
    %mul3A_1091 = arith.mulf %mul3A_1090, %max3A_1088 : vector<8x2048xf32>
    %exp3A_1092 = math.exp %mul3A_1091 : vector<8x2048xf32>
    %sub3A_1093 = arith.constant 1.000000e+00 : f32
    %sub3A_1094 = vector.broadcast %sub3A_1093 : f32 to vector<8x2048xf32>
    %sub3A_1095 = arith.subf %sub3A_1094, %exp3A_1092 : vector<8x2048xf32>
    %mul3A_1096 = arith.constant 6.28318548 : f32
    %mul3A_1097 = vector.broadcast %mul3A_1096 : f32 to vector<8x2048xf32>
    %mul3A_1098 = arith.mulf %mul3A_1097, %sub3A_1095 : vector<8x2048xf32>
    %div3A_1099 = arith.divf %max3A_1088, %mul3A_1098 : vector<8x2048xf32>
    %sub3A_1100 = arith.constant 1.000000e+00 : f32
    %sub3A_1101 = vector.broadcast %sub3A_1100 : f32 to vector<8x2048xf32>
    %sub3A_1102 = arith.subf %sub3A_1085, %sub3A_1101 : vector<8x2048xf32>
    %mul3A_1103 = arith.mulf %get3A_976, %sub3A_1102 : vector<8x2048xf32>
    %exp3A_1104 = math.exp %mul3A_1103 : vector<8x2048xf32>
    %mul3A_1105 = arith.mulf %div3A_1099, %exp3A_1104 : vector<8x2048xf32>
    %mul3A_1106 = arith.mulf %add3A_988, %mul3A_1105 : vector<8x2048xf32>
    %add3A_1107 = arith.addf %add3A_969, %mul3A_1106 : vector<8x2048xf32>
    %add3A_1108 = arith.addf %add3A_970, %add3A_988 : vector<8x2048xf32>
    %reduce_sum3A = arith.constant dense<0.000000e+00> : vector<2048xf32>
    %reduce_sum3A_1109 = vector.multi_reduction <add>, %add3A_1107, %reduce_sum3A [0] : vector<8x2048xf32> to vector<2048xf32>
    %reduce_sum3A_1110 = arith.constant dense<0.000000e+00> : vector<2048xf32>
    %reduce_sum3A_1111 = vector.multi_reduction <add>, %add3A_1108, %reduce_sum3A_1110 [0] : vector<8x2048xf32> to vector<2048xf32>
    %max3A_1112 = arith.constant 9.99999974E-6 : f32
    %max3A_1113 = vector.broadcast %max3A_1112 : f32 to vector<2048xf32>
    %max3A_1114 = arith.maximumf %reduce_sum3A_1111, %max3A_1113 : vector<2048xf32>
    %div3A_1115 = arith.divf %reduce_sum3A_1109, %max3A_1114 : vector<2048xf32>
    %swap3A = arith.constant 0 : index
    %swap3A_1116 = vector.load %arg8[%swap3A] : memref<2048xf32, #tpu.memory_space<vmem>>, vector<2048xf32>
    tpu.vector_store %arg8[%swap3A], %div3A_1115 {strides = array<i32>} : memref<2048xf32, #tpu.memory_space<vmem>>, vector<2048xf32>,
    return
  }
  func.func @transform_0(%arg0: i32) -> (i32, i32) {
    %add3A = arith.constant 1 : i32
    %add3A_0 = arith.addi %arg0, %add3A : i32
    %c0_i32 = arith.constant 0 : i32
    %c0_i32_1 = arith.constant 0 : i32
    return %c0_i32, %add3A_0 : i32, i32
  }
  func.func @transform_1(%arg0: i32) -> (i32, i32) {
    %add3A = arith.constant 1 : i32
    %add3A_0 = arith.addi %arg0, %add3A : i32
    %c0_i32 = arith.constant 0 : i32
    %c0_i32_1 = arith.constant 0 : i32
    return %c0_i32, %add3A_0 : i32, i32
  }
  func.func @transform_2(%arg0: i32) -> (i32, i32) {
    %add3A = arith.constant 1 : i32
    %add3A_0 = arith.addi %arg0, %add3A : i32
    %c0_i32 = arith.constant 0 : i32
    %c0_i32_1 = arith.constant 0 : i32
    return %c0_i32, %add3A_0 : i32, i32
  }
  func.func @transform_3(%arg0: i32) -> (i32, i32) {
    %add3A = arith.constant 1 : i32
    %add3A_0 = arith.addi %arg0, %add3A : i32
    %c0_i32 = arith.constant 0 : i32
    %c0_i32_1 = arith.constant 0 : i32
    return %c0_i32, %add3A_0 : i32, i32
  }
  func.func @transform_4(%arg0: i32) -> i32 {
    %add3A = arith.constant 1 : i32
    %add3A_0 = arith.addi %arg0, %add3A : i32
    %c0_i32 = arith.constant 0 : i32
    return %add3A_0 : i32
  }
  func.func @transform_5(%arg0: i32) -> i32 {
    %add3A = arith.constant 1 : i32
    %add3A_0 = arith.addi %arg0, %add3A : i32
    %c0_i32 = arith.constant 0 : i32
    return %add3A_0 : i32
  }
  func.func @transform_6(%arg0: i32) -> i32 {
    %add3A = arith.constant 1 : i32
    %add3A_0 = arith.addi %arg0, %add3A : i32
    %c0_i32 = arith.constant 0 : i32
    return %add3A_0 : i32
  }
  func.func @transform_7(%arg0: i32) -> i32 {
    %c0_i32 = arith.constant 0 : i32
    return %arg0 : i32
  }
}

</mosaic_0001>

<sc_bundles>
// kernel: kernel.4.cloned.1.call-start
scs
__scs_entry_jumppad:
0x0: {  	(pc) =	sbr.rel $0x88, $3  }
0x1: {  	(tag) =	ssettag $0x0;
	lr =	simm.s32 $0x1  }
0x2: {  	[smem:$0x3F9C] =	sst lr;
	_ =	strace $0xD0000000  }
0x3: {  	_ = 	snop  }
0x4: {  	_ = 	snop  }
0x5: {  	_ = 	snop  }
0x6: {  	_ = 	snop  }
0x7: {  	_ = 	snop  }
__scs_overlays_trampoline_lowered:
0x8: {  	[smem:$0x3FAB] =	sst s0  }
0x9: {  	[smem:$0x3FAC] =	sst s1  }
0xa: {  	[smem:$0x3FAD] =	sst s2  }
0xb: {  	[smem:$0x3FAE] =	sst s3  }
0xc: {  	[smem:$0x3FAF] =	sst s4  }
0xd: {  	[smem:$0x3FB0] =	sst s5  }
0xe: {  	[smem:$0x3FB1] =	sst s6  }
0xf: {  	[smem:$0x3FB2] =	sst s7  }
0x10: {  	[smem:$0x3FB3] =	sst s8  }
0x11: {  	[smem:$0x3FB4] =	sst s9;
	s0 =	simm.s32 @!p0 $0x0  }
0x12: {  	s1 =	sld [smem:$0x3F9A];
	s0 =	simm.s32 @p0 $0x1  }
0x13: {  	[smem:$0x3FB5] =	sst s0;
	s0 =	simm.s32 @!p1 $0x0  }
0x14: {  	s2 =	sld [smem:$0x3F99];
	s0 =	simm.s32 @p1 $0x1  }
0x15: {  	[smem:$0x3FB6] =	sst s0;
	s0 =	simm.s32 @!p2 $0x0  }
0x16: {  	s3 =	sld [smem:$0x3FDB];
	s0 =	simm.s32 @p2 $0x1  }
0x17: {  	s4 =	simm.s32 $0x1BF5;
	[smem:$0x3FB8] =	sst s0  }
0x18: {  	s0 =	sld [smem:$0x3F9B];
	_ =	swait.ge [sflag:s4], $0x0  }
0x19: {  	s7 =	sld [smem:$0x3F9C]  }
0x1a: {  	s8 =	sadd.s32 $0xFFFFE003, lr  }
0x1b: {  	s9 =	sadd.s32 $0xFFFFFEF7, lr;
	s5 =	simm.s32 $0xFFFFFFFF;
	p2 =	slt.u32 s8, $0xFFFFF086  }
0x1c: {  	p1 =	slt.u32 s9, $0xF7A;
	s5 =	simm.s32 @!p2 $0x0  }
0x1d: {  	s5 =	simm.s32 @p1 $0x1;
	p0 =	seq.s32 s7, s2  }
0x1e: {  	s7 =	smul.u32 @!p0 $0xF7A, s2;
	p2 =	seq.s32 @!p0 s5, $0x0  }
0x1f: {  	s9 =	smul.u32 $0xF7A, s1;
	s8 =	simm.s32 @!p0 $0x1BF5;
	p2 =	por !p2, p0  }
0x20: {  	[sflag:s8] =	ssyncset.s32 @!p0 $0xFFFFF086;
	s6 =	sadd.s32 @!p0 s3, s7;
	s7 =	simm.s32 @!p0 $0x108  }
0x21: {  	s3 =	sadd.s32 s3, s9;
	s6 =	sadd.s32 @!p0 $0x88, s6;
	s7 =	simm.s32 @p2 $0x1082  }
0x22: {  	[simem:s7], [sflag:s8] =	dma.local @!p0 [hbm:s6], $0xF7A  }
0x23: {  	s9 =	sor.u32 $0xD0000000, s2;
	s6 =	simm.s32 $0x108;
	_ =	swait.ge @!p0 [sflag:s8], $0x0  }
0x24: {  	s3 =	sadd.s32 $0x88, s3;
	s6 =	simm.s32 @!p1 $0x1082;
	[sflag:s4] =	ssyncset.s32 $0xFFFFF086  }
0x25: {  	[simem:s6], [sflag:s4] =	dma.local [hbm:s3], $0xF7A  }
0x26: {  	[smem:$0x3F9C] =	sst s1;
	(tag) =	ssettag s2;
	_ =	strace s9  }
0x27: {  	s1 =	sld [smem:$0x3FAC]  }
0x28: {  	s2 =	sld [smem:$0x3FAD]  }
0x29: {  	s4 =	sld [smem:$0x3FAF]  }
0x2a: {  	p0 =	seq.s32 s5, $0x0;
	s5 =	sld [smem:$0x3FB0]  }
0x2b: {  	s6 =	sld [smem:$0x3FB1]  }
0x2c: {  	s7 =	sld [smem:$0x3FB2]  }
0x2d: {  	s3 =	simm.s32 $0x108;
	s8 =	sld [smem:$0x3FB3]  }
0x2e: {  	s3 =	simm.s32 @!p0 $0x1082;
	s9 =	sld [smem:$0x3FB4]  }
0x2f: {  	lr =	sadd.s32 s0, s3;
	s0 =	sld [smem:$0x3FAB]  }
0x30: {  	s3 =	sld [smem:$0x3FAE]  }
0x31: {  	[smem:$0x3FB7] =	sst s10  }
0x32: {  	s10 =	sld [smem:$0x3FB5];
	_ =	sdelay $0x3  }
0x33: {  	p0 =	seq.s32 s10, $0x1;
	s10 =	sld [smem:$0x3FB7];
	_ =	sdelay $0x3  }
0x34: {  	[smem:$0x3FB7] =	sst s10  }
0x35: {  	s10 =	sld [smem:$0x3FB6];
	_ =	sdelay $0x3  }
0x36: {  	p1 =	seq.s32 s10, $0x1;
	s10 =	sld [smem:$0x3FB7];
	_ =	sdelay $0x3  }
0x37: {  	[smem:$0x3FB7] =	sst s10  }
0x38: {  	s10 =	sld [smem:$0x3FB8]  }
0x39: {  	_ = 	snop;
	(pc) =	sbr.ind lr, $3  }
0x3a: {  	_ = 	snop  }
0x3b: {  	_ = 	snop  }
0x3c: {  	p2 =	seq.s32 s10, $0x1;
	s10 =	sld [smem:$0x3FB7]  }
0x3d: {  	_ =	shalt  }
0x3e: {  	_ =	shalt  }
0x3f: {  	_ =	shalt  }
0x40: {  	_ =	shalt  }
0x41: {  	_ =	shalt  }
0x42: {  	_ =	shalt  }
0x43: {  	_ =	shalt  }
0x44: {  	_ =	shalt  }
0x45: {  	_ =	shalt  }
0x46: {  	_ =	shalt  }
0x47: {  	_ =	shalt  }
0x48: {  	_ =	shalt  }
0x49: {  	_ =	shalt  }
0x4a: {  	_ =	shalt  }
0x4b: {  	_ =	shalt  }
0x4c: {  	_ =	shalt  }
0x4d: {  	_ =	shalt  }
0x4e: {  	_ =	shalt  }
0x4f: {  	_ =	shalt  }
0x50: {  	_ =	shalt  }
0x51: {  	_ =	shalt  }
0x52: {  	_ =	shalt  }
0x53: {  	_ =	shalt  }
0x54: {  	_ =	shalt  }
0x55: {  	_ =	shalt  }
0x56: {  	_ =	shalt  }
0x57: {  	_ =	shalt  }
0x58: {  	_ =	shalt  }
0x59: {  	_ =	shalt  }
0x5a: {  	_ =	shalt  }
0x5b: {  	_ =	shalt  }
0x5c: {  	_ =	shalt  }
0x5d: {  	_ =	shalt  }
0x5e: {  	_ =	shalt  }
0x5f: {  	_ =	shalt  }
0x60: {  	_ =	shalt  }
0x61: {  	_ =	shalt  }
0x62: {  	_ =	shalt  }
0x63: {  	_ =	shalt  }
0x64: {  	_ =	shalt  }
0x65: {  	_ =	shalt  }
0x66: {  	_ =	shalt  }
0x67: {  	_ =	shalt  }
0x68: {  	_ =	shalt  }
0x69: {  	_ =	shalt  }
0x6a: {  	_ =	shalt  }
0x6b: {  	_ =	shalt  }
0x6c: {  	_ =	shalt  }
0x6d: {  	_ =	shalt  }
0x6e: {  	_ =	shalt  }
0x6f: {  	_ =	shalt  }
0x70: {  	_ =	shalt  }
0x71: {  	_ =	shalt  }
0x72: {  	_ =	shalt  }
0x73: {  	_ =	shalt  }
0x74: {  	_ =	shalt  }
0x75: {  	_ =	shalt  }
0x76: {  	_ =	shalt  }
0x77: {  	_ =	shalt  }
0x78: {  	_ =	shalt  }
0x79: {  	_ =	shalt  }
0x7a: {  	_ =	shalt  }
0x7b: {  	_ =	shalt  }
0x7c: {  	_ =	shalt  }
0x7d: {  	_ =	shalt  }
0x7e: {  	_ =	shalt  }
0x7f: {  	_ =	shalt  }
0x80: {  	_ =	shalt  }
0x81: {  	_ =	shalt  }
0x82: {  	_ =	shalt  }
0x83: {  	_ =	shalt  }
0x84: {  	_ =	shalt  }
0x85: {  	_ =	shalt  }
0x86: {  	_ =	shalt  }
0x87: {  	_ =	shalt  }
.Lfunc_end0:
.L_simem_size_0:
called_computation_lowered:
.L_overlay_start_0:
0x88: {  	s2 =	sld [smem:$0x3FD9]  }
0x89: {  	s3 =	sld [smem:$0x3FFE];
	_ =	sdelay $0x1  }
0x8a: {  	s1 =	srdreg.scid  }
0x8b: {  	s0 =	sand.u32 $0x1, s1  }
0x8c: {  	s17 =	sshll.u32 s0, $0xA;
	s2 =	sadd.s32 s3, s2  }
0x8d: {  	s2 =	sadd.s32 s2, s17  }
0x8e: {  	[smem:$0x3FC3] =	sst s2  }
0x8f: {  	_ = 	snop  }
0x90: {  	s2 =	sld [smem:$0x3FC9]  }
0x91: {  	s18 =	sld [smem:$0x3FC8]  }
0x92: {  	s4 =	sld [smem:$0x3FC7]  }
0x93: {  	s5 =	sld [smem:$0x3FC6]  }
0x94: {  	s6 =	sld [smem:$0x3FD0];
	(tm) =	ssettm $0x1  }
0x95: {  	s7 =	sld [smem:$0x3FFB];
	_ =	sdelay $0x3  }
0x96: {  	_ =	strace s7  }
0x97: {  	s7 =	sld [smem:$0x3FFC];
	_ =	sdelay $0x3  }
0x98: {  	_ =	strace s7  }
0x99: {  	s7 =	sld [smem:$0x3FFD];
	_ =	sdelay $0x3  }
0x9a: {  	_ =	strace s7  }
0x9b: {  	_ =	strace $0x8FFFFFFF  }
0x9c: {  	s19 =	sld [smem:$0x3FDB];
	_ =	sdelay $0x1  }
0x9d: {  	s8 =	simm.s32 $_scs_section_size  }
0x9e: {  	s9 =	simm.s32 $_size__tile_overlayer_lowered;
	s10 =	simm.s32 $_tile_overlayer_lowered  }
0x9f: {  	s22 =	simm.s32 $0x1BFF;
	s21 =	sshll.u32 s10, $0x1;
	s7 =	sadd.s32 s8, s19  }
0xa0: {  	s11 =	simm.s32 $0x0;
	s20 =	sshll.u32 s9, $0x1;
	s9 =	sadd.s32 s21, s7  }
0xa1: {  	[timem:s11], [sflag:s22] =	dma.local [hbm:s9], s20  }
0xa2: {  	_ =	swait.ge [sflag:s22], s20  }
0xa3: {  	s8 =	ssub.s32 $0x0, s20;
	[sflag:s22] =	ssyncset.done $0x0  }
0xa4: {  	[sflag:s22] =	ssyncadd.s32 s8;
	_ =	sdelay $0x1  }
0xa5: {  	s23 =	simm.s32 $0x1B8B  }
0xa6: {  	_ =	swait.ge [sflag:s23], $0x1  }
0xa7: {  	[sflag:s23] =	ssyncset.done $0x0  }
0xa8: {  	s25 =	simm.s32 $0x1B8E;
	s24 =	sld [smem:$0x3FFE];
	[sflag:s23] =	ssyncadd.s32 $0xFFFFFFFF  }
0xa9: {  	s26 =	simm.s32 $execute0_lowered;
	[smem:$0x3FD2] =	sst s25  }
0xaa: {  	s9 =	sshll.u32 s26, $0x1;
	_ =	strace $0x80000046;
	[dreg:$0x1] =	wrdreg $0xFFFFFFFF  }
0xab: {  	s28 =	simm.s32 $_size_execute0_lowered;
	s7 =	sadd.s32 s7, s9;
	[dreg:$0x0] =	wrdreg $0x0  }
0xac: {  	s9 =	sshll.u32 s28, $0x1;
	[dreg:$0x2] =	wrdreg s7  }
0xad: {  	[dreg:$0x3] =	wrdreg s9  }
0xae: {  	[dreg:$0x4] =	wrdreg $0xC0  }
0xaf: {  	_ =	task [dreg:s11], $0x5FFFF  }
0xb0: {  	[dreg:$0x1] =	wrdreg $0xFFFFFFFF  }
0xb1: {  	[dreg:$0x0] =	wrdreg $0x60  }
0xb2: {  	[dreg:$0x2] =	wrdreg s2  }
0xb3: {  	[dreg:$0x3] =	wrdreg s18  }
0xb4: {  	[dreg:$0x4] =	wrdreg s4  }
0xb5: {  	[dreg:$0x5] =	wrdreg s5  }
0xb6: {  	[dreg:$0x6] =	wrdreg s24  }
0xb7: {  	[dreg:$0x7] =	wrdreg s6  }
0xb8: {  	[dreg:$0x8] =	wrdreg $0x9  }
0xb9: {  	_ =	task.clear_ibuf [dreg:s11], $0x9FFFF;
	_ =	strace $0x90000046  }
0xba: {  	s29 =	simm.s32 $0x9;
	_ =	strace $0x80000048  }
0xbb: {  	_ =	swait.ge [sflag:s29], $0x1  }
0xbc: {  	[sflag:s29] =	ssyncadd.s32 $0xFFFFFFFF  }
0xbd: {  	_ =	strace $0x90000048  }
0xbe: {  	_ =	sfence  }
0xbf: {  	s30 =	sld [smem:$0x0];
	_ =	sdelay $0x2  }
0xc0: {  	s31 =	sshll.u32 s1, $0xD;
	s1 =	sshrl.u32 s1, $0x2  }
0xc1: {  	s3 =	sand.u32 $0x4000, s31;
	s1 =	sadd.s32 s1, s30  }
0xc2: {  	s0 =	sor.u32 s3, s0;
	s1 =	sshll.u32 s1, $0x11  }
0xc3: {  	s0 =	sor.u32 s1, s0  }
0xc4: {  	s0 =	sadd.s32 $0x8F2B, s0  }
0xc5: {  	[sflag:s0] =	ssyncadd.remote.s32 $0x1  }
0xc6: {  	_ =	sfence.sel $0xFFFF  }
0xc7: {  	[dreg:$0x0] =	wrdreg $0xFFFFFFFF;
	(pc) =	sbr.abs _section_cstart, $3  }
0xc8: {  	[dreg:$0x1] =	wrdreg $0xFFFFFFFF  }
0xc9: {  	_ =	task.clear_ibuf [dreg:s11], $0x2FFFF;
	_ =	strace $0x9FFFFFFF  }
0xca: {  	(tm) =	ssettm $0x7FFFFFFF  }
0xcb: {  	_ =	shalt  }
tec
execute0_lowered:
.L_overlay_start_1:
0x0: {  	(tag) =	ssettag $0x1  }
0x1: {  	s4 =	rddreg [dreg:$0x0]  }
0x2: {  	s5 =	rddreg [dreg:$0x1]  }
0x3: {  	s7 =	rddreg [dreg:$0x2]  }
0x4: {  	s8 =	rddreg [dreg:$0x3]  }
0x5: {  	s1 =	srdreg.scid;
	s9 =	rddreg [dreg:$0x4]  }
0x6: {  	s0 =	stileid.u32;
	s10 =	rddreg [dreg:$0x5]  }
0x7: {  	s3 =	simm.s32 $0x1;
	s2 =	simm.s32 $0x0;
	s6 =	sand.u32 $0x1, s1  }
0x8: {  	[smem:$0x7FF] =	sst s2;
	s1 =	sor.u32 s6, s0;
	p1 =	seq.s32 s6, $0x1  }
0x9: {  	s13 =	sshll.u32 s6, $0x6;
	s6 =	ssub.s32 $0x2, s6;
	p0 =	seq.s32 s1, $0x0  }
0xa: {  	s1 =	rddreg [dreg:$0x6];
	_ =	strace $0x80000047;
	s14 =	sshrl.u32 s6, $0x1  }
0xb: {  	s30 =	sor.u32 $0x2000, s13;
	s31 =	sor.u32 $0x4000, s13;
	s16 =	sor.u32 $0x6000, s13  }
0xc: {  	s17 =	sor.u32 $0x10, s13;
	s18 =	sor.u32 $0x2010, s13;
	s19 =	sor.u32 $0x4010, s13  }
0xd: {  	s20 =	sor.u32 $0x6010, s13;
	s21 =	sor.u32 $0x20, s13;
	s22 =	sor.u32 $0x2020, s13  }
0xe: {  	s23 =	sor.u32 $0x4020, s13;
	s24 =	sor.u32 $0x6020, s13;
	s25 =	sor.u32 $0x30, s13  }
0xf: {  	s26 =	sor.u32 $0x2030, s13;
	s28 =	sor.u32 $0x4030, s13;
	p0 =	por !p0, !p1  }
0x10: {  	s29 =	sor.u32 $0x6030, s13;
	s14 =	ssub.s32 s6, s14;
	p0 =	por !p0, !p0  }
0x11: {  	v2 =	vmov s16;
	v3 =	vmov s17;
	s16 =	simm.s32 $0x4000;
	s17 =	simm.s32 $0x6000;
	s3 =	simm.s32 @!p0 $0x0  }
0x12: {  	v4 =	vmov s18;
	v6 =	vmov s19;
	s18 =	simm.s32 $0x8000;
	s19 =	simm.s32 $0x8080;
	s3 =	ssub.s32 s0, s3  }
0x13: {  	v7 =	vmov s20;
	v8 =	vmov s21;
	s20 =	simm.s32 $0x8100;
	s21 =	simm.s32 $0x8180;
	s11 =	sshll.u32 s3, $0x7  }
0x14: {  	v9 =	vmov s22;
	s22 =	simm.s32 $0x0;
	s3 =	simm.s32 $0x1;
	s12 =	sor.u32 s13, s11  }
0x15: {  	v5 =	vmov s13;
	s11 =	sand.u32 $0x1FFFFF80, s11;
	s13 =	simm.s32 $0x400;
	s12 =	sshrl.u32 s12, $0x3  }
0x16: {  	s4 =	sadd.s32 s4, s11;
	s5 =	sadd.s32 s5, s11;
	s6 =	sadd.s32 s7, s11  }
0x17: {  	v0 =	vmov s30;
	v1 =	vmov s31;
	s7 =	sadd.s32 s8, s11;
	s15 =	sadd.s32 s12, s9;
	s10 =	sadd.s32 s10, s12  }
0x18: {  	v10 =	vmov s23;
	v11 =	vmov s24;
	v12 =	vmov s25;
	s12 =	smax.u32 s14, $0x1;
	s14 =	simm.s32 $0x20000;
	s8 =	sadd.s32 $0x1C00, s15  }
0x19: {  	v13 =	vmov s26;
	v14 =	vmov s28;
	v15 =	vmov s29;
	s9 =	sadd.s32 $0x1400, s15;
	s11 =	sadd.s32 $0x2400, s15;
	s15 =	simm.s32 $0x2000  }
.LBB2_1:
0x1a: {  	[tilespmem:s2], [sflag:$0x1] =	stream.strided.gather [hbm4b:s4+s13], $0x2000, s14, s13, $0x38;
	[tilespmem:$0x8200] =	vst v63  }
0x1b: {  	_ =	swait.ge [sflag:s3], $0x2000  }
0x1c: {  	[sflag:s3] =	ssyncset.done $0x0  }
0x1d: {  	[sflag:s3] =	ssyncadd.s32 $0xFFFFE000  }
0x1e: {  	[tilespmem:s15], [sflag:$0x1] =	stream.strided.gather [hbm4b:s5+s13], $0x2000, s14, s13, $0x38;
	[tilespmem:$0x8200] =	vst v63  }
0x1f: {  	_ =	swait.ge [sflag:s3], $0x2000  }
0x20: {  	[sflag:s3] =	ssyncset.done $0x0  }
0x21: {  	[sflag:s3] =	ssyncadd.s32 $0xFFFFE000  }
0x22: {  	[tilespmem:s16], [sflag:$0x1] =	stream.strided.gather [hbm4b:s6+s13], $0x2000, s14, s13, $0x38;
	[tilespmem:$0x8200] =	vst v63  }
0x23: {  	_ =	swait.ge [sflag:s3], $0x2000  }
0x24: {  	[sflag:s3] =	ssyncset.done $0x0  }
0x25: {  	[sflag:s3] =	ssyncadd.s32 $0xFFFFE000  }
0x26: {  	[tilespmem:s17], [sflag:$0x1] =	stream.strided.gather [hbm4b:s7+s13], $0x2000, s14, s13, $0x38;
	[tilespmem:$0x8200] =	vst v63  }
0x27: {  	_ =	swait.ge [sflag:s3], $0x2000  }
0x28: {  	[sflag:s3] =	ssyncset.done $0x0  }
0x29: {  	[sflag:s3] =	ssyncadd.s32 $0xFFFFE000  }
0x2a: {  	[tilespmem:s18], [sflag:$0x1] =	stream.linear.gather [hbm4b:s8+s2], $0x40, $0x38;
	[tilespmem:$0x8200] =	vst v63  }
0x2b: {  	_ =	swait.ge [sflag:s3], $0x40  }
0x2c: {  	[sflag:s3] =	ssyncset.done $0x0  }
0x2d: {  	[sflag:s3] =	ssyncadd.s32 $0xFFFFFFC0  }
0x2e: {  	[tilespmem:s19], [sflag:$0x1] =	stream.linear.gather [hbm4b:s9+s2], $0x40, $0x38;
	[tilespmem:$0x8200] =	vst v63  }
0x2f: {  	_ =	swait.ge [sflag:s3], $0x40  }
0x30: {  	[sflag:s3] =	ssyncset.done $0x0  }
0x31: {  	[sflag:s3] =	ssyncadd.s32 $0xFFFFFFC0  }
0x32: {  	[tilespmem:s20], [sflag:$0x1] =	stream.linear.gather [hbm4b:s10+s2], $0x40, $0x38;
	[tilespmem:$0x8200] =	vst v63  }
0x33: {  	_ =	swait.ge [sflag:s3], $0x40  }
0x34: {  	[sflag:s3] =	ssyncset.done $0x0  }
0x35: {  	s23 =	simm.s32 $0x0;
	[sflag:s3] =	ssyncadd.s32 $0xFFFFFFC0  }
0x36: {  	v16 =	vld.idx.msk [tilespmem:v2+s23+$0x0 ss:$0x1], $0xffff;
	_ =	sdelay $0x4  }
0x37: {  	v16 =	vmul.f32 $5.000000000e-01, v16;
	_ =	sdelay $0x1  }
0x38: {  	v16 =	vadd.f32 $-1.570796370e+00, v16;
	_ =	sdelay $0x1  }
0x39: {  	v17 =	vld.idx.msk [tilespmem:v1+s23+$0x0 ss:$0x1], $0xffff;
	v18 =	vmul.f32 v16, v16;
	_ =	sdelay $0x1  }
0x3a: {  	v19 =	vmul.f32 $1.836274900e-04, v18  }
0x3b: {  	v20 =	vmul.f32 $2.315317400e-05, v18  }
0x3c: {  	v19 =	vsub.f32 $8.306286300e-03, v19  }
0x3d: {  	v21 =	vadd.f32 $-1.570796370e+00, v17;
	v17 =	vadd.f32 $-1.385366660e-03, v20  }
0x3e: {  	v19 =	vmul.f32 v19, v18  }
0x3f: {  	s24 =	simm.s32 $0x80;
	v20 =	vmul.f32 v21, v21;
	v17 =	vmul.f32 v17, v18  }
0x40: {  	v24 =	vld.idx.msk [tilespmem:v2+s24+$0x0 ss:$0x1], $0xffff;
	v19 =	vadd.f32 $-1.666482390e-01, v19  }
0x41: {  	v22 =	vmul.f32 $2.315317400e-05, v20;
	v17 =	vadd.f32 $4.166357960e-02, v17  }
0x42: {  	v27 =	vld.idx.msk [tilespmem:v0+s23+$0x0 ss:$0x1], $0xffff;
	v23 =	vmul.f32 $1.836274900e-04, v20;
	v19 =	vmul.f32 v19, v18  }
0x43: {  	v22 =	vadd.f32 $-1.385366660e-03, v22;
	v17 =	vmul.f32 v17, v18  }
0x44: {  	v23 =	vsub.f32 $8.306286300e-03, v23;
	v19 =	vadd.f32 $9.999966020e-01, v19  }
0x45: {  	v24 =	vmul.f32 $5.000000000e-01, v24;
	v22 =	vmul.f32 v22, v20;
	v17 =	vadd.f32 $-4.999990460e-01, v17  }
0x46: {  	v23 =	vmul.f32 v23, v20;
	v19 =	vmul.f32 v19, v16  }
0x47: {  	v22 =	vadd.f32 $4.166357960e-02, v22;
	v16 =	vmax.f32 v27, $9.999999970e-07;
	v25 =	vmul.f32 v17, v18  }
0x48: {  	v17 =	vld [tilespmem:$0x8000];
	v28 =	vmul.f32 $-2.000000000e+00, v16;
	v26 =	vmul.f32 v19, v19  }
0x49: {  	v29 =	vadd.f32 $-1.666482390e-01, v23;
	v18 =	vld [tilespmem:$0x8080];
	v22 =	vmul.f32 v22, v20;
	v25 =	vadd.f32 $9.999999400e-01, v25  }
0x4a: {  	v30 =	vadd.f32 v19, v19;
	v28 =	vmul.f32 $1.442695020e+00, v28;
	v26 =	vadd.f32 v26, v26  }
0x4b: {  	v23 =	vadd.f32 $-1.570796370e+00, v24;
	v29 =	vmul.f32 v29, v20;
	v22 =	vadd.f32 $-4.999990460e-01, v22  }
0x4c: {  	v19 =	vld [tilespmem:$0x8100];
	v25 =	vmul.f32 v25, v30;
	(erf) = vpow2.f32 v28;
	v26 =	vadd.f32 $-1.000000000e+00, v26  }
0x4d: {  	v24 =	vmul.f32 v23, v23;
	v20 =	vmul.f32 v22, v20;
	v28 =	vld.idx.msk [tilespmem:v1+s24+$0x0 ss:$0x1], $0xffff  }
0x4e: {  	v22 =	vadd.f32 $9.999966020e-01, v29;
	v25 =	vmul.f32 v25, v18;
	v26 =	vmul.f32 v26, v17  }
0x4f: {  	v29 =	vmul.f32 $1.836274900e-04, v24  }
0x50: {  	v21 =	vmul.f32 v22, v21;
	v20 =	vadd.f32 $9.999999400e-01, v20;
	v25 =	vsub.f32 v26, v25  }
0x51: {  	v26 =	vsub.f32 $8.306286300e-03, v29;
	v29 =	vmul.f32 $2.315317400e-05, v24  }
0x52: {  	v21 =	vmul.f32 v21, v19;
	v22 =	vadd.f32 $-1.570796370e+00, v28;
	v20 =	vmul.f32 v25, v20  }
0x53: {  	v26 =	vmul.f32 v26, v24;
	v28 =	vadd.f32 $-1.385366660e-03, v29  }
0x54: {  	v25 =	vmul.f32 v22, v22;
	v21 =	vsub.f32 v20, v21  }
0x55: {  	v20 =	vimm.f32 $0.0e+00;
	v26 =	vadd.f32 $-1.666482390e-01, v26;
	v28 =	vmul.f32 v28, v24;
	v29 =	vpop (erf)  }
0x56: {  	v31 =	vmul.f32 $2.315317400e-05, v25;
	v30 =	vsub.f32 $1.000000000e+00, v29;
	v21 =	vadd.f32 $-1.000000000e+00, v21  }
0x57: {  	s25 =	simm.s32 $0x100;
	v32 =	vmul.f32 $1.836274900e-04, v25;
	v29 =	vmul.f32 v26, v24;
	v33 =	vadd.f32 $4.166357960e-02, v28;
	v26 =	vld.idx.msk [tilespmem:v0+s24+$0x0 ss:$0x1], $0xffff  }
0x58: {  	v31 =	vadd.f32 $-1.385366660e-03, v31;
	v28 =	vmul.f32 $6.283185480e+00, v30;
	v30 =	vmul.f32 v21, v27;
	v27 =	vld.idx.msk [tilespmem:v2+s25+$0x0 ss:$0x1], $0xffff  }
0x59: {  	s26 =	simm.s32 $0x600;
	v32 =	vsub.f32 $8.306286300e-03, v32;
	v33 =	vmul.f32 v33, v24;
	v21 =	vimm.f32 $0.0e+00  }
.LBB2_2:
0x5a: {  	p0 =	sne.s32 s26, $0x7E00;
	v29 =	vadd.f32 $9.999966020e-01, v29;
	v34 =	vmul.f32 $1.442695020e+00, v30;
	(erf) = vrcp.f32 v28  }
0x5b: {  	v28 =	vmul.f32 v31, v25;
	v31 =	vmul.f32 v32, v25;
	v32 =	vadd.f32 $-4.999990460e-01, v33  }
0x5c: {  	v30 =	vmovc v26;
	v23 =	vmul.f32 v29, v23;
	v29 =	vmax.f32 v26, $9.999999970e-07;
	(erf) = vpow2.f32 v34  }
0x5d: {  	v26 =	vmul.f32 $5.000000000e-01, v27;
	v27 =	vadd.f32 $4.166357960e-02, v28;
	v24 =	vmul.f32 v32, v24  }
0x5e: {  	v28 =	vadd.f32 $-1.666482390e-01, v31;
	v32 =	vmul.f32 $-2.000000000e+00, v29;
	v31 =	vmul.f32 v23, v23;
	v33 =	vld.idx.msk [tilespmem:v5+s23+$0x0 ss:$0x1], $0xffff;
	s23 =	smov.u32 s24;
	s24 =	smov.u32 s25  }
0x5f: {  	v34 =	vadd.f32 v23, v23;
	v27 =	vmul.f32 v27, v25;
	v24 =	vadd.f32 $9.999999400e-01, v24  }
0x60: {  	v23 =	vadd.f32 $-1.570796370e+00, v26;
	v35 =	vmul.f32 $1.442695020e+00, v32;
	v26 =	vadd.f32 v31, v31  }
0x61: {  	v28 =	vmul.f32 v28, v25;
	v27 =	vadd.f32 $-4.999990460e-01, v27;
	v32 =	vmul.f32 v24, v34  }
0x62: {  	v24 =	vmul.f32 v23, v23;
	v34 =	vld.idx.msk [tilespmem:v1+s24+$0x0 ss:$0x1], $0xffff;
	v26 =	vadd.f32 $-1.000000000e+00, v26;
	(erf) = vpow2.f32 v35  }
0x63: {  	v25 =	vmul.f32 v27, v25;
	v27 =	vadd.f32 $9.999966020e-01, v28;
	v28 =	vmul.f32 v32, v18;
	v31 =	vpop (erf)  }
0x64: {  	v33 =	vmax.f32 v33, $0.0e+00;
	v26 =	vmul.f32 v26, v17;
	v31 =	vmul.f32 v31, v16;
	v16 =	vmovc v29  }
0x65: {  	v29 =	vmul.f32 $1.836274900e-04, v24;
	v22 =	vmul.f32 v27, v22;
	v27 =	vadd.f32 $9.999999970e-07, v33;
	v32 =	vpop (erf)  }
0x66: {  	v25 =	vadd.f32 $9.999999400e-01, v25;
	v26 =	vsub.f32 v26, v28;
	v28 =	vmul.f32 v32, v31  }
0x67: {  	v29 =	vsub.f32 $8.306286300e-03, v29;
	v31 =	vmul.f32 $2.315317400e-05, v24;
	v32 =	vmul.f32 v22, v19  }
0x68: {  	v22 =	vadd.f32 $-1.570796370e+00, v34;
	v26 =	vmul.f32 v26, v25;
	v28 =	vmul.f32 v28, v27  }
0x69: {  	v20 =	vadd.f32 v27, v20;
	v33 =	vmul.f32 v29, v24;
	v31 =	vadd.f32 $-1.385366660e-03, v31  }
0x6a: {  	v25 =	vmul.f32 v22, v22;
	v27 =	vsub.f32 v26, v32;
	v21 =	vadd.f32 v28, v21  }
.Ltmp0:
0x6b: {  	v28 =	vadd.f32 $-1.666482390e-01, v33;
	v31 =	vmul.f32 v31, v24;
	v29 =	vpop (erf);
	(pc) =	sbr.rel @p0 .LBB2_2-.Ltmp0, $4  }
0x6c: {  	s25 =	sshra.s32 s26, $0x2;
	v32 =	vmul.f32 $1.836274900e-04, v25;
	v26 =	vld.idx.msk [tilespmem:v0+s24+$0x0 ss:$0x1], $0xffff;
	v33 =	vsub.f32 $1.000000000e+00, v29;
	v34 =	vadd.f32 $-1.000000000e+00, v27  }
0x6d: {  	v35 =	vmul.f32 $2.315317400e-05, v25;
	v29 =	vmul.f32 v28, v24;
	v36 =	vadd.f32 $4.166357960e-02, v31;
	v27 =	vld.idx.msk [tilespmem:v2+s25+$0x0 ss:$0x1], $0xffff  }
0x6e: {  	v28 =	vmul.f32 $6.283185480e+00, v33;
	v30 =	vmul.f32 v34, v30  }
0x6f: {  	s26 =	sadd.s32 $0x200, s26;
	v31 =	vadd.f32 $-1.385366660e-03, v35;
	v32 =	vsub.f32 $8.306286300e-03, v32;
	v33 =	vmul.f32 v36, v24  }
0x70: {  	v29 =	vadd.f32 $9.999966020e-01, v29;
	v30 =	vmul.f32 $1.442695020e+00, v30;
	(erf) = vrcp.f32 v28  }
0x71: {  	v31 =	vmul.f32 v31, v25;
	v33 =	vadd.f32 $-4.999990460e-01, v33;
	v32 =	vmul.f32 v32, v25  }
0x72: {  	v23 =	vmul.f32 v29, v23;
	v29 =	vmax.f32 v26, $9.999999970e-07;
	(erf) = vpow2.f32 v30  }
0x73: {  	v27 =	vmul.f32 $5.000000000e-01, v27;
	v28 =	vadd.f32 $4.166357960e-02, v31;
	v24 =	vmul.f32 v33, v24  }
0x74: {  	v54 =	vmul.f32 $-2.000000000e+00, v29;
	v53 =	vmul.f32 v23, v23  }
0x75: {  	v31 =	vadd.f32 $-1.666482390e-01, v32;
	v23 =	vadd.f32 v23, v23;
	v28 =	vmul.f32 v28, v25  }
0x76: {  	v24 =	vadd.f32 $9.999999400e-01, v24;
	v55 =	vmul.f32 $1.442695020e+00, v54;
	v30 =	vadd.f32 v53, v53  }
0x77: {  	v27 =	vadd.f32 $-1.570796370e+00, v27;
	v31 =	vmul.f32 v31, v25;
	v28 =	vadd.f32 $-4.999990460e-01, v28  }
0x78: {  	v23 =	vmul.f32 v24, v23;
	(erf) = vpow2.f32 v55;
	v24 =	vadd.f32 $-1.000000000e+00, v30  }
0x79: {  	v30 =	vadd.f32 $9.999966020e-01, v31;
	v31 =	vmul.f32 v27, v27;
	v25 =	vmul.f32 v28, v25  }
0x7a: {  	v28 =	vld.idx.msk [tilespmem:v1+s25+$0x0 ss:$0x1], $0xffff;
	v23 =	vmul.f32 v23, v18;
	v24 =	vmul.f32 v24, v17  }
0x7b: {  	v22 =	vmul.f32 v30, v22  }
0x7c: {  	v30 =	vmul.f32 $2.315317400e-05, v31;
	v25 =	vadd.f32 $9.999999400e-01, v25;
	v23 =	vsub.f32 v24, v23  }
0x7d: {  	v24 =	vmul.f32 $1.836274900e-04, v31  }
0x7e: {  	v30 =	vadd.f32 $-1.385366660e-03, v30;
	v23 =	vmul.f32 v23, v25  }
0x7f: {  	v22 =	vmul.f32 v22, v19;
	v24 =	vsub.f32 $8.306286300e-03, v24;
	v25 =	vadd.f32 $-1.570796370e+00, v28  }
0x80: {  	v30 =	vmul.f32 v30, v31  }
0x81: {  	v28 =	vpop (erf);
	v22 =	vsub.f32 v23, v22;
	v24 =	vmul.f32 v24, v31;
	v56 =	vmul.f32 v25, v25  }
0x82: {  	v30 =	vadd.f32 $4.166357960e-02, v30;
	v23 =	vpop (erf)  }
0x83: {  	v22 =	vadd.f32 $-1.000000000e+00, v22;
	v24 =	vadd.f32 $-1.666482390e-01, v24;
	v34 =	vmul.f32 $2.315317400e-05, v56;
	v57 =	vpop (erf)  }
0x84: {  	v35 =	vmul.f32 $1.836274900e-04, v56;
	v30 =	vmul.f32 v30, v31;
	v33 =	vsub.f32 $1.000000000e+00, v57  }
0x85: {  	v22 =	vmul.f32 v22, v26;
	v26 =	vld.idx.msk [tilespmem:v0+s25+$0x0 ss:$0x1], $0xffff;
	v24 =	vmul.f32 v24, v31;
	v34 =	vadd.f32 $-1.385366660e-03, v34  }
0x86: {  	v35 =	vsub.f32 $8.306286300e-03, v35;
	v30 =	vadd.f32 $-4.999990460e-01, v30  }
0x87: {  	v33 =	vmul.f32 $6.283185480e+00, v33;
	v24 =	vadd.f32 $9.999966020e-01, v24;
	v22 =	vmul.f32 $1.442695020e+00, v22  }
0x88: {  	v58 =	vmul.f32 v34, v56;
	v59 =	vmul.f32 v35, v56  }
0x89: {  	v30 =	vmul.f32 v30, v31;
	v24 =	vmul.f32 v24, v27  }
0x8a: {  	(erf) = vrcp.f32 v33;
	v33 =	vadd.f32 $4.166357960e-02, v58;
	v27 =	vmax.f32 v26, $9.999999970e-07  }
0x8b: {  	v31 =	vmul.f32 v24, v24;
	v60 =	vmul.f32 $-2.000000000e+00, v27  }
0x8c: {  	v34 =	vadd.f32 $-1.666482390e-01, v59;
	v30 =	vadd.f32 $9.999999400e-01, v30;
	v33 =	vmul.f32 v33, v56  }
0x8d: {  	v24 =	vadd.f32 v24, v24;
	v31 =	vadd.f32 v31, v31;
	v35 =	vmul.f32 $1.442695020e+00, v60  }
0x8e: {  	(erf) = vpow2.f32 v22;
	v61 =	vmul.f32 v34, v56;
	v22 =	vadd.f32 $-4.999990460e-01, v33  }
0x8f: {  	v24 =	vmul.f32 v30, v24;
	v30 =	vadd.f32 $-1.000000000e+00, v31;
	(erf) = vpow2.f32 v35  }
0x90: {  	v22 =	vmul.f32 v22, v56  }
0x91: {  	v31 =	vadd.f32 $9.999966020e-01, v61;
	v18 =	vmul.f32 v24, v18;
	v17 =	vmul.f32 v30, v17  }
0x92: {  	v22 =	vadd.f32 $9.999999400e-01, v22  }
0x93: {  	v24 =	vmul.f32 v31, v25;
	v17 =	vsub.f32 v17, v18;
	_ =	sdelay $0x1  }
0x94: {  	v18 =	vmul.f32 v24, v19;
	v17 =	vmul.f32 v17, v22  }
0x95: {  	v22 =	vpop (erf)  }
0x96: {  	v19 =	vld.idx.msk [tilespmem:v5+s23+$0x0 ss:$0x1], $0xffff;
	v24 =	vpop (erf);
	v17 =	vsub.f32 v17, v18  }
0x97: {  	v25 =	vpop (erf)  }
0x98: {  	v18 =	vld.idx.msk [tilespmem:v5+s24+$0x0 ss:$0x1], $0xffff;
	v25 =	vsub.f32 $1.000000000e+00, v25;
	v17 =	vadd.f32 $-1.000000000e+00, v17;
	_ =	sdelay $0x1  }
0x99: {  	v30 =	vld.idx.msk [tilespmem:v5+s25+$0x0 ss:$0x1], $0xffff;
	v25 =	vmul.f32 $6.283185480e+00, v25;
	v17 =	vmul.f32 v17, v26  }
0x9a: {  	v19 =	vmax.f32 v19, $0.0e+00  }
0x9b: {  	v19 =	vadd.f32 $9.999999970e-07, v19;
	v17 =	vmul.f32 $1.442695020e+00, v17;
	(erf) = vrcp.f32 v25  }
0x9c: {  	v18 =	vmax.f32 v18, $0.0e+00  }
0x9d: {  	v20 =	vadd.f32 v19, v20;
	v18 =	vadd.f32 $9.999999970e-07, v18;
	(erf) = vpow2.f32 v17  }
0x9e: {  	v17 =	vmax.f32 v30, $0.0e+00  }
0x9f: {  	v20 =	vadd.f32 v18, v20;
	v17 =	vadd.f32 $9.999999970e-07, v17  }
0xa0: {  	v16 =	vmul.f32 v28, v16  }
0xa1: {  	v20 =	vadd.f32 v17, v20  }
0xa2: {  	v16 =	vmul.f32 v23, v16;
	v22 =	vmul.f32 v22, v29  }
0xa3: {  	v20 =	vmax.f32 v20, $9.999999740e-06  }
0xa4: {  	v16 =	vmul.f32 v16, v19;
	(erf) = vrcp.f32 v20;
	v19 =	vpop (erf)  }
0xa5: {  	v19 =	vmul.f32 v19, v27  }
0xa6: {  	v20 =	vmul.f32 v24, v22;
	v22 =	vpop (erf)  }
0xa7: {  	v19 =	vmul.f32 v22, v19  }
0xa8: {  	v16 =	vadd.f32 v16, v21;
	v18 =	vmul.f32 v20, v18  }
0xa9: {  	v17 =	vmul.f32 v19, v17  }
0xaa: {  	v16 =	vadd.f32 v18, v16;
	_ =	sdelay $0x1  }
0xab: {  	v16 =	vadd.f32 v17, v16  }
0xac: {  	v17 =	vpop (erf)  }
0xad: {  	v16 =	vmul.f32 v17, v16;
	_ =	sdelay $0x1  }
0xae: {  	s23 =	simm.s32 $0x0;
	[tilespmem:$0x8180] =	vst v16  }
0xaf: {  	v16 =	vld.idx.msk [tilespmem:v7+s23+$0x0 ss:$0x1], $0xffff;
	_ =	sdelay $0x4  }
0xb0: {  	v16 =	vmul.f32 $5.000000000e-01, v16;
	_ =	sdelay $0x1  }
0xb1: {  	v16 =	vadd.f32 $-1.570796370e+00, v16;
	_ =	sdelay $0x1  }
0xb2: {  	v17 =	vld.idx.msk [tilespmem:v6+s23+$0x0 ss:$0x1], $0xffff;
	v18 =	vmul.f32 v16, v16;
	_ =	sdelay $0x1  }
0xb3: {  	v19 =	vmul.f32 $1.836274900e-04, v18  }
0xb4: {  	v20 =	vmul.f32 $2.315317400e-05, v18  }
0xb5: {  	v19 =	vsub.f32 $8.306286300e-03, v19  }
0xb6: {  	v21 =	vadd.f32 $-1.570796370e+00, v17;
	v17 =	vadd.f32 $-1.385366660e-03, v20  }
0xb7: {  	v19 =	vmul.f32 v19, v18  }
0xb8: {  	s24 =	simm.s32 $0x80;
	v20 =	vmul.f32 v21, v21;
	v17 =	vmul.f32 v17, v18  }
0xb9: {  	v24 =	vld.idx.msk [tilespmem:v7+s24+$0x0 ss:$0x1], $0xffff;
	v19 =	vadd.f32 $-1.666482390e-01, v19  }
0xba: {  	v22 =	vmul.f32 $2.315317400e-05, v20;
	v17 =	vadd.f32 $4.166357960e-02, v17  }
0xbb: {  	v27 =	vld.idx.msk [tilespmem:v4+s23+$0x0 ss:$0x1], $0xffff;
	v23 =	vmul.f32 $1.836274900e-04, v20;
	v19 =	vmul.f32 v19, v18  }
0xbc: {  	v22 =	vadd.f32 $-1.385366660e-03, v22;
	v17 =	vmul.f32 v17, v18  }
0xbd: {  	v23 =	vsub.f32 $8.306286300e-03, v23;
	v19 =	vadd.f32 $9.999966020e-01, v19  }
0xbe: {  	v24 =	vmul.f32 $5.000000000e-01, v24;
	v22 =	vmul.f32 v22, v20;
	v17 =	vadd.f32 $-4.999990460e-01, v17  }
0xbf: {  	v23 =	vmul.f32 v23, v20;
	v19 =	vmul.f32 v19, v16  }
0xc0: {  	v22 =	vadd.f32 $4.166357960e-02, v22;
	v16 =	vmax.f32 v27, $9.999999970e-07;
	v25 =	vmul.f32 v17, v18  }
0xc1: {  	v17 =	vld [tilespmem:$0x8010];
	v28 =	vmul.f32 $-2.000000000e+00, v16;
	v26 =	vmul.f32 v19, v19  }
0xc2: {  	v29 =	vadd.f32 $-1.666482390e-01, v23;
	v18 =	vld [tilespmem:$0x8090];
	v22 =	vmul.f32 v22, v20;
	v25 =	vadd.f32 $9.999999400e-01, v25  }
0xc3: {  	v30 =	vadd.f32 v19, v19;
	v28 =	vmul.f32 $1.442695020e+00, v28;
	v26 =	vadd.f32 v26, v26  }
0xc4: {  	v23 =	vadd.f32 $-1.570796370e+00, v24;
	v29 =	vmul.f32 v29, v20;
	v22 =	vadd.f32 $-4.999990460e-01, v22  }
0xc5: {  	v19 =	vld [tilespmem:$0x8110];
	v25 =	vmul.f32 v25, v30;
	(erf) = vpow2.f32 v28;
	v26 =	vadd.f32 $-1.000000000e+00, v26  }
0xc6: {  	v24 =	vmul.f32 v23, v23;
	v20 =	vmul.f32 v22, v20;
	v28 =	vld.idx.msk [tilespmem:v6+s24+$0x0 ss:$0x1], $0xffff  }
0xc7: {  	v22 =	vadd.f32 $9.999966020e-01, v29;
	v25 =	vmul.f32 v25, v18;
	v26 =	vmul.f32 v26, v17  }
0xc8: {  	v29 =	vmul.f32 $1.836274900e-04, v24  }
0xc9: {  	v21 =	vmul.f32 v22, v21;
	v20 =	vadd.f32 $9.999999400e-01, v20;
	v25 =	vsub.f32 v26, v25  }
0xca: {  	v26 =	vsub.f32 $8.306286300e-03, v29;
	v29 =	vmul.f32 $2.315317400e-05, v24  }
0xcb: {  	v21 =	vmul.f32 v21, v19;
	v22 =	vadd.f32 $-1.570796370e+00, v28;
	v20 =	vmul.f32 v25, v20  }
0xcc: {  	v26 =	vmul.f32 v26, v24;
	v28 =	vadd.f32 $-1.385366660e-03, v29  }
0xcd: {  	v25 =	vmul.f32 v22, v22;
	v21 =	vsub.f32 v20, v21  }
0xce: {  	v20 =	vimm.f32 $0.0e+00;
	v26 =	vadd.f32 $-1.666482390e-01, v26;
	v28 =	vmul.f32 v28, v24;
	v29 =	vpop (erf)  }
0xcf: {  	v31 =	vmul.f32 $2.315317400e-05, v25;
	v30 =	vsub.f32 $1.000000000e+00, v29;
	v21 =	vadd.f32 $-1.000000000e+00, v21  }
0xd0: {  	s25 =	simm.s32 $0x100;
	v62 =	vmul.f32 $1.836274900e-04, v25;
	v29 =	vmul.f32 v26, v24;
	v63 =	vadd.f32 $4.166357960e-02, v28;
	v26 =	vld.idx.msk [tilespmem:v4+s24+$0x0 ss:$0x1], $0xffff  }
0xd1: {  	v31 =	vadd.f32 $-1.385366660e-03, v31;
	v28 =	vmul.f32 $6.283185480e+00, v30;
	v30 =	vmul.f32 v21, v27;
	v27 =	vld.idx.msk [tilespmem:v7+s25+$0x0 ss:$0x1], $0xffff  }
0xd2: {  	s26 =	simm.s32 $0x600;
	v32 =	vsub.f32 $8.306286300e-03, v62;
	v33 =	vmul.f32 v63, v24;
	v21 =	vimm.f32 $0.0e+00  }
.LBB2_4:
0xd3: {  	p0 =	sne.s32 s26, $0x7E00;
	v29 =	vadd.f32 $9.999966020e-01, v29;
	v34 =	vmul.f32 $1.442695020e+00, v30;
	(erf) = vrcp.f32 v28  }
0xd4: {  	v28 =	vmul.f32 v31, v25;
	v31 =	vmul.f32 v32, v25;
	v32 =	vadd.f32 $-4.999990460e-01, v33  }
0xd5: {  	v30 =	vmovc v26;
	v23 =	vmul.f32 v29, v23;
	v29 =	vmax.f32 v26, $9.999999970e-07;
	(erf) = vpow2.f32 v34  }
0xd6: {  	v26 =	vmul.f32 $5.000000000e-01, v27;
	v27 =	vadd.f32 $4.166357960e-02, v28;
	v24 =	vmul.f32 v32, v24  }
0xd7: {  	v28 =	vadd.f32 $-1.666482390e-01, v31;
	v32 =	vmul.f32 $-2.000000000e+00, v29;
	v31 =	vmul.f32 v23, v23;
	v33 =	vld.idx.msk [tilespmem:v3+s23+$0x0 ss:$0x1], $0xffff;
	s23 =	smov.u32 s24;
	s24 =	smov.u32 s25  }
0xd8: {  	v34 =	vadd.f32 v23, v23;
	v27 =	vmul.f32 v27, v25;
	v24 =	vadd.f32 $9.999999400e-01, v24  }
0xd9: {  	v23 =	vadd.f32 $-1.570796370e+00, v26;
	v35 =	vmul.f32 $1.442695020e+00, v32;
	v26 =	vadd.f32 v31, v31  }
0xda: {  	v28 =	vmul.f32 v28, v25;
	v27 =	vadd.f32 $-4.999990460e-01, v27;
	v32 =	vmul.f32 v24, v34  }
0xdb: {  	v24 =	vmul.f32 v23, v23;
	v34 =	vld.idx.msk [tilespmem:v6+s24+$0x0 ss:$0x1], $0xffff;
	v26 =	vadd.f32 $-1.000000000e+00, v26;
	(erf) = vpow2.f32 v35  }
0xdc: {  	v25 =	vmul.f32 v27, v25;
	v27 =	vadd.f32 $9.999966020e-01, v28;
	v28 =	vmul.f32 v32, v18;
	v31 =	vpop (erf)  }
0xdd: {  	v33 =	vmax.f32 v33, $0.0e+00;
	v26 =	vmul.f32 v26, v17;
	v31 =	vmul.f32 v31, v16;
	v16 =	vmovc v29  }
0xde: {  	v29 =	vmul.f32 $1.836274900e-04, v24;
	v22 =	vmul.f32 v27, v22;
	v27 =	vadd.f32 $9.999999970e-07, v33;
	v32 =	vpop (erf)  }
0xdf: {  	v25 =	vadd.f32 $9.999999400e-01, v25;
	v26 =	vsub.f32 v26, v28;
	v28 =	vmul.f32 v32, v31  }
0xe0: {  	v29 =	vsub.f32 $8.306286300e-03, v29;
	v31 =	vmul.f32 $2.315317400e-05, v24;
	v32 =	vmul.f32 v22, v19  }
0xe1: {  	v22 =	vadd.f32 $-1.570796370e+00, v34;
	v26 =	vmul.f32 v26, v25;
	v28 =	vmul.f32 v28, v27  }
0xe2: {  	v20 =	vadd.f32 v27, v20;
	v33 =	vmul.f32 v29, v24;
	v31 =	vadd.f32 $-1.385366660e-03, v31  }
0xe3: {  	v25 =	vmul.f32 v22, v22;
	v27 =	vsub.f32 v26, v32;
	v21 =	vadd.f32 v28, v21  }
.Ltmp1:
0xe4: {  	v28 =	vadd.f32 $-1.666482390e-01, v33;
	v31 =	vmul.f32 v31, v24;
	v29 =	vpop (erf);
	(pc) =	sbr.rel @p0 .LBB2_4-.Ltmp1, $4  }
0xe5: {  	s25 =	sshra.s32 s26, $0x2;
	v32 =	vmul.f32 $1.836274900e-04, v25;
	v26 =	vld.idx.msk [tilespmem:v4+s24+$0x0 ss:$0x1], $0xffff;
	v33 =	vsub.f32 $1.000000000e+00, v29;
	v34 =	vadd.f32 $-1.000000000e+00, v27  }
0xe6: {  	v35 =	vmul.f32 $2.315317400e-05, v25;
	v29 =	vmul.f32 v28, v24;
	v36 =	vadd.f32 $4.166357960e-02, v31;
	v27 =	vld.idx.msk [tilespmem:v7+s25+$0x0 ss:$0x1], $0xffff  }
0xe7: {  	v28 =	vmul.f32 $6.283185480e+00, v33;
	v30 =	vmul.f32 v34, v30  }
0xe8: {  	s26 =	sadd.s32 $0x200, s26;
	v31 =	vadd.f32 $-1.385366660e-03, v35;
	v32 =	vsub.f32 $8.306286300e-03, v32;
	v33 =	vmul.f32 v36, v24  }
0xe9: {  	v29 =	vadd.f32 $9.999966020e-01, v29;
	v30 =	vmul.f32 $1.442695020e+00, v30;
	(erf) = vrcp.f32 v28  }
0xea: {  	v31 =	vmul.f32 v31, v25;
	v33 =	vadd.f32 $-4.999990460e-01, v33;
	v32 =	vmul.f32 v32, v25  }
0xeb: {  	v23 =	vmul.f32 v29, v23;
	v29 =	vmax.f32 v26, $9.999999970e-07;
	(erf) = vpow2.f32 v30  }
0xec: {  	v27 =	vmul.f32 $5.000000000e-01, v27;
	v28 =	vadd.f32 $4.166357960e-02, v31;
	v24 =	vmul.f32 v33, v24  }
0xed: {  	v54 =	vmul.f32 $-2.000000000e+00, v29;
	v53 =	vmul.f32 v23, v23  }
0xee: {  	v31 =	vadd.f32 $-1.666482390e-01, v32;
	v23 =	vadd.f32 v23, v23;
	v28 =	vmul.f32 v28, v25  }
0xef: {  	v24 =	vadd.f32 $9.999999400e-01, v24;
	v55 =	vmul.f32 $1.442695020e+00, v54;
	v30 =	vadd.f32 v53, v53  }
0xf0: {  	v27 =	vadd.f32 $-1.570796370e+00, v27;
	v31 =	vmul.f32 v31, v25;
	v28 =	vadd.f32 $-4.999990460e-01, v28  }
0xf1: {  	v23 =	vmul.f32 v24, v23;
	(erf) = vpow2.f32 v55;
	v24 =	vadd.f32 $-1.000000000e+00, v30  }
0xf2: {  	v30 =	vadd.f32 $9.999966020e-01, v31;
	v31 =	vmul.f32 v27, v27;
	v25 =	vmul.f32 v28, v25  }
0xf3: {  	v28 =	vld.idx.msk [tilespmem:v6+s25+$0x0 ss:$0x1], $0xffff;
	v23 =	vmul.f32 v23, v18;
	v24 =	vmul.f32 v24, v17  }
0xf4: {  	v22 =	vmul.f32 v30, v22  }
0xf5: {  	v30 =	vmul.f32 $2.315317400e-05, v31;
	v25 =	vadd.f32 $9.999999400e-01, v25;
	v23 =	vsub.f32 v24, v23  }
0xf6: {  	v24 =	vmul.f32 $1.836274900e-04, v31  }
0xf7: {  	v30 =	vadd.f32 $-1.385366660e-03, v30;
	v23 =	vmul.f32 v23, v25  }
0xf8: {  	v22 =	vmul.f32 v22, v19;
	v24 =	vsub.f32 $8.306286300e-03, v24;
	v25 =	vadd.f32 $-1.570796370e+00, v28  }
0xf9: {  	v30 =	vmul.f32 v30, v31  }
0xfa: {  	v28 =	vpop (erf);
	v22 =	vsub.f32 v23, v22;
	v24 =	vmul.f32 v24, v31;
	v56 =	vmul.f32 v25, v25  }
0xfb: {  	v30 =	vadd.f32 $4.166357960e-02, v30;
	v23 =	vpop (erf)  }
0xfc: {  	v22 =	vadd.f32 $-1.000000000e+00, v22;
	v24 =	vadd.f32 $-1.666482390e-01, v24;
	v34 =	vmul.f32 $2.315317400e-05, v56;
	v57 =	vpop (erf)  }
0xfd: {  	v35 =	vmul.f32 $1.836274900e-04, v56;
	v30 =	vmul.f32 v30, v31;
	v33 =	vsub.f32 $1.000000000e+00, v57  }
0xfe: {  	v22 =	vmul.f32 v22, v26;
	v26 =	vld.idx.msk [tilespmem:v4+s25+$0x0 ss:$0x1], $0xffff;
	v24 =	vmul.f32 v24, v31;
	v34 =	vadd.f32 $-1.385366660e-03, v34  }
0xff: {  	v35 =	vsub.f32 $8.306286300e-03, v35;
	v30 =	vadd.f32 $-4.999990460e-01, v30  }
0x100: {  	v33 =	vmul.f32 $6.283185480e+00, v33;
	v24 =	vadd.f32 $9.999966020e-01, v24;
	v22 =	vmul.f32 $1.442695020e+00, v22  }
0x101: {  	v58 =	vmul.f32 v34, v56;
	v59 =	vmul.f32 v35, v56  }
0x102: {  	v30 =	vmul.f32 v30, v31;
	v24 =	vmul.f32 v24, v27  }
0x103: {  	(erf) = vrcp.f32 v33;
	v33 =	vadd.f32 $4.166357960e-02, v58;
	v27 =	vmax.f32 v26, $9.999999970e-07  }
0x104: {  	v31 =	vmul.f32 v24, v24;
	v60 =	vmul.f32 $-2.000000000e+00, v27  }
0x105: {  	v34 =	vadd.f32 $-1.666482390e-01, v59;
	v30 =	vadd.f32 $9.999999400e-01, v30;
	v33 =	vmul.f32 v33, v56  }
0x106: {  	v24 =	vadd.f32 v24, v24;
	v31 =	vadd.f32 v31, v31;
	v35 =	vmul.f32 $1.442695020e+00, v60  }
0x107: {  	(erf) = vpow2.f32 v22;
	v61 =	vmul.f32 v34, v56;
	v22 =	vadd.f32 $-4.999990460e-01, v33  }
0x108: {  	v24 =	vmul.f32 v30, v24;
	v30 =	vadd.f32 $-1.000000000e+00, v31;
	(erf) = vpow2.f32 v35  }
0x109: {  	v22 =	vmul.f32 v22, v56  }
0x10a: {  	v31 =	vadd.f32 $9.999966020e-01, v61;
	v18 =	vmul.f32 v24, v18;
	v17 =	vmul.f32 v30, v17  }
0x10b: {  	v22 =	vadd.f32 $9.999999400e-01, v22  }
0x10c: {  	v24 =	vmul.f32 v31, v25;
	v17 =	vsub.f32 v17, v18;
	_ =	sdelay $0x1  }
0x10d: {  	v18 =	vmul.f32 v24, v19;
	v17 =	vmul.f32 v17, v22  }
0x10e: {  	v22 =	vpop (erf)  }
0x10f: {  	v19 =	vld.idx.msk [tilespmem:v3+s23+$0x0 ss:$0x1], $0xffff;
	v24 =	vpop (erf);
	v17 =	vsub.f32 v17, v18  }
0x110: {  	v25 =	vpop (erf)  }
0x111: {  	v18 =	vld.idx.msk [tilespmem:v3+s24+$0x0 ss:$0x1], $0xffff;
	v25 =	vsub.f32 $1.000000000e+00, v25;
	v17 =	vadd.f32 $-1.000000000e+00, v17;
	_ =	sdelay $0x1  }
0x112: {  	v30 =	vld.idx.msk [tilespmem:v3+s25+$0x0 ss:$0x1], $0xffff;
	v25 =	vmul.f32 $6.283185480e+00, v25;
	v17 =	vmul.f32 v17, v26  }
0x113: {  	v19 =	vmax.f32 v19, $0.0e+00  }
0x114: {  	v19 =	vadd.f32 $9.999999970e-07, v19;
	v17 =	vmul.f32 $1.442695020e+00, v17;
	(erf) = vrcp.f32 v25  }
0x115: {  	v18 =	vmax.f32 v18, $0.0e+00  }
0x116: {  	v20 =	vadd.f32 v19, v20;
	v18 =	vadd.f32 $9.999999970e-07, v18;
	(erf) = vpow2.f32 v17  }
0x117: {  	v17 =	vmax.f32 v30, $0.0e+00  }
0x118: {  	v20 =	vadd.f32 v18, v20;
	v17 =	vadd.f32 $9.999999970e-07, v17  }
0x119: {  	v16 =	vmul.f32 v28, v16  }
0x11a: {  	v20 =	vadd.f32 v17, v20  }
0x11b: {  	v16 =	vmul.f32 v23, v16;
	v22 =	vmul.f32 v22, v29  }
0x11c: {  	v20 =	vmax.f32 v20, $9.999999740e-06  }
0x11d: {  	v16 =	vmul.f32 v16, v19;
	(erf) = vrcp.f32 v20;
	v19 =	vpop (erf)  }
0x11e: {  	v19 =	vmul.f32 v19, v27  }
0x11f: {  	v20 =	vmul.f32 v24, v22;
	v22 =	vpop (erf)  }
0x120: {  	v19 =	vmul.f32 v22, v19  }
0x121: {  	v16 =	vadd.f32 v16, v21;
	v18 =	vmul.f32 v20, v18  }
0x122: {  	v17 =	vmul.f32 v19, v17  }
0x123: {  	v16 =	vadd.f32 v18, v16;
	_ =	sdelay $0x1  }
0x124: {  	v16 =	vadd.f32 v17, v16  }
0x125: {  	v17 =	vpop (erf)  }
0x126: {  	v16 =	vmul.f32 v17, v16;
	_ =	sdelay $0x1  }
0x127: {  	s23 =	simm.s32 $0x0;
	[tilespmem:$0x8190] =	vst v16  }
0x128: {  	v16 =	vld.idx.msk [tilespmem:v11+s23+$0x0 ss:$0x1], $0xffff;
	_ =	sdelay $0x4  }
0x129: {  	v16 =	vmul.f32 $5.000000000e-01, v16;
	_ =	sdelay $0x1  }
0x12a: {  	v16 =	vadd.f32 $-1.570796370e+00, v16;
	_ =	sdelay $0x1  }
0x12b: {  	v17 =	vld.idx.msk [tilespmem:v10+s23+$0x0 ss:$0x1], $0xffff;
	v18 =	vmul.f32 v16, v16;
	_ =	sdelay $0x1  }
0x12c: {  	v19 =	vmul.f32 $1.836274900e-04, v18  }
0x12d: {  	v20 =	vmul.f32 $2.315317400e-05, v18  }
0x12e: {  	v19 =	vsub.f32 $8.306286300e-03, v19  }
0x12f: {  	v21 =	vadd.f32 $-1.570796370e+00, v17;
	v17 =	vadd.f32 $-1.385366660e-03, v20  }
0x130: {  	v19 =	vmul.f32 v19, v18  }
0x131: {  	s24 =	simm.s32 $0x80;
	v20 =	vmul.f32 v21, v21;
	v17 =	vmul.f32 v17, v18  }
0x132: {  	v24 =	vld.idx.msk [tilespmem:v11+s24+$0x0 ss:$0x1], $0xffff;
	v19 =	vadd.f32 $-1.666482390e-01, v19  }
0x133: {  	v22 =	vmul.f32 $2.315317400e-05, v20;
	v17 =	vadd.f32 $4.166357960e-02, v17  }
0x134: {  	v27 =	vld.idx.msk [tilespmem:v9+s23+$0x0 ss:$0x1], $0xffff;
	v23 =	vmul.f32 $1.836274900e-04, v20;
	v19 =	vmul.f32 v19, v18  }
0x135: {  	v22 =	vadd.f32 $-1.385366660e-03, v22;
	v17 =	vmul.f32 v17, v18  }
0x136: {  	v23 =	vsub.f32 $8.306286300e-03, v23;
	v19 =	vadd.f32 $9.999966020e-01, v19  }
0x137: {  	v24 =	vmul.f32 $5.000000000e-01, v24;
	v22 =	vmul.f32 v22, v20;
	v17 =	vadd.f32 $-4.999990460e-01, v17  }
0x138: {  	v23 =	vmul.f32 v23, v20;
	v19 =	vmul.f32 v19, v16  }
0x139: {  	v22 =	vadd.f32 $4.166357960e-02, v22;
	v16 =	vmax.f32 v27, $9.999999970e-07;
	v25 =	vmul.f32 v17, v18  }
0x13a: {  	v17 =	vld [tilespmem:$0x8020];
	v28 =	vmul.f32 $-2.000000000e+00, v16;
	v26 =	vmul.f32 v19, v19  }
0x13b: {  	v29 =	vadd.f32 $-1.666482390e-01, v23;
	v18 =	vld [tilespmem:$0x80A0];
	v22 =	vmul.f32 v22, v20;
	v25 =	vadd.f32 $9.999999400e-01, v25  }
0x13c: {  	v30 =	vadd.f32 v19, v19;
	v28 =	vmul.f32 $1.442695020e+00, v28;
	v26 =	vadd.f32 v26, v26  }
0x13d: {  	v23 =	vadd.f32 $-1.570796370e+00, v24;
	v29 =	vmul.f32 v29, v20;
	v22 =	vadd.f32 $-4.999990460e-01, v22  }
0x13e: {  	v19 =	vld [tilespmem:$0x8120];
	v25 =	vmul.f32 v25, v30;
	(erf) = vpow2.f32 v28;
	v26 =	vadd.f32 $-1.000000000e+00, v26  }
0x13f: {  	v24 =	vmul.f32 v23, v23;
	v20 =	vmul.f32 v22, v20;
	v28 =	vld.idx.msk [tilespmem:v10+s24+$0x0 ss:$0x1], $0xffff  }
0x140: {  	v22 =	vadd.f32 $9.999966020e-01, v29;
	v25 =	vmul.f32 v25, v18;
	v26 =	vmul.f32 v26, v17  }
0x141: {  	v29 =	vmul.f32 $1.836274900e-04, v24  }
0x142: {  	v21 =	vmul.f32 v22, v21;
	v20 =	vadd.f32 $9.999999400e-01, v20;
	v25 =	vsub.f32 v26, v25  }
0x143: {  	v26 =	vsub.f32 $8.306286300e-03, v29;
	v29 =	vmul.f32 $2.315317400e-05, v24  }
0x144: {  	v21 =	vmul.f32 v21, v19;
	v22 =	vadd.f32 $-1.570796370e+00, v28;
	v20 =	vmul.f32 v25, v20  }
0x145: {  	v26 =	vmul.f32 v26, v24;
	v28 =	vadd.f32 $-1.385366660e-03, v29  }
0x146: {  	v25 =	vmul.f32 v22, v22;
	v21 =	vsub.f32 v20, v21  }
0x147: {  	v20 =	vimm.f32 $0.0e+00;
	v26 =	vadd.f32 $-1.666482390e-01, v26;
	v28 =	vmul.f32 v28, v24;
	v29 =	vpop (erf)  }
0x148: {  	v31 =	vmul.f32 $2.315317400e-05, v25;
	v30 =	vsub.f32 $1.000000000e+00, v29;
	v21 =	vadd.f32 $-1.000000000e+00, v21  }
0x149: {  	s25 =	simm.s32 $0x100;
	v62 =	vmul.f32 $1.836274900e-04, v25;
	v29 =	vmul.f32 v26, v24;
	v63 =	vadd.f32 $4.166357960e-02, v28;
	v26 =	vld.idx.msk [tilespmem:v9+s24+$0x0 ss:$0x1], $0xffff  }
0x14a: {  	v31 =	vadd.f32 $-1.385366660e-03, v31;
	v28 =	vmul.f32 $6.283185480e+00, v30;
	v30 =	vmul.f32 v21, v27;
	v27 =	vld.idx.msk [tilespmem:v11+s25+$0x0 ss:$0x1], $0xffff  }
0x14b: {  	s26 =	simm.s32 $0x600;
	v32 =	vsub.f32 $8.306286300e-03, v62;
	v33 =	vmul.f32 v63, v24;
	v21 =	vimm.f32 $0.0e+00  }
.LBB2_6:
0x14c: {  	p0 =	sne.s32 s26, $0x7E00;
	v29 =	vadd.f32 $9.999966020e-01, v29;
	v34 =	vmul.f32 $1.442695020e+00, v30;
	(erf) = vrcp.f32 v28  }
0x14d: {  	v28 =	vmul.f32 v31, v25;
	v31 =	vmul.f32 v32, v25;
	v32 =	vadd.f32 $-4.999990460e-01, v33  }
0x14e: {  	v30 =	vmovc v26;
	v23 =	vmul.f32 v29, v23;
	v29 =	vmax.f32 v26, $9.999999970e-07;
	(erf) = vpow2.f32 v34  }
0x14f: {  	v26 =	vmul.f32 $5.000000000e-01, v27;
	v27 =	vadd.f32 $4.166357960e-02, v28;
	v24 =	vmul.f32 v32, v24  }
0x150: {  	v28 =	vadd.f32 $-1.666482390e-01, v31;
	v32 =	vmul.f32 $-2.000000000e+00, v29;
	v31 =	vmul.f32 v23, v23;
	v33 =	vld.idx.msk [tilespmem:v8+s23+$0x0 ss:$0x1], $0xffff;
	s23 =	smov.u32 s24;
	s24 =	smov.u32 s25  }
0x151: {  	v34 =	vadd.f32 v23, v23;
	v27 =	vmul.f32 v27, v25;
	v24 =	vadd.f32 $9.999999400e-01, v24  }
0x152: {  	v23 =	vadd.f32 $-1.570796370e+00, v26;
	v35 =	vmul.f32 $1.442695020e+00, v32;
	v26 =	vadd.f32 v31, v31  }
0x153: {  	v28 =	vmul.f32 v28, v25;
	v27 =	vadd.f32 $-4.999990460e-01, v27;
	v32 =	vmul.f32 v24, v34  }
0x154: {  	v24 =	vmul.f32 v23, v23;
	v34 =	vld.idx.msk [tilespmem:v10+s24+$0x0 ss:$0x1], $0xffff;
	v26 =	vadd.f32 $-1.000000000e+00, v26;
	(erf) = vpow2.f32 v35  }
0x155: {  	v25 =	vmul.f32 v27, v25;
	v27 =	vadd.f32 $9.999966020e-01, v28;
	v28 =	vmul.f32 v32, v18;
	v31 =	vpop (erf)  }
0x156: {  	v33 =	vmax.f32 v33, $0.0e+00;
	v26 =	vmul.f32 v26, v17;
	v31 =	vmul.f32 v31, v16;
	v16 =	vmovc v29  }
0x157: {  	v29 =	vmul.f32 $1.836274900e-04, v24;
	v22 =	vmul.f32 v27, v22;
	v27 =	vadd.f32 $9.999999970e-07, v33;
	v32 =	vpop (erf)  }
0x158: {  	v25 =	vadd.f32 $9.999999400e-01, v25;
	v26 =	vsub.f32 v26, v28;
	v28 =	vmul.f32 v32, v31  }
0x159: {  	v29 =	vsub.f32 $8.306286300e-03, v29;
	v31 =	vmul.f32 $2.315317400e-05, v24;
	v32 =	vmul.f32 v22, v19  }
0x15a: {  	v22 =	vadd.f32 $-1.570796370e+00, v34;
	v26 =	vmul.f32 v26, v25;
	v28 =	vmul.f32 v28, v27  }
0x15b: {  	v20 =	vadd.f32 v27, v20;
	v33 =	vmul.f32 v29, v24;
	v31 =	vadd.f32 $-1.385366660e-03, v31  }
0x15c: {  	v25 =	vmul.f32 v22, v22;
	v27 =	vsub.f32 v26, v32;
	v21 =	vadd.f32 v28, v21  }
.Ltmp2:
0x15d: {  	v28 =	vadd.f32 $-1.666482390e-01, v33;
	v31 =	vmul.f32 v31, v24;
	v29 =	vpop (erf);
	(pc) =	sbr.rel @p0 .LBB2_6-.Ltmp2, $4  }
0x15e: {  	s25 =	sshra.s32 s26, $0x2;
	v32 =	vmul.f32 $1.836274900e-04, v25;
	v26 =	vld.idx.msk [tilespmem:v9+s24+$0x0 ss:$0x1], $0xffff;
	v33 =	vsub.f32 $1.000000000e+00, v29;
	v34 =	vadd.f32 $-1.000000000e+00, v27  }
0x15f: {  	v35 =	vmul.f32 $2.315317400e-05, v25;
	v29 =	vmul.f32 v28, v24;
	v36 =	vadd.f32 $4.166357960e-02, v31;
	v27 =	vld.idx.msk [tilespmem:v11+s25+$0x0 ss:$0x1], $0xffff  }
0x160: {  	v28 =	vmul.f32 $6.283185480e+00, v33;
	v30 =	vmul.f32 v34, v30  }
0x161: {  	s26 =	sadd.s32 $0x200, s26;
	v31 =	vadd.f32 $-1.385366660e-03, v35;
	v32 =	vsub.f32 $8.306286300e-03, v32;
	v33 =	vmul.f32 v36, v24  }
0x162: {  	v29 =	vadd.f32 $9.999966020e-01, v29;
	v30 =	vmul.f32 $1.442695020e+00, v30;
	(erf) = vrcp.f32 v28  }
0x163: {  	v31 =	vmul.f32 v31, v25;
	v33 =	vadd.f32 $-4.999990460e-01, v33;
	v32 =	vmul.f32 v32, v25  }
0x164: {  	v23 =	vmul.f32 v29, v23;
	v29 =	vmax.f32 v26, $9.999999970e-07;
	(erf) = vpow2.f32 v30  }
0x165: {  	v27 =	vmul.f32 $5.000000000e-01, v27;
	v28 =	vadd.f32 $4.166357960e-02, v31;
	v24 =	vmul.f32 v33, v24  }
0x166: {  	v54 =	vmul.f32 $-2.000000000e+00, v29;
	v53 =	vmul.f32 v23, v23  }
0x167: {  	v31 =	vadd.f32 $-1.666482390e-01, v32;
	v23 =	vadd.f32 v23, v23;
	v28 =	vmul.f32 v28, v25  }
0x168: {  	v24 =	vadd.f32 $9.999999400e-01, v24;
	v55 =	vmul.f32 $1.442695020e+00, v54;
	v30 =	vadd.f32 v53, v53  }
0x169: {  	v27 =	vadd.f32 $-1.570796370e+00, v27;
	v31 =	vmul.f32 v31, v25;
	v28 =	vadd.f32 $-4.999990460e-01, v28  }
0x16a: {  	v23 =	vmul.f32 v24, v23;
	(erf) = vpow2.f32 v55;
	v24 =	vadd.f32 $-1.000000000e+00, v30  }
0x16b: {  	v30 =	vadd.f32 $9.999966020e-01, v31;
	v31 =	vmul.f32 v27, v27;
	v25 =	vmul.f32 v28, v25  }
0x16c: {  	v28 =	vld.idx.msk [tilespmem:v10+s25+$0x0 ss:$0x1], $0xffff;
	v23 =	vmul.f32 v23, v18;
	v24 =	vmul.f32 v24, v17  }
0x16d: {  	v22 =	vmul.f32 v30, v22  }
0x16e: {  	v30 =	vmul.f32 $2.315317400e-05, v31;
	v25 =	vadd.f32 $9.999999400e-01, v25;
	v23 =	vsub.f32 v24, v23  }
0x16f: {  	v24 =	vmul.f32 $1.836274900e-04, v31  }
0x170: {  	v30 =	vadd.f32 $-1.385366660e-03, v30;
	v23 =	vmul.f32 v23, v25  }
0x171: {  	v22 =	vmul.f32 v22, v19;
	v24 =	vsub.f32 $8.306286300e-03, v24;
	v25 =	vadd.f32 $-1.570796370e+00, v28  }
0x172: {  	v30 =	vmul.f32 v30, v31  }
0x173: {  	v28 =	vpop (erf);
	v22 =	vsub.f32 v23, v22;
	v24 =	vmul.f32 v24, v31;
	v56 =	vmul.f32 v25, v25  }
0x174: {  	v30 =	vadd.f32 $4.166357960e-02, v30;
	v23 =	vpop (erf)  }
0x175: {  	v22 =	vadd.f32 $-1.000000000e+00, v22;
	v24 =	vadd.f32 $-1.666482390e-01, v24;
	v34 =	vmul.f32 $2.315317400e-05, v56;
	v57 =	vpop (erf)  }
0x176: {  	v35 =	vmul.f32 $1.836274900e-04, v56;
	v30 =	vmul.f32 v30, v31;
	v33 =	vsub.f32 $1.000000000e+00, v57  }
0x177: {  	v22 =	vmul.f32 v22, v26;
	v26 =	vld.idx.msk [tilespmem:v9+s25+$0x0 ss:$0x1], $0xffff;
	v24 =	vmul.f32 v24, v31;
	v34 =	vadd.f32 $-1.385366660e-03, v34  }
0x178: {  	v35 =	vsub.f32 $8.306286300e-03, v35;
	v30 =	vadd.f32 $-4.999990460e-01, v30  }
0x179: {  	v33 =	vmul.f32 $6.283185480e+00, v33;
	v24 =	vadd.f32 $9.999966020e-01, v24;
	v22 =	vmul.f32 $1.442695020e+00, v22  }
0x17a: {  	v58 =	vmul.f32 v34, v56;
	v59 =	vmul.f32 v35, v56  }
0x17b: {  	v30 =	vmul.f32 v30, v31;
	v24 =	vmul.f32 v24, v27  }
0x17c: {  	(erf) = vrcp.f32 v33;
	v33 =	vadd.f32 $4.166357960e-02, v58;
	v27 =	vmax.f32 v26, $9.999999970e-07  }
0x17d: {  	v31 =	vmul.f32 v24, v24;
	v60 =	vmul.f32 $-2.000000000e+00, v27  }
0x17e: {  	v34 =	vadd.f32 $-1.666482390e-01, v59;
	v30 =	vadd.f32 $9.999999400e-01, v30;
	v33 =	vmul.f32 v33, v56  }
0x17f: {  	v24 =	vadd.f32 v24, v24;
	v31 =	vadd.f32 v31, v31;
	v35 =	vmul.f32 $1.442695020e+00, v60  }
0x180: {  	(erf) = vpow2.f32 v22;
	v61 =	vmul.f32 v34, v56;
	v22 =	vadd.f32 $-4.999990460e-01, v33  }
0x181: {  	v24 =	vmul.f32 v30, v24;
	v30 =	vadd.f32 $-1.000000000e+00, v31;
	(erf) = vpow2.f32 v35  }
0x182: {  	v22 =	vmul.f32 v22, v56  }
0x183: {  	v31 =	vadd.f32 $9.999966020e-01, v61;
	v18 =	vmul.f32 v24, v18;
	v17 =	vmul.f32 v30, v17  }
0x184: {  	v22 =	vadd.f32 $9.999999400e-01, v22  }
0x185: {  	v24 =	vmul.f32 v31, v25;
	v17 =	vsub.f32 v17, v18;
	_ =	sdelay $0x1  }
0x186: {  	v18 =	vmul.f32 v24, v19;
	v17 =	vmul.f32 v17, v22  }
0x187: {  	v22 =	vpop (erf)  }
0x188: {  	v19 =	vld.idx.msk [tilespmem:v8+s23+$0x0 ss:$0x1], $0xffff;
	v24 =	vpop (erf);
	v17 =	vsub.f32 v17, v18  }
0x189: {  	v25 =	vpop (erf)  }
0x18a: {  	v18 =	vld.idx.msk [tilespmem:v8+s24+$0x0 ss:$0x1], $0xffff;
	v25 =	vsub.f32 $1.000000000e+00, v25;
	v17 =	vadd.f32 $-1.000000000e+00, v17;
	_ =	sdelay $0x1  }
0x18b: {  	v30 =	vld.idx.msk [tilespmem:v8+s25+$0x0 ss:$0x1], $0xffff;
	v25 =	vmul.f32 $6.283185480e+00, v25;
	v17 =	vmul.f32 v17, v26  }
0x18c: {  	v19 =	vmax.f32 v19, $0.0e+00  }
0x18d: {  	v19 =	vadd.f32 $9.999999970e-07, v19;
	v17 =	vmul.f32 $1.442695020e+00, v17;
	(erf) = vrcp.f32 v25  }
0x18e: {  	v18 =	vmax.f32 v18, $0.0e+00  }
0x18f: {  	v20 =	vadd.f32 v19, v20;
	v18 =	vadd.f32 $9.999999970e-07, v18;
	(erf) = vpow2.f32 v17  }
0x190: {  	v17 =	vmax.f32 v30, $0.0e+00  }
0x191: {  	v20 =	vadd.f32 v18, v20;
	v17 =	vadd.f32 $9.999999970e-07, v17  }
0x192: {  	v16 =	vmul.f32 v28, v16  }
0x193: {  	v20 =	vadd.f32 v17, v20  }
0x194: {  	v16 =	vmul.f32 v23, v16;
	v22 =	vmul.f32 v22, v29  }
0x195: {  	v20 =	vmax.f32 v20, $9.999999740e-06  }
0x196: {  	v16 =	vmul.f32 v16, v19;
	(erf) = vrcp.f32 v20;
	v19 =	vpop (erf)  }
0x197: {  	v19 =	vmul.f32 v19, v27  }
0x198: {  	v20 =	vmul.f32 v24, v22;
	v22 =	vpop (erf)  }
0x199: {  	v19 =	vmul.f32 v22, v19  }
0x19a: {  	v16 =	vadd.f32 v16, v21;
	v18 =	vmul.f32 v20, v18  }
0x19b: {  	v17 =	vmul.f32 v19, v17  }
0x19c: {  	v16 =	vadd.f32 v18, v16;
	_ =	sdelay $0x1  }
0x19d: {  	v16 =	vadd.f32 v17, v16  }
0x19e: {  	v17 =	vpop (erf)  }
0x19f: {  	v16 =	vmul.f32 v17, v16;
	_ =	sdelay $0x1  }
0x1a0: {  	s23 =	simm.s32 $0x0;
	[tilespmem:$0x81A0] =	vst v16  }
0x1a1: {  	v16 =	vld.idx.msk [tilespmem:v15+s23+$0x0 ss:$0x1], $0xffff;
	_ =	sdelay $0x4  }
0x1a2: {  	v16 =	vmul.f32 $5.000000000e-01, v16;
	_ =	sdelay $0x1  }
0x1a3: {  	v16 =	vadd.f32 $-1.570796370e+00, v16;
	_ =	sdelay $0x1  }
0x1a4: {  	v17 =	vld.idx.msk [tilespmem:v14+s23+$0x0 ss:$0x1], $0xffff;
	v18 =	vmul.f32 v16, v16;
	_ =	sdelay $0x1  }
0x1a5: {  	v19 =	vmul.f32 $1.836274900e-04, v18  }
0x1a6: {  	v20 =	vmul.f32 $2.315317400e-05, v18  }
0x1a7: {  	v19 =	vsub.f32 $8.306286300e-03, v19  }
0x1a8: {  	v21 =	vadd.f32 $-1.570796370e+00, v17;
	v17 =	vadd.f32 $-1.385366660e-03, v20  }
0x1a9: {  	v19 =	vmul.f32 v19, v18  }
0x1aa: {  	s24 =	simm.s32 $0x80;
	v20 =	vmul.f32 v21, v21;
	v17 =	vmul.f32 v17, v18  }
0x1ab: {  	v24 =	vld.idx.msk [tilespmem:v15+s24+$0x0 ss:$0x1], $0xffff;
	v19 =	vadd.f32 $-1.666482390e-01, v19  }
0x1ac: {  	v22 =	vmul.f32 $2.315317400e-05, v20;
	v17 =	vadd.f32 $4.166357960e-02, v17  }
0x1ad: {  	v27 =	vld.idx.msk [tilespmem:v13+s23+$0x0 ss:$0x1], $0xffff;
	v23 =	vmul.f32 $1.836274900e-04, v20;
	v19 =	vmul.f32 v19, v18  }
0x1ae: {  	v22 =	vadd.f32 $-1.385366660e-03, v22;
	v17 =	vmul.f32 v17, v18  }
0x1af: {  	v23 =	vsub.f32 $8.306286300e-03, v23;
	v19 =	vadd.f32 $9.999966020e-01, v19  }
0x1b0: {  	v24 =	vmul.f32 $5.000000000e-01, v24;
	v22 =	vmul.f32 v22, v20;
	v17 =	vadd.f32 $-4.999990460e-01, v17  }
0x1b1: {  	v23 =	vmul.f32 v23, v20;
	v19 =	vmul.f32 v19, v16  }
0x1b2: {  	v22 =	vadd.f32 $4.166357960e-02, v22;
	v16 =	vmax.f32 v27, $9.999999970e-07;
	v25 =	vmul.f32 v17, v18  }
0x1b3: {  	v17 =	vld [tilespmem:$0x8030];
	v28 =	vmul.f32 $-2.000000000e+00, v16;
	v26 =	vmul.f32 v19, v19  }
0x1b4: {  	v29 =	vadd.f32 $-1.666482390e-01, v23;
	v18 =	vld [tilespmem:$0x80B0];
	v22 =	vmul.f32 v22, v20;
	v25 =	vadd.f32 $9.999999400e-01, v25  }
0x1b5: {  	v30 =	vadd.f32 v19, v19;
	v28 =	vmul.f32 $1.442695020e+00, v28;
	v26 =	vadd.f32 v26, v26  }
0x1b6: {  	v23 =	vadd.f32 $-1.570796370e+00, v24;
	v29 =	vmul.f32 v29, v20;
	v22 =	vadd.f32 $-4.999990460e-01, v22  }
0x1b7: {  	v19 =	vld [tilespmem:$0x8130];
	v25 =	vmul.f32 v25, v30;
	(erf) = vpow2.f32 v28;
	v26 =	vadd.f32 $-1.000000000e+00, v26  }
0x1b8: {  	v24 =	vmul.f32 v23, v23;
	v20 =	vmul.f32 v22, v20;
	v28 =	vld.idx.msk [tilespmem:v14+s24+$0x0 ss:$0x1], $0xffff  }
0x1b9: {  	v22 =	vadd.f32 $9.999966020e-01, v29;
	v25 =	vmul.f32 v25, v18;
	v26 =	vmul.f32 v26, v17  }
0x1ba: {  	v29 =	vmul.f32 $1.836274900e-04, v24  }
0x1bb: {  	v21 =	vmul.f32 v22, v21;
	v20 =	vadd.f32 $9.999999400e-01, v20;
	v25 =	vsub.f32 v26, v25  }
0x1bc: {  	v26 =	vsub.f32 $8.306286300e-03, v29;
	v29 =	vmul.f32 $2.315317400e-05, v24  }
0x1bd: {  	v21 =	vmul.f32 v21, v19;
	v22 =	vadd.f32 $-1.570796370e+00, v28;
	v20 =	vmul.f32 v25, v20  }
0x1be: {  	v26 =	vmul.f32 v26, v24;
	v28 =	vadd.f32 $-1.385366660e-03, v29  }
0x1bf: {  	v25 =	vmul.f32 v22, v22;
	v21 =	vsub.f32 v20, v21  }
0x1c0: {  	v20 =	vimm.f32 $0.0e+00;
	v26 =	vadd.f32 $-1.666482390e-01, v26;
	v28 =	vmul.f32 v28, v24;
	v29 =	vpop (erf)  }
0x1c1: {  	v31 =	vmul.f32 $2.315317400e-05, v25;
	v30 =	vsub.f32 $1.000000000e+00, v29;
	v21 =	vadd.f32 $-1.000000000e+00, v21  }
0x1c2: {  	s25 =	simm.s32 $0x100;
	v62 =	vmul.f32 $1.836274900e-04, v25;
	v29 =	vmul.f32 v26, v24;
	v63 =	vadd.f32 $4.166357960e-02, v28;
	v26 =	vld.idx.msk [tilespmem:v13+s24+$0x0 ss:$0x1], $0xffff  }
0x1c3: {  	v31 =	vadd.f32 $-1.385366660e-03, v31;
	v28 =	vmul.f32 $6.283185480e+00, v30;
	v30 =	vmul.f32 v21, v27;
	v27 =	vld.idx.msk [tilespmem:v15+s25+$0x0 ss:$0x1], $0xffff  }
0x1c4: {  	s26 =	simm.s32 $0x600;
	v32 =	vsub.f32 $8.306286300e-03, v62;
	v33 =	vmul.f32 v63, v24;
	v21 =	vimm.f32 $0.0e+00  }
.LBB2_8:
0x1c5: {  	p0 =	sne.s32 s26, $0x7E00;
	v29 =	vadd.f32 $9.999966020e-01, v29;
	v34 =	vmul.f32 $1.442695020e+00, v30;
	(erf) = vrcp.f32 v28  }
0x1c6: {  	v28 =	vmul.f32 v31, v25;
	v31 =	vmul.f32 v32, v25;
	v32 =	vadd.f32 $-4.999990460e-01, v33  }
0x1c7: {  	v30 =	vmovc v26;
	v23 =	vmul.f32 v29, v23;
	v29 =	vmax.f32 v26, $9.999999970e-07;
	(erf) = vpow2.f32 v34  }
0x1c8: {  	v26 =	vmul.f32 $5.000000000e-01, v27;
	v27 =	vadd.f32 $4.166357960e-02, v28;
	v24 =	vmul.f32 v32, v24  }
0x1c9: {  	v28 =	vadd.f32 $-1.666482390e-01, v31;
	v32 =	vmul.f32 $-2.000000000e+00, v29;
	v31 =	vmul.f32 v23, v23;
	v33 =	vld.idx.msk [tilespmem:v12+s23+$0x0 ss:$0x1], $0xffff;
	s23 =	smov.u32 s24;
	s24 =	smov.u32 s25  }
0x1ca: {  	v34 =	vadd.f32 v23, v23;
	v27 =	vmul.f32 v27, v25;
	v24 =	vadd.f32 $9.999999400e-01, v24  }
0x1cb: {  	v23 =	vadd.f32 $-1.570796370e+00, v26;
	v35 =	vmul.f32 $1.442695020e+00, v32;
	v26 =	vadd.f32 v31, v31  }
0x1cc: {  	v28 =	vmul.f32 v28, v25;
	v27 =	vadd.f32 $-4.999990460e-01, v27;
	v32 =	vmul.f32 v24, v34  }
0x1cd: {  	v24 =	vmul.f32 v23, v23;
	v34 =	vld.idx.msk [tilespmem:v14+s24+$0x0 ss:$0x1], $0xffff;
	v26 =	vadd.f32 $-1.000000000e+00, v26;
	(erf) = vpow2.f32 v35  }
0x1ce: {  	v25 =	vmul.f32 v27, v25;
	v27 =	vadd.f32 $9.999966020e-01, v28;
	v28 =	vmul.f32 v32, v18;
	v31 =	vpop (erf)  }
0x1cf: {  	v33 =	vmax.f32 v33, $0.0e+00;
	v26 =	vmul.f32 v26, v17;
	v31 =	vmul.f32 v31, v16;
	v16 =	vmovc v29  }
0x1d0: {  	v29 =	vmul.f32 $1.836274900e-04, v24;
	v22 =	vmul.f32 v27, v22;
	v27 =	vadd.f32 $9.999999970e-07, v33;
	v32 =	vpop (erf)  }
0x1d1: {  	v25 =	vadd.f32 $9.999999400e-01, v25;
	v26 =	vsub.f32 v26, v28;
	v28 =	vmul.f32 v32, v31  }
0x1d2: {  	v29 =	vsub.f32 $8.306286300e-03, v29;
	v31 =	vmul.f32 $2.315317400e-05, v24;
	v32 =	vmul.f32 v22, v19  }
0x1d3: {  	v22 =	vadd.f32 $-1.570796370e+00, v34;
	v26 =	vmul.f32 v26, v25;
	v28 =	vmul.f32 v28, v27  }
0x1d4: {  	v20 =	vadd.f32 v27, v20;
	v33 =	vmul.f32 v29, v24;
	v31 =	vadd.f32 $-1.385366660e-03, v31  }
0x1d5: {  	v25 =	vmul.f32 v22, v22;
	v27 =	vsub.f32 v26, v32;
	v21 =	vadd.f32 v28, v21  }
.Ltmp3:
0x1d6: {  	v28 =	vadd.f32 $-1.666482390e-01, v33;
	v31 =	vmul.f32 v31, v24;
	v29 =	vpop (erf);
	(pc) =	sbr.rel @p0 .LBB2_8-.Ltmp3, $4  }
0x1d7: {  	s25 =	sshra.s32 s26, $0x2;
	v32 =	vmul.f32 $1.836274900e-04, v25;
	v26 =	vld.idx.msk [tilespmem:v13+s24+$0x0 ss:$0x1], $0xffff;
	v33 =	vsub.f32 $1.000000000e+00, v29;
	v34 =	vadd.f32 $-1.000000000e+00, v27  }
0x1d8: {  	v35 =	vmul.f32 $2.315317400e-05, v25;
	v29 =	vmul.f32 v28, v24;
	v36 =	vadd.f32 $4.166357960e-02, v31;
	v27 =	vld.idx.msk [tilespmem:v15+s25+$0x0 ss:$0x1], $0xffff  }
0x1d9: {  	v28 =	vmul.f32 $6.283185480e+00, v33;
	v30 =	vmul.f32 v34, v30  }
0x1da: {  	s26 =	sadd.s32 $0x200, s26;
	v31 =	vadd.f32 $-1.385366660e-03, v35;
	v32 =	vsub.f32 $8.306286300e-03, v32;
	v33 =	vmul.f32 v36, v24  }
0x1db: {  	v29 =	vadd.f32 $9.999966020e-01, v29;
	v30 =	vmul.f32 $1.442695020e+00, v30  }
0x1dc: {  	(erf) = vrcp.f32 v28;
	v31 =	vmul.f32 v31, v25;
	v33 =	vadd.f32 $-4.999990460e-01, v33  }
0x1dd: {  	v32 =	vmul.f32 v32, v25;
	v23 =	vmul.f32 v29, v23;
	v29 =	vmax.f32 v26, $9.999999970e-07  }
0x1de: {  	(erf) = vpow2.f32 v30;
	v27 =	vmul.f32 $5.000000000e-01, v27;
	v53 =	vadd.f32 $4.166357960e-02, v31  }
0x1df: {  	v24 =	vmul.f32 v33, v24;
	v54 =	vadd.f32 $-1.666482390e-01, v32;
	v55 =	vmul.f32 v23, v23  }
0x1e0: {  	v56 =	vmul.f32 $-2.000000000e+00, v29;
	v23 =	vadd.f32 v23, v23;
	v27 =	vadd.f32 $-1.570796370e+00, v27  }
0x1e1: {  	v61 =	vld.idx.msk [tilespmem:v14+s25+$0x0 ss:$0x1], $0xffff;
	v28 =	vmul.f32 v53, v25;
	v24 =	vadd.f32 $9.999999400e-01, v24;
	v57 =	vadd.f32 v55, v55  }
0x1e2: {  	v58 =	vmul.f32 $1.442695020e+00, v56;
	v63 =	vmul.f32 v27, v27  }
0x1e3: {  	v31 =	vmul.f32 v54, v25;
	v23 =	vmul.f32 v24, v23;
	v59 =	vadd.f32 $-1.000000000e+00, v57  }
0x1e4: {  	(erf) = vpow2.f32 v58;
	v35 =	vmul.f32 $1.836274900e-04, v63  }
0x1e5: {  	v28 =	vadd.f32 $-4.999990460e-01, v28;
	v23 =	vmul.f32 v23, v18;
	v24 =	vmul.f32 v59, v17  }
0x1e6: {  	v37 =	vadd.f32 $-1.570796370e+00, v61;
	v62 =	vadd.f32 $9.999966020e-01, v31;
	v36 =	vmul.f32 $2.315317400e-05, v63  }
0x1e7: {  	v60 =	vmul.f32 v28, v25;
	v23 =	vsub.f32 v24, v23;
	v24 =	vsub.f32 $8.306286300e-03, v35  }
0x1e8: {  	v40 =	vmul.f32 v37, v37;
	v30 =	vadd.f32 $-1.385366660e-03, v36  }
0x1e9: {  	v22 =	vmul.f32 v62, v22;
	v25 =	vadd.f32 $9.999999400e-01, v60;
	v24 =	vmul.f32 v24, v63  }
0x1ea: {  	v34 =	vmul.f32 $2.315317400e-05, v40;
	v30 =	vmul.f32 v30, v63  }
0x1eb: {  	v38 =	vpop (erf);
	v22 =	vmul.f32 v22, v19;
	v23 =	vmul.f32 v23, v25;
	v24 =	vadd.f32 $-1.666482390e-01, v24  }
0x1ec: {  	v42 =	vld.idx.msk [tilespmem:v13+s25+$0x0 ss:$0x1], $0xffff;
	v39 =	vpop (erf);
	v35 =	vmul.f32 $1.836274900e-04, v40;
	v30 =	vadd.f32 $4.166357960e-02, v30  }
0x1ed: {  	v34 =	vadd.f32 $-1.385366660e-03, v34;
	v22 =	vsub.f32 v23, v22;
	v41 =	vpop (erf);
	v24 =	vmul.f32 v24, v63  }
0x1ee: {  	v35 =	vsub.f32 $8.306286300e-03, v35;
	v30 =	vmul.f32 v30, v63;
	v33 =	vsub.f32 $1.000000000e+00, v41  }
0x1ef: {  	v43 =	vmul.f32 v34, v40;
	v22 =	vadd.f32 $-1.000000000e+00, v22;
	v24 =	vadd.f32 $9.999966020e-01, v24  }
0x1f0: {  	v44 =	vmul.f32 v35, v40;
	v30 =	vadd.f32 $-4.999990460e-01, v30;
	v33 =	vmul.f32 $6.283185480e+00, v33  }
0x1f1: {  	v45 =	vmax.f32 v42, $9.999999970e-07;
	v22 =	vmul.f32 v22, v26;
	v24 =	vmul.f32 v24, v27  }
0x1f2: {  	v30 =	vmul.f32 v30, v63;
	(erf) = vrcp.f32 v33;
	v33 =	vadd.f32 $4.166357960e-02, v43  }
0x1f3: {  	v47 =	vmul.f32 $-2.000000000e+00, v45;
	v34 =	vadd.f32 $-1.666482390e-01, v44;
	v46 =	vmul.f32 v24, v24  }
0x1f4: {  	v22 =	vmul.f32 $1.442695020e+00, v22;
	v30 =	vadd.f32 $9.999999400e-01, v30;
	v33 =	vmul.f32 v33, v40  }
0x1f5: {  	v35 =	vmul.f32 $1.442695020e+00, v47;
	v24 =	vadd.f32 v24, v24;
	v31 =	vadd.f32 v46, v46  }
0x1f6: {  	v49 =	vmul.f32 v34, v40;
	(erf) = vpow2.f32 v22;
	v48 =	vadd.f32 $-4.999990460e-01, v33  }
0x1f7: {  	(erf) = vpow2.f32 v35;
	v24 =	vmul.f32 v30, v24;
	v50 =	vadd.f32 $-1.000000000e+00, v31  }
0x1f8: {  	v22 =	vmul.f32 v48, v40  }
0x1f9: {  	v51 =	vadd.f32 $9.999966020e-01, v49;
	v52 =	vmul.f32 v24, v18;
	v17 =	vmul.f32 v50, v17;
	_ =	sdelay $0x1  }
0x1fa: {  	v53 =	vmul.f32 v51, v37;
	v22 =	vadd.f32 $9.999999400e-01, v22;
	v17 =	vsub.f32 v17, v52;
	_ =	sdelay $0x1  }
0x1fb: {  	v54 =	vmul.f32 v53, v19;
	v17 =	vmul.f32 v17, v22  }
0x1fc: {  	v56 =	vpop (erf)  }
0x1fd: {  	v55 =	vld.idx.msk [tilespmem:v12+s23+$0x0 ss:$0x1], $0xffff;
	v57 =	vpop (erf);
	v17 =	vsub.f32 v17, v54  }
0x1fe: {  	v59 =	vpop (erf)  }
0x1ff: {  	v58 =	vld.idx.msk [tilespmem:v12+s24+$0x0 ss:$0x1], $0xffff;
	v25 =	vsub.f32 $1.000000000e+00, v59;
	v17 =	vadd.f32 $-1.000000000e+00, v17;
	_ =	sdelay $0x1  }
0x200: {  	v60 =	vld.idx.msk [tilespmem:v12+s25+$0x0 ss:$0x1], $0xffff;
	v25 =	vmul.f32 $6.283185480e+00, v25;
	v17 =	vmul.f32 v17, v42  }
0x201: {  	v19 =	vmax.f32 v55, $0.0e+00  }
0x202: {  	v19 =	vadd.f32 $9.999999970e-07, v19;
	(erf) = vrcp.f32 v25;
	v17 =	vmul.f32 $1.442695020e+00, v17  }
0x203: {  	v18 =	vmax.f32 v58, $0.0e+00  }
0x204: {  	v20 =	vadd.f32 v19, v20;
	v18 =	vadd.f32 $9.999999970e-07, v18;
	(erf) = vpow2.f32 v17  }
0x205: {  	v17 =	vmax.f32 v60, $0.0e+00  }
0x206: {  	v20 =	vadd.f32 v18, v20;
	v17 =	vadd.f32 $9.999999970e-07, v17;
	_ =	sdelay $0x1  }
0x207: {  	v16 =	vmul.f32 v38, v16;
	v20 =	vadd.f32 v17, v20;
	_ =	sdelay $0x1  }
0x208: {  	v16 =	vmul.f32 v39, v16;
	v20 =	vmax.f32 v20, $9.999999740e-06  }
0x209: {  	v22 =	vmul.f32 v56, v29;
	v61 =	vpop (erf);
	(erf) = vrcp.f32 v20  }
0x20a: {  	v16 =	vmul.f32 v16, v19;
	v19 =	vmul.f32 v61, v45  }
0x20b: {  	v62 =	vmul.f32 v57, v22;
	v63 =	vpop (erf)  }
0x20c: {  	v19 =	vmul.f32 v63, v19  }
0x20d: {  	v16 =	vadd.f32 v16, v21;
	v18 =	vmul.f32 v62, v18  }
0x20e: {  	v17 =	vmul.f32 v19, v17  }
0x20f: {  	v16 =	vadd.f32 v18, v16;
	_ =	sdelay $0x1  }
0x210: {  	v16 =	vadd.f32 v17, v16  }
0x211: {  	v17 =	vpop (erf)  }
0x212: {  	s22 =	sadd.s32 $0x1, s22;
	v16 =	vmul.f32 v17, v16  }
0x213: {  	p0 =	sne.s32 s22, s12  }
.Ltmp4:
0x214: {  	[tilespmem:$0x81B0] =	vst v16;
	(pc) =	sbr.rel @p0 .LBB2_1-.Ltmp4, $4  }
0x215: {  	[hbm4b:s11+s2] =	stream.linear.scatter [tilespmem:s21], [sflag:$0x1], $0x40, $0x38;
	[tilespmem:$0x8200] =	vst v63  }
0x216: {  	_ =	swait.ge [sflag:s3], $0x40  }
0x217: {  	[sflag:s3] =	ssyncset.done $0x0  }
0x218: {  	[sflag:s3] =	ssyncadd.s32 $0xFFFFFFC0  }
0x219: {  	_ =	sfence.sel $0x180000  }
0x21a: {  	[bflag:$0x0] =	sbarrier.arrive $0xFFFF  }
0x21b: {  	p0 =	sne.s32 s0, $0x0;
	_ =	strace $0x90000047  }
0x21c: {  	s0 =	sadd.s32 @!p0 $0x100000, s1;
	[bflag:$0x2] =	sbarrier.arrive $0xFFFF  }
0x21d: {  	[sflag:s0] =	ssyncadd.tile.s32 @!p0 $0x1;
	_ =	shalt  }
.Lfunc_end2:
_tile_overlayer_lowered:
.L_overlay_start_2:
0x21e: {  	(tag) =	ssettag $0x2  }
0x21f: {  	s0 =	rddreg [dreg:$0x0];
	s2 =	stileid.u32  }
0x220: {  	s1 =	rddreg [dreg:$0x1];
	p0 =	sne.s32 s2, $0x0  }
0x221: {  	s3 =	rddreg [dreg:$0x2];
	[bflag:$0x3] =	sbarrier.arrive $0xFFFF;
	s2 =	simm.s32 @!p0 $0x1C01  }
0x222: {  	[timem:s3], [sflag:s2] =	dma.local @!p0 [hbm:s0], s1  }
0x223: {  	s0 =	simm.s32 @!p0 $0x1  }
0x224: {  	_ =	swait.ge @!p0 [sflag:s0], s1  }
0x225: {  	s1 =	ssub.s32 @!p0 $0x0, s1;
	[sflag:s0] =	ssyncset.done @!p0 $0x0  }
0x226: {  	[sflag:s0] =	ssyncadd.s32 @!p0 s1  }
0x227: {  	[bflag:$0x3] =	sbarrier.arrive $0xFFFF  }
0x228: {  	_ =	shalt  }

</sc_bundles>
